<compile_context>
chip_gen: v7x
topology: tpu7x:2x2x1
jax: 0.10.2.dev20260603
libtpu: 0.0.44.dev20260713+nightly
codegen_flags: <defaults>
</compile_context>

<pallas_src>
import functools

import jax
import jax.numpy as jnp
from jax import lax
from jax.experimental import pallas as pl
from jax.experimental.pallas import tpu as pltpu
from jax.experimental.pallas import tpu_sc as plsc

N = 50000
D = 64
H = 32
L = 4
E = 50000
BK = 128
EPAD = 51200
NBT = EPAD // BK
NS = 16
NC = 2
NBW = NBT // NS
NPAD = 50176
CH = NPAD // NS
CH8 = CH // 8
CHA = N // NS
ZR = 448
BN = 2000
GRID = N // BN
BT = 2048
GRIDT = -(-N // BT)



@functools.cache
def _get_deg_kernel():
  mesh = plsc.VectorSubcoreMesh(core_axis_name="c", subcore_axis_name="s",
                                num_cores=NC, num_subcores=NS)

  @functools.partial(
      pl.kernel,
      out_type=jax.ShapeDtypeStruct((NC, NPAD, 16), jnp.float32),
      mesh=mesh,
      compiler_params=pltpu.CompilerParams(use_tc_tiling_on_sc=False),
      scratch_types=[
          pltpu.VMEM((NBW, BK), jnp.int32),
          pltpu.VMEM((BK, 16), jnp.float32),
          pltpu.VMEM((CH8, 16), jnp.float32),
          pltpu.VMEM_SHARED((NPAD, 16), jnp.float32),
      ],
  )
  def _deg_kernel(cols_hbm, deg_hbm, coli, ones_b, zbuf, acc):
    c = lax.axis_index("c")
    s = lax.axis_index("s")
    pltpu.sync_copy(cols_hbm.at[c, pl.ds(s * NBW, NBW)], coli)

    one16 = jnp.full((16,), 1.0, jnp.float32)
    zero16 = jnp.zeros((16,), jnp.float32)

    def fill_ones(i, carry):
        ones_b[i] = one16
        return carry

    lax.fori_loop(0, BK, fill_ones, 0)

    def fill_zero(i, carry):
        zbuf[i] = zero16
        return carry

    lax.fori_loop(0, CH8, fill_zero, 0)
    for k in range(8):
        pltpu.sync_copy(zbuf, acc.at[pl.ds(s * CH + k * CH8, CH8)])
    plsc.subcore_barrier()

    def scat(j, carry):
        pltpu.sync_copy(ones_b, acc.at[coli.at[j]], add=True)
        return carry

    lax.fori_loop(0, NBW, scat, 0)
    plsc.subcore_barrier()
    pltpu.sync_copy(acc.at[pl.ds(s * CH, CH)], deg_hbm.at[c, pl.ds(s * CH, CH)])

  return _deg_kernel


@functools.cache
def _get_agg_kernel():
  mesh = plsc.VectorSubcoreMesh(core_axis_name="c", subcore_axis_name="s",
                                num_cores=NC, num_subcores=NS)

  @functools.partial(
      pl.kernel,
      out_type=jax.ShapeDtypeStruct((N, 2 * D), jnp.float32),
      mesh=mesh,
      compiler_params=pltpu.CompilerParams(use_tc_tiling_on_sc=False),
      scratch_types=[
          pltpu.VMEM((NBW, BK), jnp.int32),
          pltpu.VMEM((NBW, BK), jnp.int32),
          pltpu.VMEM((BK, H), jnp.float32),
          pltpu.VMEM((BK, H), jnp.float32),
          pltpu.VMEM((ZR, H), jnp.float32),
          pltpu.VMEM_SHARED((NPAD, H), jnp.float32),
          pltpu.SemaphoreType.DMA,
          pltpu.SemaphoreType.DMA,
      ],
  )
  def _agg_kernel(v2_hbm, rows_ui_hbm, cols_ui_hbm,
                  rows_iu_hbm, cols_iu_hbm, out_hbm,
                  rowi, coli, gbuf0, gbuf1, zbuf, acc, sem0, sem1):
    c = lax.axis_index("c")
    s = lax.axis_index("s")

    zero16 = jnp.zeros((16,), jnp.float32)

    def fill_zero(t, carry):
        zbuf[t // 2, pl.ds((t % 2) * 16, 16)] = zero16
        return carry

    lax.fori_loop(0, ZR * 2, fill_zero, 0)

    def run(vslot, oslot):
        zd = [pltpu.async_copy(zbuf, acc.at[pl.ds(s * CH + k * ZR, ZR)], sem0)
              for k in range(CH // ZR)]

        def scale(t, carry):
            j = t // 8
            tt = (t % 8) * 16
            vec = rowi[j, pl.ds(tt, 16)]
            rowi[j, pl.ds(tt, 16)] = vec * 4 + vslot
            return carry

        lax.fori_loop(0, NBW * 8, scale, 0)
        for d in zd:
            d.wait()
        plsc.subcore_barrier()
        pltpu.sync_copy(v2_hbm.at[rowi.at[0]], gbuf0)

        def body(j2, carry):
            b0 = j2 * 2
            d1 = pltpu.async_copy(v2_hbm.at[rowi.at[b0 + 1]], gbuf1, sem1)
            pltpu.sync_copy(gbuf0, acc.at[coli.at[b0]], add=True)
            d1.wait()
            d2 = pltpu.async_copy(v2_hbm.at[rowi.at[b0 + 2]], gbuf0, sem0)
            pltpu.sync_copy(gbuf1, acc.at[coli.at[b0 + 1]], add=True)
            d2.wait()
            return carry

        lax.fori_loop(0, (NBW - 1) // 2, body, 0)
        pltpu.sync_copy(gbuf0, acc.at[coli.at[NBW - 1]], add=True)
        plsc.subcore_barrier()
        pltpu.sync_copy(acc.at[pl.ds(s * CHA, CHA)],
                        out_hbm.at[pl.ds(s * CHA, CHA), pl.ds(oslot * H, H)])

    def rel(rows_hbm, cols_hbm, vbase, obase):
        pltpu.sync_copy(rows_hbm.at[pl.ds(s * NBW, NBW)], rowi)
        pltpu.sync_copy(cols_hbm.at[pl.ds(s * NBW, NBW)], coli)
        run(vbase + c, obase + c)

    rel(rows_ui_hbm, cols_ui_hbm, 0, 2)
    rel(rows_iu_hbm, cols_iu_hbm, 2, 0)

  return _agg_kernel



def _rep(shape):
    nd = len(shape)
    return pl.BlockSpec(shape, lambda i, _n=nd: (0,) * _n)


def _pre_body(xu3, xi3, eau3, eai3, w_ui0, w_ui1, w_iu0, w_iu1,
              bu0, bu1, bi0, bi1,
              xu_o, xi_o, eau_o, cu0_o, cu1_o, ci0_o, ci1_o):
    xu = jnp.transpose(jnp.mean(xu3[...], axis=0))
    xi = jnp.transpose(jnp.mean(xi3[...], axis=0))
    eau = jnp.transpose(jnp.mean(eau3[...], axis=0))
    eai = jnp.transpose(jnp.mean(eai3[...], axis=0))
    xu_o[...] = xu
    xi_o[...] = xi
    eau_o[...] = eau

    def lin(a, w, b):
        return jnp.dot(a, w[...], preferred_element_type=jnp.float32) + b[...]

    cu0_o[...] = lin(eau, w_ui0, bu0)
    cu1_o[...] = lin(eau, w_ui1, bu1)
    ci0_o[...] = lin(eai, w_iu0, bi0)
    ci1_o[...] = lin(eai, w_iu1, bi1)


def _pre_call(xu3t, xi3t, eau3t, eai3t, ws, bs):
    big = pl.BlockSpec((L, D, BT), lambda i: (0, 0, i))
    nd = jax.ShapeDtypeStruct((N, D), jnp.float32)
    return pl.pallas_call(
        _pre_body,
        grid=(GRIDT,),
        in_specs=[big] * 4 + [_rep((D, D))] * 4 + [_rep((1, D))] * 4,
        out_specs=[pl.BlockSpec((BT, D), lambda i: (i, 0))] * 7,
        out_shape=[nd] * 7,
    )(xu3t, xi3t, eau3t, eai3t, *ws, *bs)


def _v_body(packed, *refs):
    if packed:
        (pk, vprev, w_ui, w_iu, cu, ci, du, di, vp_o) = refs
        xu = pk[:, :D] + vprev[:, D:]
        xi = pk[:, D:] + vprev[:, :D]
    else:
        (xur, xir, w_ui, w_iu, cu, ci, du, di, vp_o) = refs
        xu = xur[...]
        xi = xir[...]
    yu = lax.rsqrt(du[...] + 1.0) * (
        jnp.dot(xu, w_ui[...], preferred_element_type=jnp.float32) + cu[...])
    yi = lax.rsqrt(di[...] + 1.0) * (
        jnp.dot(xi, w_iu[...], preferred_element_type=jnp.float32) + ci[...])
    vp_o[...] = jnp.concatenate([yu, yi], axis=1)


def _v_call(packed, xs, w_ui, w_iu, cu, ci, du, di):
    blk = pl.BlockSpec((BN, D), lambda i: (i, 0))
    pk = pl.BlockSpec((BN, 2 * D), lambda i: (i, 0))
    deg = pl.BlockSpec((BN, 1), lambda i: (i, 0))
    x_specs = [pk, pk] if packed else [blk] * 2
    return pl.pallas_call(
        functools.partial(_v_body, packed),
        grid=(GRID,),
        in_specs=x_specs + [_rep((D, D))] * 2 + [blk] * 2 + [deg] * 2,
        out_specs=pk,
        out_shape=jax.ShapeDtypeStruct((N, 2 * D), jnp.float32),
    )(*xs, w_ui, w_iu, cu, ci, du, di)


def _fin_body(xu, xi, p1, p2, v0, v1, eau, wf1, bf1, wf2r, bf2, out):
    u = xu[...] + p1[:, :D] + v0[:, D:] + p2[:, :D] + v1[:, D:]
    it = xi[...] + p1[:, D:] + v0[:, :D] + p2[:, D:] + v1[:, :D]
    sv = (u + it) * (1.0 / 3.0) + 4.0 * eau[...]
    h = jnp.dot(sv, wf1[...], preferred_element_type=jnp.float32) + bf1[...]
    h = jnp.where(h >= 0, h, 0.01 * h)
    out[...] = jnp.sum(h * wf2r[...], axis=1, keepdims=True) + bf2[...]


def kernel(x_user, x_item, edge_attr_ui, edge_attr_iu,
           edge_index_ui, edge_index_iu,
           W1_ui0, b1_ui0, W2_ui0, b2_ui0, W3_ui0, b3_ui0,
           W1_iu0, b1_iu0, W2_iu0, b2_iu0, W3_iu0, b3_iu0,
           W1_ui1, b1_ui1, W2_ui1, b2_ui1, W3_ui1, b3_ui1,
           W1_iu1, b1_iu1, W2_iu1, b2_iu1, W3_iu1, b3_iu1,
           Wf1, bf1, Wf2, bf2):
    ei_ui = edge_index_ui.astype(jnp.int32)
    ei_iu = edge_index_iu.astype(jnp.int32)
    pad_r = jnp.zeros((EPAD - E,), jnp.int32)
    pad_c = jnp.full((EPAD - E,), N, jnp.int32)
    rows_ui = jnp.concatenate([ei_ui[0], pad_r]).reshape(NBT, BK)
    cols_ui = jnp.concatenate([ei_ui[1], pad_c]).reshape(NBT, BK)
    rows_iu = jnp.concatenate([ei_iu[0], pad_r]).reshape(NBT, BK)
    cols_iu = jnp.concatenate([ei_iu[1], pad_c]).reshape(NBT, BK)
    cols2 = jnp.stack([cols_ui, cols_iu])

    degc = _get_deg_kernel()(cols2)
    du = degc[0, :N, 0:1]
    di = degc[1, :N, 0:1]

    bsu0 = (b1_ui0 + b3_ui0).reshape(1, D)
    bsu1 = (b1_ui1 + b3_ui1).reshape(1, D)
    bsi0 = (b1_iu0 + b3_iu0).reshape(1, D)
    bsi1 = (b1_iu1 + b3_iu1).reshape(1, D)
    tr = lambda a: jnp.transpose(a, (1, 2, 0))
    xu, xi, eau, cu0, cu1, ci0, ci1 = _pre_call(
        tr(x_user), tr(x_item), tr(edge_attr_ui), tr(edge_attr_iu),
        (W3_ui0, W3_ui1, W3_iu0, W3_iu1), (bsu0, bsu1, bsi0, bsi1))

    agg = _get_agg_kernel()

    def agg_call(vpack):
        v2 = vpack.reshape(4 * N, H)
        return agg(v2, rows_ui, cols_ui, rows_iu, cols_iu)

    vp0 = _v_call(False, (xu, xi), W1_ui0, W1_iu0, cu0, ci0, du, di)
    pk1 = agg_call(vp0)

    vp1 = _v_call(True, (pk1, vp0), W1_ui1, W1_iu1, cu1, ci1, du, di)
    pk2 = agg_call(vp1)

    blk = pl.BlockSpec((BN, D), lambda i: (i, 0))
    pk = pl.BlockSpec((BN, 2 * D), lambda i: (i, 0))
    logits = pl.pallas_call(
        _fin_body,
        grid=(GRID,),
        in_specs=[blk, blk, pk, pk, pk, pk, blk, _rep((D, D)),
                  _rep((1, D)), _rep((1, D)), _rep((1, 1))],
        out_specs=pl.BlockSpec((BN, 1), lambda i: (i, 0)),
        out_shape=jax.ShapeDtypeStruct((N, 1), jnp.float32),
    )(xu, xi, pk1, pk2, vp0, vp1, eau,
      Wf1, bf1.reshape(1, D), Wf2.reshape(1, D), bf2.reshape(1, 1))
    return logits

# --- scband reference (transcript-rebuilt; emitter-appended) ---
"""Pipeline reference for scband-hetero-gnn-18433999634760 (READ-ONLY COPY).

The authoritative reference and input builder live on the scoring server;
editing this copy changes nothing except your own understanding.
"""

import jax, jax.numpy as jnp
import numpy as np

N = 50000
L = 4
D = 64
LAYERS = 2

def _linear_params(key, din, dout):
    k1, k2 = jax.random.split(key)
    lim = 1.0 / np.sqrt(din)
    W = jax.random.uniform(k1, (din, dout), minval=-lim, maxval=lim, dtype=jnp.float32)
    b = jax.random.uniform(k2, (dout,), minval=-lim, maxval=lim, dtype=jnp.float32)
    return W, b

def setup_inputs(seed=0):
    key = jax.random.key(seed)
    ks = jax.random.split(key, 40)
    inp = {}
    inp["x_user"] = jax.random.normal(ks[0], (N, L, D), dtype=jnp.float32)
    inp["x_item"] = jax.random.normal(ks[1], (N, L, D), dtype=jnp.float32)
    inp["edge_attr_ui"] = jax.random.normal(ks[2], (N, L, D), dtype=jnp.float32)
    inp["edge_attr_iu"] = jax.random.normal(ks[3], (N, L, D), dtype=jnp.float32)
    inp["edge_index_ui"] = jax.random.randint(ks[4], (2, N), 0, N)
    inp["edge_index_iu"] = jax.random.randint(ks[5], (2, N), 0, N)
    i = 6
    for l in range(LAYERS):
        for rel in ("ui", "iu"):
            for j in (1, 2, 3):
                W, b = _linear_params(ks[i], D, D); i += 1
                inp["W%d_%s%d" % (j, rel, l)] = W
                inp["b%d_%s%d" % (j, rel, l)] = b
    Wf1, bf1 = _linear_params(ks[i], D, D); i += 1
    Wf2, bf2 = _linear_params(ks[i], D, 1); i += 1
    inp["Wf1"] = Wf1; inp["bf1"] = bf1; inp["Wf2"] = Wf2; inp["bf2"] = bf2
    return inp

def _bipartite_conv(src, dst, edge_attr, edge_index, W1, b1, W2, b2, W3, b3):
    # faithful port of BipartiteEdgeConv.forward + message (aggr='add')
    n_src = src.shape[0]
    loop = jnp.arange(n_src, dtype=edge_index.dtype)
    row = jnp.concatenate([edge_index[0], loop])  # add_self_loops(num_nodes=n_src)
    col = jnp.concatenate([edge_index[1], loop])
    src_l = src @ W1 + b1
    dst_l = dst @ W2 + b2  # computed in original code but never used by message()
    ea = jnp.mean(edge_attr @ W3 + b3, axis=1)  # [E, D]
    deg = jnp.zeros((n_src,), src.dtype).at[col].add(jnp.ones((col.shape[0],), src.dtype))
    dis = jnp.where(deg > 0, deg ** -0.5, 0.0)
    norm = dis[row]
    # PyG '_j' lifting indexes edge_attr by the source node index (row)
    msg = norm[:, None] * (src_l[row] + ea[row])
    out = jnp.zeros((dst.shape[0], src_l.shape[1]), src.dtype).at[col].add(msg)
    return out

def _forward(fl, ints):
    x_user = jnp.mean(fl["x_user"], axis=1)
    x_item = jnp.mean(fl["x_item"], axis=1)
    user_outs = [x_user]
    item_outs = [x_item]
    for l in range(LAYERS):
        item_new = _bipartite_conv(x_user, x_item, fl["edge_attr_ui"], ints["edge_index_ui"],
                                   fl["W1_ui%d" % l], fl["b1_ui%d" % l], fl["W2_ui%d" % l],
                                   fl["b2_ui%d" % l], fl["W3_ui%d" % l], fl["b3_ui%d" % l])
        user_new = _bipartite_conv(x_item, x_user, fl["edge_attr_iu"], ints["edge_index_iu"],
                                   fl["W1_iu%d" % l], fl["b1_iu%d" % l], fl["W2_iu%d" % l],
                                   fl["b2_iu%d" % l], fl["W3_iu%d" % l], fl["b3_iu%d" % l])
        x_user, x_item = user_new, item_new
        user_outs.append(x_user)
        item_outs.append(x_item)
    us = jnp.stack(user_outs)  # [LAYERS+1, N, D]
    it = jnp.stack(item_outs)
    # torch: 1/len(tensor + 1) == 1/(LAYERS+1) since len() is the leading dim
    a_user = 1.0 / us.shape[0]
    a_item = 1.0 / it.shape[0]
    user_final = jnp.sum(us * a_user, axis=0)[:, None, :]  # [N, 1, D]
    item_final = jnp.sum(it * a_item, axis=0)[:, None, :]
    final_cat = jnp.concatenate([user_final, item_final, fl["edge_attr_ui"]], axis=1)  # [N, 2+L, D]
    s = jnp.sum(final_cat, axis=1)  # [N, D]
    h = s @ fl["Wf1"] + fl["bf1"]
    h = jnp.where(h >= 0, h, 0.01 * h)  # LeakyReLU
    logits = h @ fl["Wf2"] + fl["bf2"]  # [N, 1]
    return logits

def reference(x_user, x_item, edge_attr_ui, edge_attr_iu, edge_index_ui, edge_index_iu,
              W1_ui0, b1_ui0, W2_ui0, b2_ui0, W3_ui0, b3_ui0,
              W1_iu0, b1_iu0, W2_iu0, b2_iu0, W3_iu0, b3_iu0,
              W1_ui1, b1_ui1, W2_ui1, b2_ui1, W3_ui1, b3_ui1,
              W1_iu1, b1_iu1, W2_iu1, b2_iu1, W3_iu1, b3_iu1,
              Wf1, bf1, Wf2, bf2):
    inp = dict(
        x_user=x_user, x_item=x_item,
        edge_attr_ui=edge_attr_ui, edge_attr_iu=edge_attr_iu,
        edge_index_ui=edge_index_ui, edge_index_iu=edge_index_iu,
        W1_ui0=W1_ui0, b1_ui0=b1_ui0, W2_ui0=W2_ui0, b2_ui0=b2_ui0, W3_ui0=W3_ui0, b3_ui0=b3_ui0,
        W1_iu0=W1_iu0, b1_iu0=b1_iu0, W2_iu0=W2_iu0, b2_iu0=b2_iu0, W3_iu0=W3_iu0, b3_iu0=b3_iu0,
        W1_ui1=W1_ui1, b1_ui1=b1_ui1, W2_ui1=W2_ui1, b2_ui1=b2_ui1, W3_ui1=W3_ui1, b3_ui1=b3_ui1,
        W1_iu1=W1_iu1, b1_iu1=b1_iu1, W2_iu1=W2_iu1, b2_iu1=b2_iu1, W3_iu1=W3_iu1, b3_iu1=b3_iu1,
        Wf1=Wf1, bf1=bf1, Wf2=Wf2, bf2=bf2,
    )
    int_keys = ("edge_index_ui", "edge_index_iu")
    ints = {k: inp[k] for k in int_keys}
    fl = {k: v for k, v in inp.items() if k not in int_keys}
    return _forward(fl, ints)

if __name__ == "__main__":
    import jax
    _d = setup_inputs()
    print(jax.jit(kernel)(*tuple(_d.values())))

</pallas_src>

<mosaic_0001>
#map = affine_map<(d0, d1) -> (0, 0)>
module attributes {stable_mosaic.version = 14 : i64} {
  func.func @_agg_kernel(%arg0: i32, %arg1: i32, %arg2: memref<200000x32xf32, #tpu.memory_space<hbm>>, %arg3: memref<400x128xi32, #tpu.memory_space<hbm>>, %arg4: memref<400x128xi32, #tpu.memory_space<hbm>>, %arg5: memref<400x128xi32, #tpu.memory_space<hbm>>, %arg6: memref<400x128xi32, #tpu.memory_space<hbm>>, %arg7: memref<50000x128xf32, #tpu.memory_space<hbm>>, %arg8: memref<25x128xi32, #tpu.memory_space<vmem>>, %arg9: memref<25x128xi32, #tpu.memory_space<vmem>>, %arg10: memref<128x32xf32, #tpu.memory_space<vmem>>, %arg11: memref<128x32xf32, #tpu.memory_space<vmem>>, %arg12: memref<448x32xf32, #tpu.memory_space<vmem>>, %arg13: memref<50176x32xf32, #tpu.memory_space<vmem_shared>>, %arg14: memref<!tpu.dma_semaphore, #tpu.memory_space<semaphore_mem>>, %arg15: memref<!tpu.dma_semaphore, #tpu.memory_space<semaphore_mem>>) attributes {dimension_semantics = [#tpu.dimension_semantics<core_parallel>, #tpu.dimension_semantics<subcore_parallel>], iteration_bounds = array<i64: 2, 16>, scalar_prefetch = 0 : i64, scratch_operands = 8 : i64, tpu.core_type = #tpu.core_type<sc_vector_subcore>, window_params = [{transform_indices = #map}, {transform_indices = #map}, {transform_indices = #map}, {transform_indices = #map}, {transform_indices = #map}, {transform_indices = #map}]} {
    %broadcast_in_dim3A = arith.constant 0.000000e+00 : f32
    %broadcast_in_dim3A_0 = vector.broadcast %broadcast_in_dim3A : f32 to vector<16xf32>
    %scan3A = arith.constant 0 : i32
    %scan3A_1 = arith.constant 0 : i32
    %scan3A_2 = arith.constant 896 : i32
    %scan3A_3 = arith.addi %scan3A_1, %scan3A_2 : i32
    %scan3A_4 = arith.constant 1 : i32
    scf.for %scan3A_228 = %scan3A_1 to %scan3A_3 step %scan3A_4  : i32 {
      %jit3A = arith.constant 2 : i32
      %div3A = arith.divsi %scan3A_228, %jit3A : i32
      %sign3A = arith.constant 0 : i32
      %sign3A_229 = arith.cmpi sgt, %scan3A_228, %sign3A : i32
      %sign3A_230 = arith.extui %sign3A_229 : i1 to i32
      %sign3A_231 = arith.constant 0 : i32
      %sign3A_232 = arith.cmpi slt, %scan3A_228, %sign3A_231 : i32
      %sign3A_233 = arith.extui %sign3A_232 : i1 to i32
      %sign3A_234 = arith.subi %sign3A_230, %sign3A_233 : i32
      %sign3A_235 = arith.constant 0 : i32
      %sign3A_236 = arith.cmpi sgt, %jit3A, %sign3A_235 : i32
      %sign3A_237 = arith.extui %sign3A_236 : i1 to i32
      %sign3A_238 = arith.constant 0 : i32
      %sign3A_239 = arith.cmpi slt, %jit3A, %sign3A_238 : i32
      %sign3A_240 = arith.extui %sign3A_239 : i1 to i32
      %sign3A_241 = arith.subi %sign3A_237, %sign3A_240 : i32
      %ne3A = arith.cmpi ne, %sign3A_234, %sign3A_241 : i32
      %rem3A = arith.remsi %scan3A_228, %jit3A : i32
      %ne3A_242 = arith.constant 0 : i32
      %ne3A_243 = arith.cmpi ne, %rem3A, %ne3A_242 : i32
      %and3A = arith.andi %ne3A, %ne3A_243 : i1
      %sub3A = arith.constant 1 : i32
      %sub3A_244 = arith.subi %div3A, %sub3A : i32
      %select_n3A = arith.select %and3A, %sub3A_244, %div3A : i32
      %jit3A_245 = arith.constant 2 : i32
      %eq3A = arith.constant 0 : i32
      %eq3A_246 = arith.cmpi eq, %jit3A_245, %eq3A : i32
      %jit3A_247 = arith.constant 1 : i32
      %select_n3A_248 = arith.select %eq3A_246, %jit3A_247, %jit3A_245 : i32
      %rem3A_249 = arith.remsi %scan3A_228, %select_n3A_248 : i32
      %ne3A_250 = arith.constant 0 : i32
      %ne3A_251 = arith.cmpi ne, %rem3A_249, %ne3A_250 : i32
      %lt3A = arith.constant 0 : i32
      %lt3A_252 = arith.cmpi slt, %rem3A_249, %lt3A : i32
      %lt3A_253 = arith.constant 0 : i32
      %lt3A_254 = arith.cmpi slt, %select_n3A_248, %lt3A_253 : i32
      %ne3A_255 = arith.xori %lt3A_252, %lt3A_254 : i1
      %and3A_256 = arith.andi %ne3A_255, %ne3A_251 : i1
      %add3A_257 = arith.addi %rem3A_249, %select_n3A_248 : i32
      %select_n3A_258 = arith.select %and3A_256, %add3A_257, %rem3A_249 : i32
      %mul3A_259 = arith.constant 16 : i32
      %mul3A_260 = arith.muli %select_n3A_258, %mul3A_259 : i32
      %swap3A = arith.index_cast %select_n3A : i32 to index
      %swap3A_261 = arith.index_cast %mul3A_260 : i32 to index
      %swap3A_262 = tpu.vector_load %arg12[%swap3A, %swap3A_261] {strides = array<i32>} : memref<448x32xf32, #tpu.memory_space<vmem>>, vector<1x16xf32>,
      %swap3A_263 = vector.shape_cast %swap3A_262 : vector<1x16xf32> to vector<16xf32>
      %swap3A_264 = vector.shape_cast %broadcast_in_dim3A_0 : vector<16xf32> to vector<1x16xf32>
      tpu.vector_store %arg12[%swap3A, %swap3A_261], %swap3A_264 {strides = array<i32>} : memref<448x32xf32, #tpu.memory_space<vmem>>, vector<1x16xf32>,
    }
    %scan3A_5 = arith.constant 896 : i32
    %mul3A = arith.constant 25 : i32
    %mul3A_6 = arith.muli %arg1, %mul3A : i32
    "tpu.region"() ({
      %run_scoped3A_228 = tpu.sem_alloc : memref<!tpu.dma_semaphore, #tpu.memory_space<semaphore_mem>>
      %dma_start3A_229 = arith.constant 0 : i32
      %dma_start3A_230 = tpu.memref_slice %arg3[%mul3A_6, %dma_start3A_229] : memref<400x128xi32, #tpu.memory_space<hbm>> -> memref<25x128xi32, #tpu.memory_space<hbm>>
      %dma_start3A_231 = arith.constant 0 : i32
      %dma_start3A_232 = tpu.memref_slice %arg3[%mul3A_6, %dma_start3A_231] : memref<400x128xi32, #tpu.memory_space<hbm>> -> memref<25x128xi32, #tpu.memory_space<hbm>>
      tpu.enqueue_dma source(%dma_start3A_232 : memref<25x128xi32, #tpu.memory_space<hbm>>) target(%arg8 : memref<25x128xi32, #tpu.memory_space<vmem>>) target_semaphore(%run_scoped3A_228 : memref<!tpu.dma_semaphore, #tpu.memory_space<semaphore_mem>>)
      %dma_wait3A_233 = arith.constant 0 : i32
      %dma_wait3A_234 = tpu.memref_slice %arg3[%mul3A_6, %dma_wait3A_233] : memref<400x128xi32, #tpu.memory_space<hbm>> -> memref<25x128xi32, #tpu.memory_space<hbm>>
      %dma_wait3A_235 = arith.constant 0 : i32
      %dma_wait3A_236 = tpu.memref_slice %arg3[%mul3A_6, %dma_wait3A_235] : memref<400x128xi32, #tpu.memory_space<hbm>> -> memref<25x128xi32, #tpu.memory_space<hbm>>
      tpu.wait_dma2 semaphore(%run_scoped3A_228 : memref<!tpu.dma_semaphore, #tpu.memory_space<semaphore_mem>>) src(%dma_wait3A_236 : memref<25x128xi32, #tpu.memory_space<hbm>>) dst(%arg8 : memref<25x128xi32, #tpu.memory_space<vmem>>)
      tpu.yield
    }) : () -> ()
    %mul3A_7 = arith.constant 25 : i32
    %mul3A_8 = arith.muli %arg1, %mul3A_7 : i32
    "tpu.region"() ({
      %run_scoped3A_228 = tpu.sem_alloc : memref<!tpu.dma_semaphore, #tpu.memory_space<semaphore_mem>>
      %dma_start3A_229 = arith.constant 0 : i32
      %dma_start3A_230 = tpu.memref_slice %arg4[%mul3A_8, %dma_start3A_229] : memref<400x128xi32, #tpu.memory_space<hbm>> -> memref<25x128xi32, #tpu.memory_space<hbm>>
      %dma_start3A_231 = arith.constant 0 : i32
      %dma_start3A_232 = tpu.memref_slice %arg4[%mul3A_8, %dma_start3A_231] : memref<400x128xi32, #tpu.memory_space<hbm>> -> memref<25x128xi32, #tpu.memory_space<hbm>>
      tpu.enqueue_dma source(%dma_start3A_232 : memref<25x128xi32, #tpu.memory_space<hbm>>) target(%arg9 : memref<25x128xi32, #tpu.memory_space<vmem>>) target_semaphore(%run_scoped3A_228 : memref<!tpu.dma_semaphore, #tpu.memory_space<semaphore_mem>>)
      %dma_wait3A_233 = arith.constant 0 : i32
      %dma_wait3A_234 = tpu.memref_slice %arg4[%mul3A_8, %dma_wait3A_233] : memref<400x128xi32, #tpu.memory_space<hbm>> -> memref<25x128xi32, #tpu.memory_space<hbm>>
      %dma_wait3A_235 = arith.constant 0 : i32
      %dma_wait3A_236 = tpu.memref_slice %arg4[%mul3A_8, %dma_wait3A_235] : memref<400x128xi32, #tpu.memory_space<hbm>> -> memref<25x128xi32, #tpu.memory_space<hbm>>
      tpu.wait_dma2 semaphore(%run_scoped3A_228 : memref<!tpu.dma_semaphore, #tpu.memory_space<semaphore_mem>>) src(%dma_wait3A_236 : memref<25x128xi32, #tpu.memory_space<hbm>>) dst(%arg9 : memref<25x128xi32, #tpu.memory_space<vmem>>)
      tpu.yield
    }) : () -> ()
    %add3A = arith.constant 0 : i32
    %add3A_9 = arith.addi %add3A, %arg0 : i32
    %add3A_10 = arith.constant 2 : i32
    %add3A_11 = arith.addi %add3A_10, %arg0 : i32
    %mul3A_12 = arith.constant 3136 : i32
    %mul3A_13 = arith.muli %arg1, %mul3A_12 : i32
    %add3A_14 = arith.constant 0 : i32
    %add3A_15 = arith.addi %mul3A_13, %add3A_14 : i32
    %dma_start3A = arith.constant 0 : i32
    %dma_start3A_16 = tpu.memref_slice %arg13[%add3A_15, %dma_start3A] : memref<50176x32xf32, #tpu.memory_space<vmem_shared>> -> memref<448x32xf32, #tpu.memory_space<vmem_shared>>
    %dma_start3A_17 = arith.constant 0 : i32
    %dma_start3A_18 = tpu.memref_slice %arg13[%add3A_15, %dma_start3A_17] : memref<50176x32xf32, #tpu.memory_space<vmem_shared>> -> memref<448x32xf32, #tpu.memory_space<vmem_shared>>
    tpu.enqueue_dma source(%arg12 : memref<448x32xf32, #tpu.memory_space<vmem>>) target(%dma_start3A_18 : memref<448x32xf32, #tpu.memory_space<vmem_shared>>) target_semaphore(%arg14 : memref<!tpu.dma_semaphore, #tpu.memory_space<semaphore_mem>>)
    %mul3A_19 = arith.constant 3136 : i32
    %mul3A_20 = arith.muli %arg1, %mul3A_19 : i32
    %add3A_21 = arith.constant 448 : i32
    %add3A_22 = arith.addi %mul3A_20, %add3A_21 : i32
    %dma_start3A_23 = arith.constant 0 : i32
    %dma_start3A_24 = tpu.memref_slice %arg13[%add3A_22, %dma_start3A_23] : memref<50176x32xf32, #tpu.memory_space<vmem_shared>> -> memref<448x32xf32, #tpu.memory_space<vmem_shared>>
    %dma_start3A_25 = arith.constant 0 : i32
    %dma_start3A_26 = tpu.memref_slice %arg13[%add3A_22, %dma_start3A_25] : memref<50176x32xf32, #tpu.memory_space<vmem_shared>> -> memref<448x32xf32, #tpu.memory_space<vmem_shared>>
    tpu.enqueue_dma source(%arg12 : memref<448x32xf32, #tpu.memory_space<vmem>>) target(%dma_start3A_26 : memref<448x32xf32, #tpu.memory_space<vmem_shared>>) target_semaphore(%arg14 : memref<!tpu.dma_semaphore, #tpu.memory_space<semaphore_mem>>)
    %mul3A_27 = arith.constant 3136 : i32
    %mul3A_28 = arith.muli %arg1, %mul3A_27 : i32
    %add3A_29 = arith.constant 896 : i32
    %add3A_30 = arith.addi %mul3A_28, %add3A_29 : i32
    %dma_start3A_31 = arith.constant 0 : i32
    %dma_start3A_32 = tpu.memref_slice %arg13[%add3A_30, %dma_start3A_31] : memref<50176x32xf32, #tpu.memory_space<vmem_shared>> -> memref<448x32xf32, #tpu.memory_space<vmem_shared>>
    %dma_start3A_33 = arith.constant 0 : i32
    %dma_start3A_34 = tpu.memref_slice %arg13[%add3A_30, %dma_start3A_33] : memref<50176x32xf32, #tpu.memory_space<vmem_shared>> -> memref<448x32xf32, #tpu.memory_space<vmem_shared>>
    tpu.enqueue_dma source(%arg12 : memref<448x32xf32, #tpu.memory_space<vmem>>) target(%dma_start3A_34 : memref<448x32xf32, #tpu.memory_space<vmem_shared>>) target_semaphore(%arg14 : memref<!tpu.dma_semaphore, #tpu.memory_space<semaphore_mem>>)
    %mul3A_35 = arith.constant 3136 : i32
    %mul3A_36 = arith.muli %arg1, %mul3A_35 : i32
    %add3A_37 = arith.constant 1344 : i32
    %add3A_38 = arith.addi %mul3A_36, %add3A_37 : i32
    %dma_start3A_39 = arith.constant 0 : i32
    %dma_start3A_40 = tpu.memref_slice %arg13[%add3A_38, %dma_start3A_39] : memref<50176x32xf32, #tpu.memory_space<vmem_shared>> -> memref<448x32xf32, #tpu.memory_space<vmem_shared>>
    %dma_start3A_41 = arith.constant 0 : i32
    %dma_start3A_42 = tpu.memref_slice %arg13[%add3A_38, %dma_start3A_41] : memref<50176x32xf32, #tpu.memory_space<vmem_shared>> -> memref<448x32xf32, #tpu.memory_space<vmem_shared>>
    tpu.enqueue_dma source(%arg12 : memref<448x32xf32, #tpu.memory_space<vmem>>) target(%dma_start3A_42 : memref<448x32xf32, #tpu.memory_space<vmem_shared>>) target_semaphore(%arg14 : memref<!tpu.dma_semaphore, #tpu.memory_space<semaphore_mem>>)
    %mul3A_43 = arith.constant 3136 : i32
    %mul3A_44 = arith.muli %arg1, %mul3A_43 : i32
    %add3A_45 = arith.constant 1792 : i32
    %add3A_46 = arith.addi %mul3A_44, %add3A_45 : i32
    %dma_start3A_47 = arith.constant 0 : i32
    %dma_start3A_48 = tpu.memref_slice %arg13[%add3A_46, %dma_start3A_47] : memref<50176x32xf32, #tpu.memory_space<vmem_shared>> -> memref<448x32xf32, #tpu.memory_space<vmem_shared>>
    %dma_start3A_49 = arith.constant 0 : i32
    %dma_start3A_50 = tpu.memref_slice %arg13[%add3A_46, %dma_start3A_49] : memref<50176x32xf32, #tpu.memory_space<vmem_shared>> -> memref<448x32xf32, #tpu.memory_space<vmem_shared>>
    tpu.enqueue_dma source(%arg12 : memref<448x32xf32, #tpu.memory_space<vmem>>) target(%dma_start3A_50 : memref<448x32xf32, #tpu.memory_space<vmem_shared>>) target_semaphore(%arg14 : memref<!tpu.dma_semaphore, #tpu.memory_space<semaphore_mem>>)
    %mul3A_51 = arith.constant 3136 : i32
    %mul3A_52 = arith.muli %arg1, %mul3A_51 : i32
    %add3A_53 = arith.constant 2240 : i32
    %add3A_54 = arith.addi %mul3A_52, %add3A_53 : i32
    %dma_start3A_55 = arith.constant 0 : i32
    %dma_start3A_56 = tpu.memref_slice %arg13[%add3A_54, %dma_start3A_55] : memref<50176x32xf32, #tpu.memory_space<vmem_shared>> -> memref<448x32xf32, #tpu.memory_space<vmem_shared>>
    %dma_start3A_57 = arith.constant 0 : i32
    %dma_start3A_58 = tpu.memref_slice %arg13[%add3A_54, %dma_start3A_57] : memref<50176x32xf32, #tpu.memory_space<vmem_shared>> -> memref<448x32xf32, #tpu.memory_space<vmem_shared>>
    tpu.enqueue_dma source(%arg12 : memref<448x32xf32, #tpu.memory_space<vmem>>) target(%dma_start3A_58 : memref<448x32xf32, #tpu.memory_space<vmem_shared>>) target_semaphore(%arg14 : memref<!tpu.dma_semaphore, #tpu.memory_space<semaphore_mem>>)
    %mul3A_59 = arith.constant 3136 : i32
    %mul3A_60 = arith.muli %arg1, %mul3A_59 : i32
    %add3A_61 = arith.constant 2688 : i32
    %add3A_62 = arith.addi %mul3A_60, %add3A_61 : i32
    %dma_start3A_63 = arith.constant 0 : i32
    %dma_start3A_64 = tpu.memref_slice %arg13[%add3A_62, %dma_start3A_63] : memref<50176x32xf32, #tpu.memory_space<vmem_shared>> -> memref<448x32xf32, #tpu.memory_space<vmem_shared>>
    %dma_start3A_65 = arith.constant 0 : i32
    %dma_start3A_66 = tpu.memref_slice %arg13[%add3A_62, %dma_start3A_65] : memref<50176x32xf32, #tpu.memory_space<vmem_shared>> -> memref<448x32xf32, #tpu.memory_space<vmem_shared>>
    tpu.enqueue_dma source(%arg12 : memref<448x32xf32, #tpu.memory_space<vmem>>) target(%dma_start3A_66 : memref<448x32xf32, #tpu.memory_space<vmem_shared>>) target_semaphore(%arg14 : memref<!tpu.dma_semaphore, #tpu.memory_space<semaphore_mem>>)
    %scan3A_67 = arith.constant 0 : i32
    %scan3A_68 = arith.constant 0 : i32
    %scan3A_69 = arith.constant 200 : i32
    %scan3A_70 = arith.addi %scan3A_68, %scan3A_69 : i32
    %scan3A_71 = arith.constant 1 : i32
    scf.for %scan3A_228 = %scan3A_68 to %scan3A_70 step %scan3A_71  : i32 {
      %jit3A = arith.constant 8 : i32
      %div3A = arith.divsi %scan3A_228, %jit3A : i32
      %sign3A = arith.constant 0 : i32
      %sign3A_229 = arith.cmpi sgt, %scan3A_228, %sign3A : i32
      %sign3A_230 = arith.extui %sign3A_229 : i1 to i32
      %sign3A_231 = arith.constant 0 : i32
      %sign3A_232 = arith.cmpi slt, %scan3A_228, %sign3A_231 : i32
      %sign3A_233 = arith.extui %sign3A_232 : i1 to i32
      %sign3A_234 = arith.subi %sign3A_230, %sign3A_233 : i32
      %sign3A_235 = arith.constant 0 : i32
      %sign3A_236 = arith.cmpi sgt, %jit3A, %sign3A_235 : i32
      %sign3A_237 = arith.extui %sign3A_236 : i1 to i32
      %sign3A_238 = arith.constant 0 : i32
      %sign3A_239 = arith.cmpi slt, %jit3A, %sign3A_238 : i32
      %sign3A_240 = arith.extui %sign3A_239 : i1 to i32
      %sign3A_241 = arith.subi %sign3A_237, %sign3A_240 : i32
      %ne3A = arith.cmpi ne, %sign3A_234, %sign3A_241 : i32
      %rem3A = arith.remsi %scan3A_228, %jit3A : i32
      %ne3A_242 = arith.constant 0 : i32
      %ne3A_243 = arith.cmpi ne, %rem3A, %ne3A_242 : i32
      %and3A = arith.andi %ne3A, %ne3A_243 : i1
      %sub3A = arith.constant 1 : i32
      %sub3A_244 = arith.subi %div3A, %sub3A : i32
      %select_n3A = arith.select %and3A, %sub3A_244, %div3A : i32
      %jit3A_245 = arith.constant 8 : i32
      %eq3A = arith.constant 0 : i32
      %eq3A_246 = arith.cmpi eq, %jit3A_245, %eq3A : i32
      %jit3A_247 = arith.constant 1 : i32
      %select_n3A_248 = arith.select %eq3A_246, %jit3A_247, %jit3A_245 : i32
      %rem3A_249 = arith.remsi %scan3A_228, %select_n3A_248 : i32
      %ne3A_250 = arith.constant 0 : i32
      %ne3A_251 = arith.cmpi ne, %rem3A_249, %ne3A_250 : i32
      %lt3A = arith.constant 0 : i32
      %lt3A_252 = arith.cmpi slt, %rem3A_249, %lt3A : i32
      %lt3A_253 = arith.constant 0 : i32
      %lt3A_254 = arith.cmpi slt, %select_n3A_248, %lt3A_253 : i32
      %ne3A_255 = arith.xori %lt3A_252, %lt3A_254 : i1
      %and3A_256 = arith.andi %ne3A_255, %ne3A_251 : i1
      %add3A_257 = arith.addi %rem3A_249, %select_n3A_248 : i32
      %select_n3A_258 = arith.select %and3A_256, %add3A_257, %rem3A_249 : i32
      %mul3A_259 = arith.constant 16 : i32
      %mul3A_260 = arith.muli %select_n3A_258, %mul3A_259 : i32
      %get3A = arith.index_cast %select_n3A : i32 to index
      %get3A_261 = arith.index_cast %mul3A_260 : i32 to index
      %get3A_262 = tpu.vector_load %arg8[%get3A, %get3A_261] {strides = array<i32>} : memref<25x128xi32, #tpu.memory_space<vmem>>, vector<1x16xi32>,
      %get3A_263 = vector.shape_cast %get3A_262 : vector<1x16xi32> to vector<16xi32>
      %mul3A_264 = arith.constant 4 : i32
      %mul3A_265 = vector.broadcast %mul3A_264 : i32 to vector<16xi32>
      %mul3A_266 = arith.muli %get3A_263, %mul3A_265 : vector<16xi32>
      %add3A_267 = vector.broadcast %add3A_9 : i32 to vector<16xi32>
      %add3A_268 = arith.addi %mul3A_266, %add3A_267 : vector<16xi32>
      %swap3A = arith.index_cast %select_n3A : i32 to index
      %swap3A_269 = arith.index_cast %mul3A_260 : i32 to index
      %swap3A_270 = tpu.vector_load %arg8[%swap3A, %swap3A_269] {strides = array<i32>} : memref<25x128xi32, #tpu.memory_space<vmem>>, vector<1x16xi32>,
      %swap3A_271 = vector.shape_cast %swap3A_270 : vector<1x16xi32> to vector<16xi32>
      %swap3A_272 = vector.shape_cast %add3A_268 : vector<16xi32> to vector<1x16xi32>
      tpu.vector_store %arg8[%swap3A, %swap3A_269], %swap3A_272 {strides = array<i32>} : memref<25x128xi32, #tpu.memory_space<vmem>>, vector<1x16xi32>,
    }
    %scan3A_72 = arith.constant 200 : i32
    %dma_wait3A = arith.constant 0 : i32
    %dma_wait3A_73 = tpu.memref_slice %arg13[%add3A_15, %dma_wait3A] : memref<50176x32xf32, #tpu.memory_space<vmem_shared>> -> memref<448x32xf32, #tpu.memory_space<vmem_shared>>
    %dma_wait3A_74 = arith.constant 0 : i32
    %dma_wait3A_75 = tpu.memref_slice %arg13[%add3A_15, %dma_wait3A_74] : memref<50176x32xf32, #tpu.memory_space<vmem_shared>> -> memref<448x32xf32, #tpu.memory_space<vmem_shared>>
    tpu.wait_dma2 semaphore(%arg14 : memref<!tpu.dma_semaphore, #tpu.memory_space<semaphore_mem>>) src(%arg12 : memref<448x32xf32, #tpu.memory_space<vmem>>) dst(%dma_wait3A_75 : memref<448x32xf32, #tpu.memory_space<vmem_shared>>)
    %dma_wait3A_76 = arith.constant 0 : i32
    %dma_wait3A_77 = tpu.memref_slice %arg13[%add3A_22, %dma_wait3A_76] : memref<50176x32xf32, #tpu.memory_space<vmem_shared>> -> memref<448x32xf32, #tpu.memory_space<vmem_shared>>
    %dma_wait3A_78 = arith.constant 0 : i32
    %dma_wait3A_79 = tpu.memref_slice %arg13[%add3A_22, %dma_wait3A_78] : memref<50176x32xf32, #tpu.memory_space<vmem_shared>> -> memref<448x32xf32, #tpu.memory_space<vmem_shared>>
    tpu.wait_dma2 semaphore(%arg14 : memref<!tpu.dma_semaphore, #tpu.memory_space<semaphore_mem>>) src(%arg12 : memref<448x32xf32, #tpu.memory_space<vmem>>) dst(%dma_wait3A_79 : memref<448x32xf32, #tpu.memory_space<vmem_shared>>)
    %dma_wait3A_80 = arith.constant 0 : i32
    %dma_wait3A_81 = tpu.memref_slice %arg13[%add3A_30, %dma_wait3A_80] : memref<50176x32xf32, #tpu.memory_space<vmem_shared>> -> memref<448x32xf32, #tpu.memory_space<vmem_shared>>
    %dma_wait3A_82 = arith.constant 0 : i32
    %dma_wait3A_83 = tpu.memref_slice %arg13[%add3A_30, %dma_wait3A_82] : memref<50176x32xf32, #tpu.memory_space<vmem_shared>> -> memref<448x32xf32, #tpu.memory_space<vmem_shared>>
    tpu.wait_dma2 semaphore(%arg14 : memref<!tpu.dma_semaphore, #tpu.memory_space<semaphore_mem>>) src(%arg12 : memref<448x32xf32, #tpu.memory_space<vmem>>) dst(%dma_wait3A_83 : memref<448x32xf32, #tpu.memory_space<vmem_shared>>)
    %dma_wait3A_84 = arith.constant 0 : i32
    %dma_wait3A_85 = tpu.memref_slice %arg13[%add3A_38, %dma_wait3A_84] : memref<50176x32xf32, #tpu.memory_space<vmem_shared>> -> memref<448x32xf32, #tpu.memory_space<vmem_shared>>
    %dma_wait3A_86 = arith.constant 0 : i32
    %dma_wait3A_87 = tpu.memref_slice %arg13[%add3A_38, %dma_wait3A_86] : memref<50176x32xf32, #tpu.memory_space<vmem_shared>> -> memref<448x32xf32, #tpu.memory_space<vmem_shared>>
    tpu.wait_dma2 semaphore(%arg14 : memref<!tpu.dma_semaphore, #tpu.memory_space<semaphore_mem>>) src(%arg12 : memref<448x32xf32, #tpu.memory_space<vmem>>) dst(%dma_wait3A_87 : memref<448x32xf32, #tpu.memory_space<vmem_shared>>)
    %dma_wait3A_88 = arith.constant 0 : i32
    %dma_wait3A_89 = tpu.memref_slice %arg13[%add3A_46, %dma_wait3A_88] : memref<50176x32xf32, #tpu.memory_space<vmem_shared>> -> memref<448x32xf32, #tpu.memory_space<vmem_shared>>
    %dma_wait3A_90 = arith.constant 0 : i32
    %dma_wait3A_91 = tpu.memref_slice %arg13[%add3A_46, %dma_wait3A_90] : memref<50176x32xf32, #tpu.memory_space<vmem_shared>> -> memref<448x32xf32, #tpu.memory_space<vmem_shared>>
    tpu.wait_dma2 semaphore(%arg14 : memref<!tpu.dma_semaphore, #tpu.memory_space<semaphore_mem>>) src(%arg12 : memref<448x32xf32, #tpu.memory_space<vmem>>) dst(%dma_wait3A_91 : memref<448x32xf32, #tpu.memory_space<vmem_shared>>)
    %dma_wait3A_92 = arith.constant 0 : i32
    %dma_wait3A_93 = tpu.memref_slice %arg13[%add3A_54, %dma_wait3A_92] : memref<50176x32xf32, #tpu.memory_space<vmem_shared>> -> memref<448x32xf32, #tpu.memory_space<vmem_shared>>
    %dma_wait3A_94 = arith.constant 0 : i32
    %dma_wait3A_95 = tpu.memref_slice %arg13[%add3A_54, %dma_wait3A_94] : memref<50176x32xf32, #tpu.memory_space<vmem_shared>> -> memref<448x32xf32, #tpu.memory_space<vmem_shared>>
    tpu.wait_dma2 semaphore(%arg14 : memref<!tpu.dma_semaphore, #tpu.memory_space<semaphore_mem>>) src(%arg12 : memref<448x32xf32, #tpu.memory_space<vmem>>) dst(%dma_wait3A_95 : memref<448x32xf32, #tpu.memory_space<vmem_shared>>)
    %dma_wait3A_96 = arith.constant 0 : i32
    %dma_wait3A_97 = tpu.memref_slice %arg13[%add3A_62, %dma_wait3A_96] : memref<50176x32xf32, #tpu.memory_space<vmem_shared>> -> memref<448x32xf32, #tpu.memory_space<vmem_shared>>
    %dma_wait3A_98 = arith.constant 0 : i32
    %dma_wait3A_99 = tpu.memref_slice %arg13[%add3A_62, %dma_wait3A_98] : memref<50176x32xf32, #tpu.memory_space<vmem_shared>> -> memref<448x32xf32, #tpu.memory_space<vmem_shared>>
    tpu.wait_dma2 semaphore(%arg14 : memref<!tpu.dma_semaphore, #tpu.memory_space<semaphore_mem>>) src(%arg12 : memref<448x32xf32, #tpu.memory_space<vmem>>) dst(%dma_wait3A_99 : memref<448x32xf32, #tpu.memory_space<vmem_shared>>)
    %barrier3A = arith.constant 0 : index
    tpu.barrier barrier_id(%barrier3A)
    %run_scoped3A = arith.constant 0 : i32
    "tpu.region"() ({
      %run_scoped3A_228 = tpu.sem_alloc : memref<!tpu.dma_semaphore, #tpu.memory_space<semaphore_mem>>
      %dma_start3A_229 = arith.constant 0 : i32
      %dma_start3A_230 = tpu.memref_slice %arg8[%run_scoped3A, %dma_start3A_229] : memref<25x128xi32, #tpu.memory_space<vmem>> -> memref<1x128xi32, #tpu.memory_space<vmem>>
      %dma_start3A_231 = tpu.memref_squeeze %dma_start3A_230 : memref<1x128xi32, #tpu.memory_space<vmem>> -> memref<128xi32, #tpu.memory_space<vmem>>
      %dma_start3A_232 = arith.constant 0 : i32
      %dma_start3A_233 = arith.constant 0 : i32
      %dma_start3A_234 = tpu.memref_slice %arg2[%dma_start3A_232, %dma_start3A_233] : memref<200000x32xf32, #tpu.memory_space<hbm>> -> memref<200000x32xf32, #tpu.memory_space<hbm>>
      tpu.enqueue_indirect_dma source(%dma_start3A_234 : memref<200000x32xf32, #tpu.memory_space<hbm>>) target(%arg10 : memref<128x32xf32, #tpu.memory_space<vmem>>) offsets(%dma_start3A_231 : memref<128xi32, #tpu.memory_space<vmem>>) semaphore(%run_scoped3A_228 : memref<!tpu.dma_semaphore, #tpu.memory_space<semaphore_mem>>)
      %dma_wait3A_235 = arith.constant 0 : i32
      %dma_wait3A_236 = tpu.memref_slice %arg8[%run_scoped3A, %dma_wait3A_235] : memref<25x128xi32, #tpu.memory_space<vmem>> -> memref<1x128xi32, #tpu.memory_space<vmem>>
      %dma_wait3A_237 = tpu.memref_squeeze %dma_wait3A_236 : memref<1x128xi32, #tpu.memory_space<vmem>> -> memref<128xi32, #tpu.memory_space<vmem>>
      %dma_wait3A_238 = arith.constant 0 : i32
      %dma_wait3A_239 = arith.constant 0 : i32
      %dma_wait3A_240 = tpu.memref_slice %arg2[%dma_wait3A_238, %dma_wait3A_239] : memref<200000x32xf32, #tpu.memory_space<hbm>> -> memref<200000x32xf32, #tpu.memory_space<hbm>>
      tpu.wait_indirect_dma semaphore(%run_scoped3A_228 : memref<!tpu.dma_semaphore, #tpu.memory_space<semaphore_mem>>) src(%dma_wait3A_240 : memref<200000x32xf32, #tpu.memory_space<hbm>>) dst(%arg10 : memref<128x32xf32, #tpu.memory_space<vmem>>)
      tpu.yield
    }) : () -> ()
    %scan3A_100 = arith.constant 0 : i32
    %scan3A_101 = arith.constant 0 : i32
    %scan3A_102 = arith.constant 12 : i32
    %scan3A_103 = arith.addi %scan3A_101, %scan3A_102 : i32
    %scan3A_104 = arith.constant 1 : i32
    scf.for %scan3A_228 = %scan3A_101 to %scan3A_103 step %scan3A_104  : i32 {
      %mul3A_229 = arith.constant 2 : i32
      %mul3A_230 = arith.muli %scan3A_228, %mul3A_229 : i32
      %add3A_231 = arith.constant 1 : i32
      %add3A_232 = arith.addi %mul3A_230, %add3A_231 : i32
      %dma_start3A_233 = arith.constant 0 : i32
      %dma_start3A_234 = tpu.memref_slice %arg8[%add3A_232, %dma_start3A_233] : memref<25x128xi32, #tpu.memory_space<vmem>> -> memref<1x128xi32, #tpu.memory_space<vmem>>
      %dma_start3A_235 = tpu.memref_squeeze %dma_start3A_234 : memref<1x128xi32, #tpu.memory_space<vmem>> -> memref<128xi32, #tpu.memory_space<vmem>>
      %dma_start3A_236 = arith.constant 0 : i32
      %dma_start3A_237 = arith.constant 0 : i32
      %dma_start3A_238 = tpu.memref_slice %arg2[%dma_start3A_236, %dma_start3A_237] : memref<200000x32xf32, #tpu.memory_space<hbm>> -> memref<200000x32xf32, #tpu.memory_space<hbm>>
      tpu.enqueue_indirect_dma source(%dma_start3A_238 : memref<200000x32xf32, #tpu.memory_space<hbm>>) target(%arg11 : memref<128x32xf32, #tpu.memory_space<vmem>>) offsets(%dma_start3A_235 : memref<128xi32, #tpu.memory_space<vmem>>) semaphore(%arg15 : memref<!tpu.dma_semaphore, #tpu.memory_space<semaphore_mem>>)
      "tpu.region"() ({
        %run_scoped3A_261 = tpu.sem_alloc : memref<!tpu.dma_semaphore, #tpu.memory_space<semaphore_mem>>
        %dma_start3A_262 = arith.constant 0 : i32
        %dma_start3A_263 = tpu.memref_slice %arg9[%mul3A_230, %dma_start3A_262] : memref<25x128xi32, #tpu.memory_space<vmem>> -> memref<1x128xi32, #tpu.memory_space<vmem>>
        %dma_start3A_264 = tpu.memref_squeeze %dma_start3A_263 : memref<1x128xi32, #tpu.memory_space<vmem>> -> memref<128xi32, #tpu.memory_space<vmem>>
        %dma_start3A_265 = arith.constant 0 : i32
        %dma_start3A_266 = arith.constant 0 : i32
        %dma_start3A_267 = tpu.memref_slice %arg13[%dma_start3A_265, %dma_start3A_266] : memref<50176x32xf32, #tpu.memory_space<vmem_shared>> -> memref<50176x32xf32, #tpu.memory_space<vmem_shared>>
        tpu.enqueue_indirect_dma source(%arg10 : memref<128x32xf32, #tpu.memory_space<vmem>>) target(%dma_start3A_267 : memref<50176x32xf32, #tpu.memory_space<vmem_shared>>) offsets(%dma_start3A_264 : memref<128xi32, #tpu.memory_space<vmem>>) semaphore(%run_scoped3A_261 : memref<!tpu.dma_semaphore, #tpu.memory_space<semaphore_mem>>) {add = true}
        %dma_wait3A_268 = arith.constant 0 : i32
        %dma_wait3A_269 = tpu.memref_slice %arg9[%mul3A_230, %dma_wait3A_268] : memref<25x128xi32, #tpu.memory_space<vmem>> -> memref<1x128xi32, #tpu.memory_space<vmem>>
        %dma_wait3A_270 = tpu.memref_squeeze %dma_wait3A_269 : memref<1x128xi32, #tpu.memory_space<vmem>> -> memref<128xi32, #tpu.memory_space<vmem>>
        %dma_wait3A_271 = arith.constant 0 : i32
        %dma_wait3A_272 = arith.constant 0 : i32
        %dma_wait3A_273 = tpu.memref_slice %arg13[%dma_wait3A_271, %dma_wait3A_272] : memref<50176x32xf32, #tpu.memory_space<vmem_shared>> -> memref<50176x32xf32, #tpu.memory_space<vmem_shared>>
        tpu.wait_indirect_dma semaphore(%run_scoped3A_261 : memref<!tpu.dma_semaphore, #tpu.memory_space<semaphore_mem>>) src(%arg10 : memref<128x32xf32, #tpu.memory_space<vmem>>) dst(%dma_wait3A_273 : memref<50176x32xf32, #tpu.memory_space<vmem_shared>>)
        tpu.yield
      }) : () -> ()
      %dma_wait3A_239 = arith.constant 0 : i32
      %dma_wait3A_240 = tpu.memref_slice %arg8[%add3A_232, %dma_wait3A_239] : memref<25x128xi32, #tpu.memory_space<vmem>> -> memref<1x128xi32, #tpu.memory_space<vmem>>
      %dma_wait3A_241 = tpu.memref_squeeze %dma_wait3A_240 : memref<1x128xi32, #tpu.memory_space<vmem>> -> memref<128xi32, #tpu.memory_space<vmem>>
      %dma_wait3A_242 = arith.constant 0 : i32
      %dma_wait3A_243 = arith.constant 0 : i32
      %dma_wait3A_244 = tpu.memref_slice %arg2[%dma_wait3A_242, %dma_wait3A_243] : memref<200000x32xf32, #tpu.memory_space<hbm>> -> memref<200000x32xf32, #tpu.memory_space<hbm>>
      tpu.wait_indirect_dma semaphore(%arg15 : memref<!tpu.dma_semaphore, #tpu.memory_space<semaphore_mem>>) src(%dma_wait3A_244 : memref<200000x32xf32, #tpu.memory_space<hbm>>) dst(%arg11 : memref<128x32xf32, #tpu.memory_space<vmem>>)
      %add3A_245 = arith.constant 2 : i32
      %add3A_246 = arith.addi %mul3A_230, %add3A_245 : i32
      %dma_start3A_247 = arith.constant 0 : i32
      %dma_start3A_248 = tpu.memref_slice %arg8[%add3A_246, %dma_start3A_247] : memref<25x128xi32, #tpu.memory_space<vmem>> -> memref<1x128xi32, #tpu.memory_space<vmem>>
      %dma_start3A_249 = tpu.memref_squeeze %dma_start3A_248 : memref<1x128xi32, #tpu.memory_space<vmem>> -> memref<128xi32, #tpu.memory_space<vmem>>
      %dma_start3A_250 = arith.constant 0 : i32
      %dma_start3A_251 = arith.constant 0 : i32
      %dma_start3A_252 = tpu.memref_slice %arg2[%dma_start3A_250, %dma_start3A_251] : memref<200000x32xf32, #tpu.memory_space<hbm>> -> memref<200000x32xf32, #tpu.memory_space<hbm>>
      tpu.enqueue_indirect_dma source(%dma_start3A_252 : memref<200000x32xf32, #tpu.memory_space<hbm>>) target(%arg10 : memref<128x32xf32, #tpu.memory_space<vmem>>) offsets(%dma_start3A_249 : memref<128xi32, #tpu.memory_space<vmem>>) semaphore(%arg14 : memref<!tpu.dma_semaphore, #tpu.memory_space<semaphore_mem>>)
      %add3A_253 = arith.constant 1 : i32
      %add3A_254 = arith.addi %mul3A_230, %add3A_253 : i32
      "tpu.region"() ({
        %run_scoped3A_261 = tpu.sem_alloc : memref<!tpu.dma_semaphore, #tpu.memory_space<semaphore_mem>>
        %dma_start3A_262 = arith.constant 0 : i32
        %dma_start3A_263 = tpu.memref_slice %arg9[%add3A_254, %dma_start3A_262] : memref<25x128xi32, #tpu.memory_space<vmem>> -> memref<1x128xi32, #tpu.memory_space<vmem>>
        %dma_start3A_264 = tpu.memref_squeeze %dma_start3A_263 : memref<1x128xi32, #tpu.memory_space<vmem>> -> memref<128xi32, #tpu.memory_space<vmem>>
        %dma_start3A_265 = arith.constant 0 : i32
        %dma_start3A_266 = arith.constant 0 : i32
        %dma_start3A_267 = tpu.memref_slice %arg13[%dma_start3A_265, %dma_start3A_266] : memref<50176x32xf32, #tpu.memory_space<vmem_shared>> -> memref<50176x32xf32, #tpu.memory_space<vmem_shared>>
        tpu.enqueue_indirect_dma source(%arg11 : memref<128x32xf32, #tpu.memory_space<vmem>>) target(%dma_start3A_267 : memref<50176x32xf32, #tpu.memory_space<vmem_shared>>) offsets(%dma_start3A_264 : memref<128xi32, #tpu.memory_space<vmem>>) semaphore(%run_scoped3A_261 : memref<!tpu.dma_semaphore, #tpu.memory_space<semaphore_mem>>) {add = true}
        %dma_wait3A_268 = arith.constant 0 : i32
        %dma_wait3A_269 = tpu.memref_slice %arg9[%add3A_254, %dma_wait3A_268] : memref<25x128xi32, #tpu.memory_space<vmem>> -> memref<1x128xi32, #tpu.memory_space<vmem>>
        %dma_wait3A_270 = tpu.memref_squeeze %dma_wait3A_269 : memref<1x128xi32, #tpu.memory_space<vmem>> -> memref<128xi32, #tpu.memory_space<vmem>>
        %dma_wait3A_271 = arith.constant 0 : i32
        %dma_wait3A_272 = arith.constant 0 : i32
        %dma_wait3A_273 = tpu.memref_slice %arg13[%dma_wait3A_271, %dma_wait3A_272] : memref<50176x32xf32, #tpu.memory_space<vmem_shared>> -> memref<50176x32xf32, #tpu.memory_space<vmem_shared>>
        tpu.wait_indirect_dma semaphore(%run_scoped3A_261 : memref<!tpu.dma_semaphore, #tpu.memory_space<semaphore_mem>>) src(%arg11 : memref<128x32xf32, #tpu.memory_space<vmem>>) dst(%dma_wait3A_273 : memref<50176x32xf32, #tpu.memory_space<vmem_shared>>)
        tpu.yield
      }) : () -> ()
      %dma_wait3A_255 = arith.constant 0 : i32
      %dma_wait3A_256 = tpu.memref_slice %arg8[%add3A_246, %dma_wait3A_255] : memref<25x128xi32, #tpu.memory_space<vmem>> -> memref<1x128xi32, #tpu.memory_space<vmem>>
      %dma_wait3A_257 = tpu.memref_squeeze %dma_wait3A_256 : memref<1x128xi32, #tpu.memory_space<vmem>> -> memref<128xi32, #tpu.memory_space<vmem>>
      %dma_wait3A_258 = arith.constant 0 : i32
      %dma_wait3A_259 = arith.constant 0 : i32
      %dma_wait3A_260 = tpu.memref_slice %arg2[%dma_wait3A_258, %dma_wait3A_259] : memref<200000x32xf32, #tpu.memory_space<hbm>> -> memref<200000x32xf32, #tpu.memory_space<hbm>>
      tpu.wait_indirect_dma semaphore(%arg14 : memref<!tpu.dma_semaphore, #tpu.memory_space<semaphore_mem>>) src(%dma_wait3A_260 : memref<200000x32xf32, #tpu.memory_space<hbm>>) dst(%arg10 : memref<128x32xf32, #tpu.memory_space<vmem>>)
    }
    %scan3A_105 = arith.constant 12 : i32
    %run_scoped3A_106 = arith.constant 24 : i32
    "tpu.region"() ({
      %run_scoped3A_228 = tpu.sem_alloc : memref<!tpu.dma_semaphore, #tpu.memory_space<semaphore_mem>>
      %dma_start3A_229 = arith.constant 0 : i32
      %dma_start3A_230 = tpu.memref_slice %arg9[%run_scoped3A_106, %dma_start3A_229] : memref<25x128xi32, #tpu.memory_space<vmem>> -> memref<1x128xi32, #tpu.memory_space<vmem>>
      %dma_start3A_231 = tpu.memref_squeeze %dma_start3A_230 : memref<1x128xi32, #tpu.memory_space<vmem>> -> memref<128xi32, #tpu.memory_space<vmem>>
      %dma_start3A_232 = arith.constant 0 : i32
      %dma_start3A_233 = arith.constant 0 : i32
      %dma_start3A_234 = tpu.memref_slice %arg13[%dma_start3A_232, %dma_start3A_233] : memref<50176x32xf32, #tpu.memory_space<vmem_shared>> -> memref<50176x32xf32, #tpu.memory_space<vmem_shared>>
      tpu.enqueue_indirect_dma source(%arg10 : memref<128x32xf32, #tpu.memory_space<vmem>>) target(%dma_start3A_234 : memref<50176x32xf32, #tpu.memory_space<vmem_shared>>) offsets(%dma_start3A_231 : memref<128xi32, #tpu.memory_space<vmem>>) semaphore(%run_scoped3A_228 : memref<!tpu.dma_semaphore, #tpu.memory_space<semaphore_mem>>) {add = true}
      %dma_wait3A_235 = arith.constant 0 : i32
      %dma_wait3A_236 = tpu.memref_slice %arg9[%run_scoped3A_106, %dma_wait3A_235] : memref<25x128xi32, #tpu.memory_space<vmem>> -> memref<1x128xi32, #tpu.memory_space<vmem>>
      %dma_wait3A_237 = tpu.memref_squeeze %dma_wait3A_236 : memref<1x128xi32, #tpu.memory_space<vmem>> -> memref<128xi32, #tpu.memory_space<vmem>>
      %dma_wait3A_238 = arith.constant 0 : i32
      %dma_wait3A_239 = arith.constant 0 : i32
      %dma_wait3A_240 = tpu.memref_slice %arg13[%dma_wait3A_238, %dma_wait3A_239] : memref<50176x32xf32, #tpu.memory_space<vmem_shared>> -> memref<50176x32xf32, #tpu.memory_space<vmem_shared>>
      tpu.wait_indirect_dma semaphore(%run_scoped3A_228 : memref<!tpu.dma_semaphore, #tpu.memory_space<semaphore_mem>>) src(%arg10 : memref<128x32xf32, #tpu.memory_space<vmem>>) dst(%dma_wait3A_240 : memref<50176x32xf32, #tpu.memory_space<vmem_shared>>)
      tpu.yield
    }) : () -> ()
    %barrier3A_107 = arith.constant 0 : index
    tpu.barrier barrier_id(%barrier3A_107)
    %mul3A_108 = arith.constant 3125 : i32
    %mul3A_109 = arith.muli %arg1, %mul3A_108 : i32
    %mul3A_110 = arith.constant 3125 : i32
    %mul3A_111 = arith.muli %arg1, %mul3A_110 : i32
    %mul3A_112 = arith.constant 32 : i32
    %mul3A_113 = arith.muli %add3A_11, %mul3A_112 : i32
    "tpu.region"() ({
      %run_scoped3A_228 = tpu.sem_alloc : memref<!tpu.dma_semaphore, #tpu.memory_space<semaphore_mem>>
      %dma_start3A_229 = tpu.memref_slice %arg7[%mul3A_111, %mul3A_113] : memref<50000x128xf32, #tpu.memory_space<hbm>> -> memref<3125x32xf32, #tpu.memory_space<hbm>>
      %dma_start3A_230 = arith.constant 0 : i32
      %dma_start3A_231 = tpu.memref_slice %arg13[%mul3A_109, %dma_start3A_230] : memref<50176x32xf32, #tpu.memory_space<vmem_shared>> -> memref<3125x32xf32, #tpu.memory_space<vmem_shared>>
      tpu.enqueue_dma source(%dma_start3A_231 : memref<3125x32xf32, #tpu.memory_space<vmem_shared>>) target(%dma_start3A_229 : memref<3125x32xf32, #tpu.memory_space<hbm>>) target_semaphore(%run_scoped3A_228 : memref<!tpu.dma_semaphore, #tpu.memory_space<semaphore_mem>>)
      %dma_wait3A_232 = tpu.memref_slice %arg7[%mul3A_111, %mul3A_113] : memref<50000x128xf32, #tpu.memory_space<hbm>> -> memref<3125x32xf32, #tpu.memory_space<hbm>>
      %dma_wait3A_233 = arith.constant 0 : i32
      %dma_wait3A_234 = tpu.memref_slice %arg13[%mul3A_109, %dma_wait3A_233] : memref<50176x32xf32, #tpu.memory_space<vmem_shared>> -> memref<3125x32xf32, #tpu.memory_space<vmem_shared>>
      tpu.wait_dma2 semaphore(%run_scoped3A_228 : memref<!tpu.dma_semaphore, #tpu.memory_space<semaphore_mem>>) src(%dma_wait3A_234 : memref<3125x32xf32, #tpu.memory_space<vmem_shared>>) dst(%dma_wait3A_232 : memref<3125x32xf32, #tpu.memory_space<hbm>>)
      tpu.yield
    }) : () -> ()
    %mul3A_114 = arith.constant 25 : i32
    %mul3A_115 = arith.muli %arg1, %mul3A_114 : i32
    "tpu.region"() ({
      %run_scoped3A_228 = tpu.sem_alloc : memref<!tpu.dma_semaphore, #tpu.memory_space<semaphore_mem>>
      %dma_start3A_229 = arith.constant 0 : i32
      %dma_start3A_230 = tpu.memref_slice %arg5[%mul3A_115, %dma_start3A_229] : memref<400x128xi32, #tpu.memory_space<hbm>> -> memref<25x128xi32, #tpu.memory_space<hbm>>
      %dma_start3A_231 = arith.constant 0 : i32
      %dma_start3A_232 = tpu.memref_slice %arg5[%mul3A_115, %dma_start3A_231] : memref<400x128xi32, #tpu.memory_space<hbm>> -> memref<25x128xi32, #tpu.memory_space<hbm>>
      tpu.enqueue_dma source(%dma_start3A_232 : memref<25x128xi32, #tpu.memory_space<hbm>>) target(%arg8 : memref<25x128xi32, #tpu.memory_space<vmem>>) target_semaphore(%run_scoped3A_228 : memref<!tpu.dma_semaphore, #tpu.memory_space<semaphore_mem>>)
      %dma_wait3A_233 = arith.constant 0 : i32
      %dma_wait3A_234 = tpu.memref_slice %arg5[%mul3A_115, %dma_wait3A_233] : memref<400x128xi32, #tpu.memory_space<hbm>> -> memref<25x128xi32, #tpu.memory_space<hbm>>
      %dma_wait3A_235 = arith.constant 0 : i32
      %dma_wait3A_236 = tpu.memref_slice %arg5[%mul3A_115, %dma_wait3A_235] : memref<400x128xi32, #tpu.memory_space<hbm>> -> memref<25x128xi32, #tpu.memory_space<hbm>>
      tpu.wait_dma2 semaphore(%run_scoped3A_228 : memref<!tpu.dma_semaphore, #tpu.memory_space<semaphore_mem>>) src(%dma_wait3A_236 : memref<25x128xi32, #tpu.memory_space<hbm>>) dst(%arg8 : memref<25x128xi32, #tpu.memory_space<vmem>>)
      tpu.yield
    }) : () -> ()
    %mul3A_116 = arith.constant 25 : i32
    %mul3A_117 = arith.muli %arg1, %mul3A_116 : i32
    "tpu.region"() ({
      %run_scoped3A_228 = tpu.sem_alloc : memref<!tpu.dma_semaphore, #tpu.memory_space<semaphore_mem>>
      %dma_start3A_229 = arith.constant 0 : i32
      %dma_start3A_230 = tpu.memref_slice %arg6[%mul3A_117, %dma_start3A_229] : memref<400x128xi32, #tpu.memory_space<hbm>> -> memref<25x128xi32, #tpu.memory_space<hbm>>
      %dma_start3A_231 = arith.constant 0 : i32
      %dma_start3A_232 = tpu.memref_slice %arg6[%mul3A_117, %dma_start3A_231] : memref<400x128xi32, #tpu.memory_space<hbm>> -> memref<25x128xi32, #tpu.memory_space<hbm>>
      tpu.enqueue_dma source(%dma_start3A_232 : memref<25x128xi32, #tpu.memory_space<hbm>>) target(%arg9 : memref<25x128xi32, #tpu.memory_space<vmem>>) target_semaphore(%run_scoped3A_228 : memref<!tpu.dma_semaphore, #tpu.memory_space<semaphore_mem>>)
      %dma_wait3A_233 = arith.constant 0 : i32
      %dma_wait3A_234 = tpu.memref_slice %arg6[%mul3A_117, %dma_wait3A_233] : memref<400x128xi32, #tpu.memory_space<hbm>> -> memref<25x128xi32, #tpu.memory_space<hbm>>
      %dma_wait3A_235 = arith.constant 0 : i32
      %dma_wait3A_236 = tpu.memref_slice %arg6[%mul3A_117, %dma_wait3A_235] : memref<400x128xi32, #tpu.memory_space<hbm>> -> memref<25x128xi32, #tpu.memory_space<hbm>>
      tpu.wait_dma2 semaphore(%run_scoped3A_228 : memref<!tpu.dma_semaphore, #tpu.memory_space<semaphore_mem>>) src(%dma_wait3A_236 : memref<25x128xi32, #tpu.memory_space<hbm>>) dst(%arg9 : memref<25x128xi32, #tpu.memory_space<vmem>>)
      tpu.yield
    }) : () -> ()
    %add3A_118 = arith.constant 2 : i32
    %add3A_119 = arith.addi %add3A_118, %arg0 : i32
    %add3A_120 = arith.constant 0 : i32
    %add3A_121 = arith.addi %add3A_120, %arg0 : i32
    %mul3A_122 = arith.constant 3136 : i32
    %mul3A_123 = arith.muli %arg1, %mul3A_122 : i32
    %add3A_124 = arith.constant 0 : i32
    %add3A_125 = arith.addi %mul3A_123, %add3A_124 : i32
    %dma_start3A_126 = arith.constant 0 : i32
    %dma_start3A_127 = tpu.memref_slice %arg13[%add3A_125, %dma_start3A_126] : memref<50176x32xf32, #tpu.memory_space<vmem_shared>> -> memref<448x32xf32, #tpu.memory_space<vmem_shared>>
    %dma_start3A_128 = arith.constant 0 : i32
    %dma_start3A_129 = tpu.memref_slice %arg13[%add3A_125, %dma_start3A_128] : memref<50176x32xf32, #tpu.memory_space<vmem_shared>> -> memref<448x32xf32, #tpu.memory_space<vmem_shared>>
    tpu.enqueue_dma source(%arg12 : memref<448x32xf32, #tpu.memory_space<vmem>>) target(%dma_start3A_129 : memref<448x32xf32, #tpu.memory_space<vmem_shared>>) target_semaphore(%arg14 : memref<!tpu.dma_semaphore, #tpu.memory_space<semaphore_mem>>)
    %mul3A_130 = arith.constant 3136 : i32
    %mul3A_131 = arith.muli %arg1, %mul3A_130 : i32
    %add3A_132 = arith.constant 448 : i32
    %add3A_133 = arith.addi %mul3A_131, %add3A_132 : i32
    %dma_start3A_134 = arith.constant 0 : i32
    %dma_start3A_135 = tpu.memref_slice %arg13[%add3A_133, %dma_start3A_134] : memref<50176x32xf32, #tpu.memory_space<vmem_shared>> -> memref<448x32xf32, #tpu.memory_space<vmem_shared>>
    %dma_start3A_136 = arith.constant 0 : i32
    %dma_start3A_137 = tpu.memref_slice %arg13[%add3A_133, %dma_start3A_136] : memref<50176x32xf32, #tpu.memory_space<vmem_shared>> -> memref<448x32xf32, #tpu.memory_space<vmem_shared>>
    tpu.enqueue_dma source(%arg12 : memref<448x32xf32, #tpu.memory_space<vmem>>) target(%dma_start3A_137 : memref<448x32xf32, #tpu.memory_space<vmem_shared>>) target_semaphore(%arg14 : memref<!tpu.dma_semaphore, #tpu.memory_space<semaphore_mem>>)
    %mul3A_138 = arith.constant 3136 : i32
    %mul3A_139 = arith.muli %arg1, %mul3A_138 : i32
    %add3A_140 = arith.constant 896 : i32
    %add3A_141 = arith.addi %mul3A_139, %add3A_140 : i32
    %dma_start3A_142 = arith.constant 0 : i32
    %dma_start3A_143 = tpu.memref_slice %arg13[%add3A_141, %dma_start3A_142] : memref<50176x32xf32, #tpu.memory_space<vmem_shared>> -> memref<448x32xf32, #tpu.memory_space<vmem_shared>>
    %dma_start3A_144 = arith.constant 0 : i32
    %dma_start3A_145 = tpu.memref_slice %arg13[%add3A_141, %dma_start3A_144] : memref<50176x32xf32, #tpu.memory_space<vmem_shared>> -> memref<448x32xf32, #tpu.memory_space<vmem_shared>>
    tpu.enqueue_dma source(%arg12 : memref<448x32xf32, #tpu.memory_space<vmem>>) target(%dma_start3A_145 : memref<448x32xf32, #tpu.memory_space<vmem_shared>>) target_semaphore(%arg14 : memref<!tpu.dma_semaphore, #tpu.memory_space<semaphore_mem>>)
    %mul3A_146 = arith.constant 3136 : i32
    %mul3A_147 = arith.muli %arg1, %mul3A_146 : i32
    %add3A_148 = arith.constant 1344 : i32
    %add3A_149 = arith.addi %mul3A_147, %add3A_148 : i32
    %dma_start3A_150 = arith.constant 0 : i32
    %dma_start3A_151 = tpu.memref_slice %arg13[%add3A_149, %dma_start3A_150] : memref<50176x32xf32, #tpu.memory_space<vmem_shared>> -> memref<448x32xf32, #tpu.memory_space<vmem_shared>>
    %dma_start3A_152 = arith.constant 0 : i32
    %dma_start3A_153 = tpu.memref_slice %arg13[%add3A_149, %dma_start3A_152] : memref<50176x32xf32, #tpu.memory_space<vmem_shared>> -> memref<448x32xf32, #tpu.memory_space<vmem_shared>>
    tpu.enqueue_dma source(%arg12 : memref<448x32xf32, #tpu.memory_space<vmem>>) target(%dma_start3A_153 : memref<448x32xf32, #tpu.memory_space<vmem_shared>>) target_semaphore(%arg14 : memref<!tpu.dma_semaphore, #tpu.memory_space<semaphore_mem>>)
    %mul3A_154 = arith.constant 3136 : i32
    %mul3A_155 = arith.muli %arg1, %mul3A_154 : i32
    %add3A_156 = arith.constant 1792 : i32
    %add3A_157 = arith.addi %mul3A_155, %add3A_156 : i32
    %dma_start3A_158 = arith.constant 0 : i32
    %dma_start3A_159 = tpu.memref_slice %arg13[%add3A_157, %dma_start3A_158] : memref<50176x32xf32, #tpu.memory_space<vmem_shared>> -> memref<448x32xf32, #tpu.memory_space<vmem_shared>>
    %dma_start3A_160 = arith.constant 0 : i32
    %dma_start3A_161 = tpu.memref_slice %arg13[%add3A_157, %dma_start3A_160] : memref<50176x32xf32, #tpu.memory_space<vmem_shared>> -> memref<448x32xf32, #tpu.memory_space<vmem_shared>>
    tpu.enqueue_dma source(%arg12 : memref<448x32xf32, #tpu.memory_space<vmem>>) target(%dma_start3A_161 : memref<448x32xf32, #tpu.memory_space<vmem_shared>>) target_semaphore(%arg14 : memref<!tpu.dma_semaphore, #tpu.memory_space<semaphore_mem>>)
    %mul3A_162 = arith.constant 3136 : i32
    %mul3A_163 = arith.muli %arg1, %mul3A_162 : i32
    %add3A_164 = arith.constant 2240 : i32
    %add3A_165 = arith.addi %mul3A_163, %add3A_164 : i32
    %dma_start3A_166 = arith.constant 0 : i32
    %dma_start3A_167 = tpu.memref_slice %arg13[%add3A_165, %dma_start3A_166] : memref<50176x32xf32, #tpu.memory_space<vmem_shared>> -> memref<448x32xf32, #tpu.memory_space<vmem_shared>>
    %dma_start3A_168 = arith.constant 0 : i32
    %dma_start3A_169 = tpu.memref_slice %arg13[%add3A_165, %dma_start3A_168] : memref<50176x32xf32, #tpu.memory_space<vmem_shared>> -> memref<448x32xf32, #tpu.memory_space<vmem_shared>>
    tpu.enqueue_dma source(%arg12 : memref<448x32xf32, #tpu.memory_space<vmem>>) target(%dma_start3A_169 : memref<448x32xf32, #tpu.memory_space<vmem_shared>>) target_semaphore(%arg14 : memref<!tpu.dma_semaphore, #tpu.memory_space<semaphore_mem>>)
    %mul3A_170 = arith.constant 3136 : i32
    %mul3A_171 = arith.muli %arg1, %mul3A_170 : i32
    %add3A_172 = arith.constant 2688 : i32
    %add3A_173 = arith.addi %mul3A_171, %add3A_172 : i32
    %dma_start3A_174 = arith.constant 0 : i32
    %dma_start3A_175 = tpu.memref_slice %arg13[%add3A_173, %dma_start3A_174] : memref<50176x32xf32, #tpu.memory_space<vmem_shared>> -> memref<448x32xf32, #tpu.memory_space<vmem_shared>>
    %dma_start3A_176 = arith.constant 0 : i32
    %dma_start3A_177 = tpu.memref_slice %arg13[%add3A_173, %dma_start3A_176] : memref<50176x32xf32, #tpu.memory_space<vmem_shared>> -> memref<448x32xf32, #tpu.memory_space<vmem_shared>>
    tpu.enqueue_dma source(%arg12 : memref<448x32xf32, #tpu.memory_space<vmem>>) target(%dma_start3A_177 : memref<448x32xf32, #tpu.memory_space<vmem_shared>>) target_semaphore(%arg14 : memref<!tpu.dma_semaphore, #tpu.memory_space<semaphore_mem>>)
    %scan3A_178 = arith.constant 0 : i32
    %scan3A_179 = arith.constant 0 : i32
    %scan3A_180 = arith.constant 200 : i32
    %scan3A_181 = arith.addi %scan3A_179, %scan3A_180 : i32
    %scan3A_182 = arith.constant 1 : i32
    scf.for %scan3A_228 = %scan3A_179 to %scan3A_181 step %scan3A_182  : i32 {
      %jit3A = arith.constant 8 : i32
      %div3A = arith.divsi %scan3A_228, %jit3A : i32
      %sign3A = arith.constant 0 : i32
      %sign3A_229 = arith.cmpi sgt, %scan3A_228, %sign3A : i32
      %sign3A_230 = arith.extui %sign3A_229 : i1 to i32
      %sign3A_231 = arith.constant 0 : i32
      %sign3A_232 = arith.cmpi slt, %scan3A_228, %sign3A_231 : i32
      %sign3A_233 = arith.extui %sign3A_232 : i1 to i32
      %sign3A_234 = arith.subi %sign3A_230, %sign3A_233 : i32
      %sign3A_235 = arith.constant 0 : i32
      %sign3A_236 = arith.cmpi sgt, %jit3A, %sign3A_235 : i32
      %sign3A_237 = arith.extui %sign3A_236 : i1 to i32
      %sign3A_238 = arith.constant 0 : i32
      %sign3A_239 = arith.cmpi slt, %jit3A, %sign3A_238 : i32
      %sign3A_240 = arith.extui %sign3A_239 : i1 to i32
      %sign3A_241 = arith.subi %sign3A_237, %sign3A_240 : i32
      %ne3A = arith.cmpi ne, %sign3A_234, %sign3A_241 : i32
      %rem3A = arith.remsi %scan3A_228, %jit3A : i32
      %ne3A_242 = arith.constant 0 : i32
      %ne3A_243 = arith.cmpi ne, %rem3A, %ne3A_242 : i32
      %and3A = arith.andi %ne3A, %ne3A_243 : i1
      %sub3A = arith.constant 1 : i32
      %sub3A_244 = arith.subi %div3A, %sub3A : i32
      %select_n3A = arith.select %and3A, %sub3A_244, %div3A : i32
      %jit3A_245 = arith.constant 8 : i32
      %eq3A = arith.constant 0 : i32
      %eq3A_246 = arith.cmpi eq, %jit3A_245, %eq3A : i32
      %jit3A_247 = arith.constant 1 : i32
      %select_n3A_248 = arith.select %eq3A_246, %jit3A_247, %jit3A_245 : i32
      %rem3A_249 = arith.remsi %scan3A_228, %select_n3A_248 : i32
      %ne3A_250 = arith.constant 0 : i32
      %ne3A_251 = arith.cmpi ne, %rem3A_249, %ne3A_250 : i32
      %lt3A = arith.constant 0 : i32
      %lt3A_252 = arith.cmpi slt, %rem3A_249, %lt3A : i32
      %lt3A_253 = arith.constant 0 : i32
      %lt3A_254 = arith.cmpi slt, %select_n3A_248, %lt3A_253 : i32
      %ne3A_255 = arith.xori %lt3A_252, %lt3A_254 : i1
      %and3A_256 = arith.andi %ne3A_255, %ne3A_251 : i1
      %add3A_257 = arith.addi %rem3A_249, %select_n3A_248 : i32
      %select_n3A_258 = arith.select %and3A_256, %add3A_257, %rem3A_249 : i32
      %mul3A_259 = arith.constant 16 : i32
      %mul3A_260 = arith.muli %select_n3A_258, %mul3A_259 : i32
      %get3A = arith.index_cast %select_n3A : i32 to index
      %get3A_261 = arith.index_cast %mul3A_260 : i32 to index
      %get3A_262 = tpu.vector_load %arg8[%get3A, %get3A_261] {strides = array<i32>} : memref<25x128xi32, #tpu.memory_space<vmem>>, vector<1x16xi32>,
      %get3A_263 = vector.shape_cast %get3A_262 : vector<1x16xi32> to vector<16xi32>
      %mul3A_264 = arith.constant 4 : i32
      %mul3A_265 = vector.broadcast %mul3A_264 : i32 to vector<16xi32>
      %mul3A_266 = arith.muli %get3A_263, %mul3A_265 : vector<16xi32>
      %add3A_267 = vector.broadcast %add3A_119 : i32 to vector<16xi32>
      %add3A_268 = arith.addi %mul3A_266, %add3A_267 : vector<16xi32>
      %swap3A = arith.index_cast %select_n3A : i32 to index
      %swap3A_269 = arith.index_cast %mul3A_260 : i32 to index
      %swap3A_270 = tpu.vector_load %arg8[%swap3A, %swap3A_269] {strides = array<i32>} : memref<25x128xi32, #tpu.memory_space<vmem>>, vector<1x16xi32>,
      %swap3A_271 = vector.shape_cast %swap3A_270 : vector<1x16xi32> to vector<16xi32>
      %swap3A_272 = vector.shape_cast %add3A_268 : vector<16xi32> to vector<1x16xi32>
      tpu.vector_store %arg8[%swap3A, %swap3A_269], %swap3A_272 {strides = array<i32>} : memref<25x128xi32, #tpu.memory_space<vmem>>, vector<1x16xi32>,
    }
    %scan3A_183 = arith.constant 200 : i32
    %dma_wait3A_184 = arith.constant 0 : i32
    %dma_wait3A_185 = tpu.memref_slice %arg13[%add3A_125, %dma_wait3A_184] : memref<50176x32xf32, #tpu.memory_space<vmem_shared>> -> memref<448x32xf32, #tpu.memory_space<vmem_shared>>
    %dma_wait3A_186 = arith.constant 0 : i32
    %dma_wait3A_187 = tpu.memref_slice %arg13[%add3A_125, %dma_wait3A_186] : memref<50176x32xf32, #tpu.memory_space<vmem_shared>> -> memref<448x32xf32, #tpu.memory_space<vmem_shared>>
    tpu.wait_dma2 semaphore(%arg14 : memref<!tpu.dma_semaphore, #tpu.memory_space<semaphore_mem>>) src(%arg12 : memref<448x32xf32, #tpu.memory_space<vmem>>) dst(%dma_wait3A_187 : memref<448x32xf32, #tpu.memory_space<vmem_shared>>)
    %dma_wait3A_188 = arith.constant 0 : i32
    %dma_wait3A_189 = tpu.memref_slice %arg13[%add3A_133, %dma_wait3A_188] : memref<50176x32xf32, #tpu.memory_space<vmem_shared>> -> memref<448x32xf32, #tpu.memory_space<vmem_shared>>
    %dma_wait3A_190 = arith.constant 0 : i32
    %dma_wait3A_191 = tpu.memref_slice %arg13[%add3A_133, %dma_wait3A_190] : memref<50176x32xf32, #tpu.memory_space<vmem_shared>> -> memref<448x32xf32, #tpu.memory_space<vmem_shared>>
    tpu.wait_dma2 semaphore(%arg14 : memref<!tpu.dma_semaphore, #tpu.memory_space<semaphore_mem>>) src(%arg12 : memref<448x32xf32, #tpu.memory_space<vmem>>) dst(%dma_wait3A_191 : memref<448x32xf32, #tpu.memory_space<vmem_shared>>)
    %dma_wait3A_192 = arith.constant 0 : i32
    %dma_wait3A_193 = tpu.memref_slice %arg13[%add3A_141, %dma_wait3A_192] : memref<50176x32xf32, #tpu.memory_space<vmem_shared>> -> memref<448x32xf32, #tpu.memory_space<vmem_shared>>
    %dma_wait3A_194 = arith.constant 0 : i32
    %dma_wait3A_195 = tpu.memref_slice %arg13[%add3A_141, %dma_wait3A_194] : memref<50176x32xf32, #tpu.memory_space<vmem_shared>> -> memref<448x32xf32, #tpu.memory_space<vmem_shared>>
    tpu.wait_dma2 semaphore(%arg14 : memref<!tpu.dma_semaphore, #tpu.memory_space<semaphore_mem>>) src(%arg12 : memref<448x32xf32, #tpu.memory_space<vmem>>) dst(%dma_wait3A_195 : memref<448x32xf32, #tpu.memory_space<vmem_shared>>)
    %dma_wait3A_196 = arith.constant 0 : i32
    %dma_wait3A_197 = tpu.memref_slice %arg13[%add3A_149, %dma_wait3A_196] : memref<50176x32xf32, #tpu.memory_space<vmem_shared>> -> memref<448x32xf32, #tpu.memory_space<vmem_shared>>
    %dma_wait3A_198 = arith.constant 0 : i32
    %dma_wait3A_199 = tpu.memref_slice %arg13[%add3A_149, %dma_wait3A_198] : memref<50176x32xf32, #tpu.memory_space<vmem_shared>> -> memref<448x32xf32, #tpu.memory_space<vmem_shared>>
    tpu.wait_dma2 semaphore(%arg14 : memref<!tpu.dma_semaphore, #tpu.memory_space<semaphore_mem>>) src(%arg12 : memref<448x32xf32, #tpu.memory_space<vmem>>) dst(%dma_wait3A_199 : memref<448x32xf32, #tpu.memory_space<vmem_shared>>)
    %dma_wait3A_200 = arith.constant 0 : i32
    %dma_wait3A_201 = tpu.memref_slice %arg13[%add3A_157, %dma_wait3A_200] : memref<50176x32xf32, #tpu.memory_space<vmem_shared>> -> memref<448x32xf32, #tpu.memory_space<vmem_shared>>
    %dma_wait3A_202 = arith.constant 0 : i32
    %dma_wait3A_203 = tpu.memref_slice %arg13[%add3A_157, %dma_wait3A_202] : memref<50176x32xf32, #tpu.memory_space<vmem_shared>> -> memref<448x32xf32, #tpu.memory_space<vmem_shared>>
    tpu.wait_dma2 semaphore(%arg14 : memref<!tpu.dma_semaphore, #tpu.memory_space<semaphore_mem>>) src(%arg12 : memref<448x32xf32, #tpu.memory_space<vmem>>) dst(%dma_wait3A_203 : memref<448x32xf32, #tpu.memory_space<vmem_shared>>)
    %dma_wait3A_204 = arith.constant 0 : i32
    %dma_wait3A_205 = tpu.memref_slice %arg13[%add3A_165, %dma_wait3A_204] : memref<50176x32xf32, #tpu.memory_space<vmem_shared>> -> memref<448x32xf32, #tpu.memory_space<vmem_shared>>
    %dma_wait3A_206 = arith.constant 0 : i32
    %dma_wait3A_207 = tpu.memref_slice %arg13[%add3A_165, %dma_wait3A_206] : memref<50176x32xf32, #tpu.memory_space<vmem_shared>> -> memref<448x32xf32, #tpu.memory_space<vmem_shared>>
    tpu.wait_dma2 semaphore(%arg14 : memref<!tpu.dma_semaphore, #tpu.memory_space<semaphore_mem>>) src(%arg12 : memref<448x32xf32, #tpu.memory_space<vmem>>) dst(%dma_wait3A_207 : memref<448x32xf32, #tpu.memory_space<vmem_shared>>)
    %dma_wait3A_208 = arith.constant 0 : i32
    %dma_wait3A_209 = tpu.memref_slice %arg13[%add3A_173, %dma_wait3A_208] : memref<50176x32xf32, #tpu.memory_space<vmem_shared>> -> memref<448x32xf32, #tpu.memory_space<vmem_shared>>
    %dma_wait3A_210 = arith.constant 0 : i32
    %dma_wait3A_211 = tpu.memref_slice %arg13[%add3A_173, %dma_wait3A_210] : memref<50176x32xf32, #tpu.memory_space<vmem_shared>> -> memref<448x32xf32, #tpu.memory_space<vmem_shared>>
    tpu.wait_dma2 semaphore(%arg14 : memref<!tpu.dma_semaphore, #tpu.memory_space<semaphore_mem>>) src(%arg12 : memref<448x32xf32, #tpu.memory_space<vmem>>) dst(%dma_wait3A_211 : memref<448x32xf32, #tpu.memory_space<vmem_shared>>)
    %barrier3A_212 = arith.constant 0 : index
    tpu.barrier barrier_id(%barrier3A_212)
    %run_scoped3A_213 = arith.constant 0 : i32
    "tpu.region"() ({
      %run_scoped3A_228 = tpu.sem_alloc : memref<!tpu.dma_semaphore, #tpu.memory_space<semaphore_mem>>
      %dma_start3A_229 = arith.constant 0 : i32
      %dma_start3A_230 = tpu.memref_slice %arg8[%run_scoped3A_213, %dma_start3A_229] : memref<25x128xi32, #tpu.memory_space<vmem>> -> memref<1x128xi32, #tpu.memory_space<vmem>>
      %dma_start3A_231 = tpu.memref_squeeze %dma_start3A_230 : memref<1x128xi32, #tpu.memory_space<vmem>> -> memref<128xi32, #tpu.memory_space<vmem>>
      %dma_start3A_232 = arith.constant 0 : i32
      %dma_start3A_233 = arith.constant 0 : i32
      %dma_start3A_234 = tpu.memref_slice %arg2[%dma_start3A_232, %dma_start3A_233] : memref<200000x32xf32, #tpu.memory_space<hbm>> -> memref<200000x32xf32, #tpu.memory_space<hbm>>
      tpu.enqueue_indirect_dma source(%dma_start3A_234 : memref<200000x32xf32, #tpu.memory_space<hbm>>) target(%arg10 : memref<128x32xf32, #tpu.memory_space<vmem>>) offsets(%dma_start3A_231 : memref<128xi32, #tpu.memory_space<vmem>>) semaphore(%run_scoped3A_228 : memref<!tpu.dma_semaphore, #tpu.memory_space<semaphore_mem>>)
      %dma_wait3A_235 = arith.constant 0 : i32
      %dma_wait3A_236 = tpu.memref_slice %arg8[%run_scoped3A_213, %dma_wait3A_235] : memref<25x128xi32, #tpu.memory_space<vmem>> -> memref<1x128xi32, #tpu.memory_space<vmem>>
      %dma_wait3A_237 = tpu.memref_squeeze %dma_wait3A_236 : memref<1x128xi32, #tpu.memory_space<vmem>> -> memref<128xi32, #tpu.memory_space<vmem>>
      %dma_wait3A_238 = arith.constant 0 : i32
      %dma_wait3A_239 = arith.constant 0 : i32
      %dma_wait3A_240 = tpu.memref_slice %arg2[%dma_wait3A_238, %dma_wait3A_239] : memref<200000x32xf32, #tpu.memory_space<hbm>> -> memref<200000x32xf32, #tpu.memory_space<hbm>>
      tpu.wait_indirect_dma semaphore(%run_scoped3A_228 : memref<!tpu.dma_semaphore, #tpu.memory_space<semaphore_mem>>) src(%dma_wait3A_240 : memref<200000x32xf32, #tpu.memory_space<hbm>>) dst(%arg10 : memref<128x32xf32, #tpu.memory_space<vmem>>)
      tpu.yield
    }) : () -> ()
    %scan3A_214 = arith.constant 0 : i32
    %scan3A_215 = arith.constant 0 : i32
    %scan3A_216 = arith.constant 12 : i32
    %scan3A_217 = arith.addi %scan3A_215, %scan3A_216 : i32
    %scan3A_218 = arith.constant 1 : i32
    scf.for %scan3A_228 = %scan3A_215 to %scan3A_217 step %scan3A_218  : i32 {
      %mul3A_229 = arith.constant 2 : i32
      %mul3A_230 = arith.muli %scan3A_228, %mul3A_229 : i32
      %add3A_231 = arith.constant 1 : i32
      %add3A_232 = arith.addi %mul3A_230, %add3A_231 : i32
      %dma_start3A_233 = arith.constant 0 : i32
      %dma_start3A_234 = tpu.memref_slice %arg8[%add3A_232, %dma_start3A_233] : memref<25x128xi32, #tpu.memory_space<vmem>> -> memref<1x128xi32, #tpu.memory_space<vmem>>
      %dma_start3A_235 = tpu.memref_squeeze %dma_start3A_234 : memref<1x128xi32, #tpu.memory_space<vmem>> -> memref<128xi32, #tpu.memory_space<vmem>>
      %dma_start3A_236 = arith.constant 0 : i32
      %dma_start3A_237 = arith.constant 0 : i32
      %dma_start3A_238 = tpu.memref_slice %arg2[%dma_start3A_236, %dma_start3A_237] : memref<200000x32xf32, #tpu.memory_space<hbm>> -> memref<200000x32xf32, #tpu.memory_space<hbm>>
      tpu.enqueue_indirect_dma source(%dma_start3A_238 : memref<200000x32xf32, #tpu.memory_space<hbm>>) target(%arg11 : memref<128x32xf32, #tpu.memory_space<vmem>>) offsets(%dma_start3A_235 : memref<128xi32, #tpu.memory_space<vmem>>) semaphore(%arg15 : memref<!tpu.dma_semaphore, #tpu.memory_space<semaphore_mem>>)
      "tpu.region"() ({
        %run_scoped3A_261 = tpu.sem_alloc : memref<!tpu.dma_semaphore, #tpu.memory_space<semaphore_mem>>
        %dma_start3A_262 = arith.constant 0 : i32
        %dma_start3A_263 = tpu.memref_slice %arg9[%mul3A_230, %dma_start3A_262] : memref<25x128xi32, #tpu.memory_space<vmem>> -> memref<1x128xi32, #tpu.memory_space<vmem>>
        %dma_start3A_264 = tpu.memref_squeeze %dma_start3A_263 : memref<1x128xi32, #tpu.memory_space<vmem>> -> memref<128xi32, #tpu.memory_space<vmem>>
        %dma_start3A_265 = arith.constant 0 : i32
        %dma_start3A_266 = arith.constant 0 : i32
        %dma_start3A_267 = tpu.memref_slice %arg13[%dma_start3A_265, %dma_start3A_266] : memref<50176x32xf32, #tpu.memory_space<vmem_shared>> -> memref<50176x32xf32, #tpu.memory_space<vmem_shared>>
        tpu.enqueue_indirect_dma source(%arg10 : memref<128x32xf32, #tpu.memory_space<vmem>>) target(%dma_start3A_267 : memref<50176x32xf32, #tpu.memory_space<vmem_shared>>) offsets(%dma_start3A_264 : memref<128xi32, #tpu.memory_space<vmem>>) semaphore(%run_scoped3A_261 : memref<!tpu.dma_semaphore, #tpu.memory_space<semaphore_mem>>) {add = true}
        %dma_wait3A_268 = arith.constant 0 : i32
        %dma_wait3A_269 = tpu.memref_slice %arg9[%mul3A_230, %dma_wait3A_268] : memref<25x128xi32, #tpu.memory_space<vmem>> -> memref<1x128xi32, #tpu.memory_space<vmem>>
        %dma_wait3A_270 = tpu.memref_squeeze %dma_wait3A_269 : memref<1x128xi32, #tpu.memory_space<vmem>> -> memref<128xi32, #tpu.memory_space<vmem>>
        %dma_wait3A_271 = arith.constant 0 : i32
        %dma_wait3A_272 = arith.constant 0 : i32
        %dma_wait3A_273 = tpu.memref_slice %arg13[%dma_wait3A_271, %dma_wait3A_272] : memref<50176x32xf32, #tpu.memory_space<vmem_shared>> -> memref<50176x32xf32, #tpu.memory_space<vmem_shared>>
        tpu.wait_indirect_dma semaphore(%run_scoped3A_261 : memref<!tpu.dma_semaphore, #tpu.memory_space<semaphore_mem>>) src(%arg10 : memref<128x32xf32, #tpu.memory_space<vmem>>) dst(%dma_wait3A_273 : memref<50176x32xf32, #tpu.memory_space<vmem_shared>>)
        tpu.yield
      }) : () -> ()
      %dma_wait3A_239 = arith.constant 0 : i32
      %dma_wait3A_240 = tpu.memref_slice %arg8[%add3A_232, %dma_wait3A_239] : memref<25x128xi32, #tpu.memory_space<vmem>> -> memref<1x128xi32, #tpu.memory_space<vmem>>
      %dma_wait3A_241 = tpu.memref_squeeze %dma_wait3A_240 : memref<1x128xi32, #tpu.memory_space<vmem>> -> memref<128xi32, #tpu.memory_space<vmem>>
      %dma_wait3A_242 = arith.constant 0 : i32
      %dma_wait3A_243 = arith.constant 0 : i32
      %dma_wait3A_244 = tpu.memref_slice %arg2[%dma_wait3A_242, %dma_wait3A_243] : memref<200000x32xf32, #tpu.memory_space<hbm>> -> memref<200000x32xf32, #tpu.memory_space<hbm>>
      tpu.wait_indirect_dma semaphore(%arg15 : memref<!tpu.dma_semaphore, #tpu.memory_space<semaphore_mem>>) src(%dma_wait3A_244 : memref<200000x32xf32, #tpu.memory_space<hbm>>) dst(%arg11 : memref<128x32xf32, #tpu.memory_space<vmem>>)
      %add3A_245 = arith.constant 2 : i32
      %add3A_246 = arith.addi %mul3A_230, %add3A_245 : i32
      %dma_start3A_247 = arith.constant 0 : i32
      %dma_start3A_248 = tpu.memref_slice %arg8[%add3A_246, %dma_start3A_247] : memref<25x128xi32, #tpu.memory_space<vmem>> -> memref<1x128xi32, #tpu.memory_space<vmem>>
      %dma_start3A_249 = tpu.memref_squeeze %dma_start3A_248 : memref<1x128xi32, #tpu.memory_space<vmem>> -> memref<128xi32, #tpu.memory_space<vmem>>
      %dma_start3A_250 = arith.constant 0 : i32
      %dma_start3A_251 = arith.constant 0 : i32
      %dma_start3A_252 = tpu.memref_slice %arg2[%dma_start3A_250, %dma_start3A_251] : memref<200000x32xf32, #tpu.memory_space<hbm>> -> memref<200000x32xf32, #tpu.memory_space<hbm>>
      tpu.enqueue_indirect_dma source(%dma_start3A_252 : memref<200000x32xf32, #tpu.memory_space<hbm>>) target(%arg10 : memref<128x32xf32, #tpu.memory_space<vmem>>) offsets(%dma_start3A_249 : memref<128xi32, #tpu.memory_space<vmem>>) semaphore(%arg14 : memref<!tpu.dma_semaphore, #tpu.memory_space<semaphore_mem>>)
      %add3A_253 = arith.constant 1 : i32
      %add3A_254 = arith.addi %mul3A_230, %add3A_253 : i32
      "tpu.region"() ({
        %run_scoped3A_261 = tpu.sem_alloc : memref<!tpu.dma_semaphore, #tpu.memory_space<semaphore_mem>>
        %dma_start3A_262 = arith.constant 0 : i32
        %dma_start3A_263 = tpu.memref_slice %arg9[%add3A_254, %dma_start3A_262] : memref<25x128xi32, #tpu.memory_space<vmem>> -> memref<1x128xi32, #tpu.memory_space<vmem>>
        %dma_start3A_264 = tpu.memref_squeeze %dma_start3A_263 : memref<1x128xi32, #tpu.memory_space<vmem>> -> memref<128xi32, #tpu.memory_space<vmem>>
        %dma_start3A_265 = arith.constant 0 : i32
        %dma_start3A_266 = arith.constant 0 : i32
        %dma_start3A_267 = tpu.memref_slice %arg13[%dma_start3A_265, %dma_start3A_266] : memref<50176x32xf32, #tpu.memory_space<vmem_shared>> -> memref<50176x32xf32, #tpu.memory_space<vmem_shared>>
        tpu.enqueue_indirect_dma source(%arg11 : memref<128x32xf32, #tpu.memory_space<vmem>>) target(%dma_start3A_267 : memref<50176x32xf32, #tpu.memory_space<vmem_shared>>) offsets(%dma_start3A_264 : memref<128xi32, #tpu.memory_space<vmem>>) semaphore(%run_scoped3A_261 : memref<!tpu.dma_semaphore, #tpu.memory_space<semaphore_mem>>) {add = true}
        %dma_wait3A_268 = arith.constant 0 : i32
        %dma_wait3A_269 = tpu.memref_slice %arg9[%add3A_254, %dma_wait3A_268] : memref<25x128xi32, #tpu.memory_space<vmem>> -> memref<1x128xi32, #tpu.memory_space<vmem>>
        %dma_wait3A_270 = tpu.memref_squeeze %dma_wait3A_269 : memref<1x128xi32, #tpu.memory_space<vmem>> -> memref<128xi32, #tpu.memory_space<vmem>>
        %dma_wait3A_271 = arith.constant 0 : i32
        %dma_wait3A_272 = arith.constant 0 : i32
        %dma_wait3A_273 = tpu.memref_slice %arg13[%dma_wait3A_271, %dma_wait3A_272] : memref<50176x32xf32, #tpu.memory_space<vmem_shared>> -> memref<50176x32xf32, #tpu.memory_space<vmem_shared>>
        tpu.wait_indirect_dma semaphore(%run_scoped3A_261 : memref<!tpu.dma_semaphore, #tpu.memory_space<semaphore_mem>>) src(%arg11 : memref<128x32xf32, #tpu.memory_space<vmem>>) dst(%dma_wait3A_273 : memref<50176x32xf32, #tpu.memory_space<vmem_shared>>)
        tpu.yield
      }) : () -> ()
      %dma_wait3A_255 = arith.constant 0 : i32
      %dma_wait3A_256 = tpu.memref_slice %arg8[%add3A_246, %dma_wait3A_255] : memref<25x128xi32, #tpu.memory_space<vmem>> -> memref<1x128xi32, #tpu.memory_space<vmem>>
      %dma_wait3A_257 = tpu.memref_squeeze %dma_wait3A_256 : memref<1x128xi32, #tpu.memory_space<vmem>> -> memref<128xi32, #tpu.memory_space<vmem>>
      %dma_wait3A_258 = arith.constant 0 : i32
      %dma_wait3A_259 = arith.constant 0 : i32
      %dma_wait3A_260 = tpu.memref_slice %arg2[%dma_wait3A_258, %dma_wait3A_259] : memref<200000x32xf32, #tpu.memory_space<hbm>> -> memref<200000x32xf32, #tpu.memory_space<hbm>>
      tpu.wait_indirect_dma semaphore(%arg14 : memref<!tpu.dma_semaphore, #tpu.memory_space<semaphore_mem>>) src(%dma_wait3A_260 : memref<200000x32xf32, #tpu.memory_space<hbm>>) dst(%arg10 : memref<128x32xf32, #tpu.memory_space<vmem>>)
    }
    %scan3A_219 = arith.constant 12 : i32
    %run_scoped3A_220 = arith.constant 24 : i32
    "tpu.region"() ({
      %run_scoped3A_228 = tpu.sem_alloc : memref<!tpu.dma_semaphore, #tpu.memory_space<semaphore_mem>>
      %dma_start3A_229 = arith.constant 0 : i32
      %dma_start3A_230 = tpu.memref_slice %arg9[%run_scoped3A_220, %dma_start3A_229] : memref<25x128xi32, #tpu.memory_space<vmem>> -> memref<1x128xi32, #tpu.memory_space<vmem>>
      %dma_start3A_231 = tpu.memref_squeeze %dma_start3A_230 : memref<1x128xi32, #tpu.memory_space<vmem>> -> memref<128xi32, #tpu.memory_space<vmem>>
      %dma_start3A_232 = arith.constant 0 : i32
      %dma_start3A_233 = arith.constant 0 : i32
      %dma_start3A_234 = tpu.memref_slice %arg13[%dma_start3A_232, %dma_start3A_233] : memref<50176x32xf32, #tpu.memory_space<vmem_shared>> -> memref<50176x32xf32, #tpu.memory_space<vmem_shared>>
      tpu.enqueue_indirect_dma source(%arg10 : memref<128x32xf32, #tpu.memory_space<vmem>>) target(%dma_start3A_234 : memref<50176x32xf32, #tpu.memory_space<vmem_shared>>) offsets(%dma_start3A_231 : memref<128xi32, #tpu.memory_space<vmem>>) semaphore(%run_scoped3A_228 : memref<!tpu.dma_semaphore, #tpu.memory_space<semaphore_mem>>) {add = true}
      %dma_wait3A_235 = arith.constant 0 : i32
      %dma_wait3A_236 = tpu.memref_slice %arg9[%run_scoped3A_220, %dma_wait3A_235] : memref<25x128xi32, #tpu.memory_space<vmem>> -> memref<1x128xi32, #tpu.memory_space<vmem>>
      %dma_wait3A_237 = tpu.memref_squeeze %dma_wait3A_236 : memref<1x128xi32, #tpu.memory_space<vmem>> -> memref<128xi32, #tpu.memory_space<vmem>>
      %dma_wait3A_238 = arith.constant 0 : i32
      %dma_wait3A_239 = arith.constant 0 : i32
      %dma_wait3A_240 = tpu.memref_slice %arg13[%dma_wait3A_238, %dma_wait3A_239] : memref<50176x32xf32, #tpu.memory_space<vmem_shared>> -> memref<50176x32xf32, #tpu.memory_space<vmem_shared>>
      tpu.wait_indirect_dma semaphore(%run_scoped3A_228 : memref<!tpu.dma_semaphore, #tpu.memory_space<semaphore_mem>>) src(%arg10 : memref<128x32xf32, #tpu.memory_space<vmem>>) dst(%dma_wait3A_240 : memref<50176x32xf32, #tpu.memory_space<vmem_shared>>)
      tpu.yield
    }) : () -> ()
    %barrier3A_221 = arith.constant 0 : index
    tpu.barrier barrier_id(%barrier3A_221)
    %mul3A_222 = arith.constant 3125 : i32
    %mul3A_223 = arith.muli %arg1, %mul3A_222 : i32
    %mul3A_224 = arith.constant 3125 : i32
    %mul3A_225 = arith.muli %arg1, %mul3A_224 : i32
    %mul3A_226 = arith.constant 32 : i32
    %mul3A_227 = arith.muli %add3A_121, %mul3A_226 : i32
    "tpu.region"() ({
      %run_scoped3A_228 = tpu.sem_alloc : memref<!tpu.dma_semaphore, #tpu.memory_space<semaphore_mem>>
      %dma_start3A_229 = tpu.memref_slice %arg7[%mul3A_225, %mul3A_227] : memref<50000x128xf32, #tpu.memory_space<hbm>> -> memref<3125x32xf32, #tpu.memory_space<hbm>>
      %dma_start3A_230 = arith.constant 0 : i32
      %dma_start3A_231 = tpu.memref_slice %arg13[%mul3A_223, %dma_start3A_230] : memref<50176x32xf32, #tpu.memory_space<vmem_shared>> -> memref<3125x32xf32, #tpu.memory_space<vmem_shared>>
      tpu.enqueue_dma source(%dma_start3A_231 : memref<3125x32xf32, #tpu.memory_space<vmem_shared>>) target(%dma_start3A_229 : memref<3125x32xf32, #tpu.memory_space<hbm>>) target_semaphore(%run_scoped3A_228 : memref<!tpu.dma_semaphore, #tpu.memory_space<semaphore_mem>>)
      %dma_wait3A_232 = tpu.memref_slice %arg7[%mul3A_225, %mul3A_227] : memref<50000x128xf32, #tpu.memory_space<hbm>> -> memref<3125x32xf32, #tpu.memory_space<hbm>>
      %dma_wait3A_233 = arith.constant 0 : i32
      %dma_wait3A_234 = tpu.memref_slice %arg13[%mul3A_223, %dma_wait3A_233] : memref<50176x32xf32, #tpu.memory_space<vmem_shared>> -> memref<3125x32xf32, #tpu.memory_space<vmem_shared>>
      tpu.wait_dma2 semaphore(%run_scoped3A_228 : memref<!tpu.dma_semaphore, #tpu.memory_space<semaphore_mem>>) src(%dma_wait3A_234 : memref<3125x32xf32, #tpu.memory_space<vmem_shared>>) dst(%dma_wait3A_232 : memref<3125x32xf32, #tpu.memory_space<hbm>>)
      tpu.yield
    }) : () -> ()
    return
  }
}

#map = affine_map<(d0, d1) -> (0, 0)>
module attributes {stable_mosaic.version = 14 : i64} {
  func.func @_agg_kernel(%arg0: i32, %arg1: i32, %arg2: memref<200000x32xf32, #tpu.memory_space<hbm>>, %arg3: memref<400x128xi32, #tpu.memory_space<hbm>>, %arg4: memref<400x128xi32, #tpu.memory_space<hbm>>, %arg5: memref<400x128xi32, #tpu.memory_space<hbm>>, %arg6: memref<400x128xi32, #tpu.memory_space<hbm>>, %arg7: memref<50000x128xf32, #tpu.memory_space<hbm>>, %arg8: memref<25x128xi32, #tpu.memory_space<vmem>>, %arg9: memref<25x128xi32, #tpu.memory_space<vmem>>, %arg10: memref<128x32xf32, #tpu.memory_space<vmem>>, %arg11: memref<128x32xf32, #tpu.memory_space<vmem>>, %arg12: memref<448x32xf32, #tpu.memory_space<vmem>>, %arg13: memref<50176x32xf32, #tpu.memory_space<vmem_shared>>, %arg14: memref<!tpu.dma_semaphore, #tpu.memory_space<semaphore_mem>>, %arg15: memref<!tpu.dma_semaphore, #tpu.memory_space<semaphore_mem>>) attributes {dimension_semantics = [#tpu.dimension_semantics<core_parallel>, #tpu.dimension_semantics<subcore_parallel>], iteration_bounds = array<i64: 2, 16>, scalar_prefetch = 0 : i64, scratch_operands = 8 : i64, tpu.core_type = #tpu.core_type<sc_vector_subcore>, window_params = [{transform_indices = #map}, {transform_indices = #map}, {transform_indices = #map}, {transform_indices = #map}, {transform_indices = #map}, {transform_indices = #map}]} {
    %broadcast_in_dim3A = arith.constant 0.000000e+00 : f32
    %broadcast_in_dim3A_0 = vector.broadcast %broadcast_in_dim3A : f32 to vector<16xf32>
    %scan3A = arith.constant 0 : i32
    %scan3A_1 = arith.constant 0 : i32
    %scan3A_2 = arith.constant 896 : i32
    %scan3A_3 = arith.addi %scan3A_1, %scan3A_2 : i32
    %scan3A_4 = arith.constant 1 : i32
    scf.for %scan3A_228 = %scan3A_1 to %scan3A_3 step %scan3A_4  : i32 {
      %jit3A = arith.constant 2 : i32
      %div3A = arith.divsi %scan3A_228, %jit3A : i32
      %sign3A = arith.constant 0 : i32
      %sign3A_229 = arith.cmpi sgt, %scan3A_228, %sign3A : i32
      %sign3A_230 = arith.extui %sign3A_229 : i1 to i32
      %sign3A_231 = arith.constant 0 : i32
      %sign3A_232 = arith.cmpi slt, %scan3A_228, %sign3A_231 : i32
      %sign3A_233 = arith.extui %sign3A_232 : i1 to i32
      %sign3A_234 = arith.subi %sign3A_230, %sign3A_233 : i32
      %sign3A_235 = arith.constant 0 : i32
      %sign3A_236 = arith.cmpi sgt, %jit3A, %sign3A_235 : i32
      %sign3A_237 = arith.extui %sign3A_236 : i1 to i32
      %sign3A_238 = arith.constant 0 : i32
      %sign3A_239 = arith.cmpi slt, %jit3A, %sign3A_238 : i32
      %sign3A_240 = arith.extui %sign3A_239 : i1 to i32
      %sign3A_241 = arith.subi %sign3A_237, %sign3A_240 : i32
      %ne3A = arith.cmpi ne, %sign3A_234, %sign3A_241 : i32
      %rem3A = arith.remsi %scan3A_228, %jit3A : i32
      %ne3A_242 = arith.constant 0 : i32
      %ne3A_243 = arith.cmpi ne, %rem3A, %ne3A_242 : i32
      %and3A = arith.andi %ne3A, %ne3A_243 : i1
      %sub3A = arith.constant 1 : i32
      %sub3A_244 = arith.subi %div3A, %sub3A : i32
      %select_n3A = arith.select %and3A, %sub3A_244, %div3A : i32
      %jit3A_245 = arith.constant 2 : i32
      %eq3A = arith.constant 0 : i32
      %eq3A_246 = arith.cmpi eq, %jit3A_245, %eq3A : i32
      %jit3A_247 = arith.constant 1 : i32
      %select_n3A_248 = arith.select %eq3A_246, %jit3A_247, %jit3A_245 : i32
      %rem3A_249 = arith.remsi %scan3A_228, %select_n3A_248 : i32
      %ne3A_250 = arith.constant 0 : i32
      %ne3A_251 = arith.cmpi ne, %rem3A_249, %ne3A_250 : i32
      %lt3A = arith.constant 0 : i32
      %lt3A_252 = arith.cmpi slt, %rem3A_249, %lt3A : i32
      %lt3A_253 = arith.constant 0 : i32
      %lt3A_254 = arith.cmpi slt, %select_n3A_248, %lt3A_253 : i32
      %ne3A_255 = arith.xori %lt3A_252, %lt3A_254 : i1
      %and3A_256 = arith.andi %ne3A_255, %ne3A_251 : i1
      %add3A_257 = arith.addi %rem3A_249, %select_n3A_248 : i32
      %select_n3A_258 = arith.select %and3A_256, %add3A_257, %rem3A_249 : i32
      %mul3A_259 = arith.constant 16 : i32
      %mul3A_260 = arith.muli %select_n3A_258, %mul3A_259 : i32
      %swap3A = arith.index_cast %select_n3A : i32 to index
      %swap3A_261 = arith.index_cast %mul3A_260 : i32 to index
      %swap3A_262 = tpu.vector_load %arg12[%swap3A, %swap3A_261] {strides = array<i32>} : memref<448x32xf32, #tpu.memory_space<vmem>>, vector<1x16xf32>,
      %swap3A_263 = vector.shape_cast %swap3A_262 : vector<1x16xf32> to vector<16xf32>
      %swap3A_264 = vector.shape_cast %broadcast_in_dim3A_0 : vector<16xf32> to vector<1x16xf32>
      tpu.vector_store %arg12[%swap3A, %swap3A_261], %swap3A_264 {strides = array<i32>} : memref<448x32xf32, #tpu.memory_space<vmem>>, vector<1x16xf32>,
    }
    %scan3A_5 = arith.constant 896 : i32
    %mul3A = arith.constant 25 : i32
    %mul3A_6 = arith.muli %arg1, %mul3A : i32
    "tpu.region"() ({
      %run_scoped3A_228 = tpu.sem_alloc : memref<!tpu.dma_semaphore, #tpu.memory_space<semaphore_mem>>
      %dma_start3A_229 = arith.constant 0 : i32
      %dma_start3A_230 = tpu.memref_slice %arg3[%mul3A_6, %dma_start3A_229] : memref<400x128xi32, #tpu.memory_space<hbm>> -> memref<25x128xi32, #tpu.memory_space<hbm>>
      %dma_start3A_231 = arith.constant 0 : i32
      %dma_start3A_232 = tpu.memref_slice %arg3[%mul3A_6, %dma_start3A_231] : memref<400x128xi32, #tpu.memory_space<hbm>> -> memref<25x128xi32, #tpu.memory_space<hbm>>
      tpu.enqueue_dma source(%dma_start3A_232 : memref<25x128xi32, #tpu.memory_space<hbm>>) target(%arg8 : memref<25x128xi32, #tpu.memory_space<vmem>>) target_semaphore(%run_scoped3A_228 : memref<!tpu.dma_semaphore, #tpu.memory_space<semaphore_mem>>)
      %dma_wait3A_233 = arith.constant 0 : i32
      %dma_wait3A_234 = tpu.memref_slice %arg3[%mul3A_6, %dma_wait3A_233] : memref<400x128xi32, #tpu.memory_space<hbm>> -> memref<25x128xi32, #tpu.memory_space<hbm>>
      %dma_wait3A_235 = arith.constant 0 : i32
      %dma_wait3A_236 = tpu.memref_slice %arg3[%mul3A_6, %dma_wait3A_235] : memref<400x128xi32, #tpu.memory_space<hbm>> -> memref<25x128xi32, #tpu.memory_space<hbm>>
      tpu.wait_dma2 semaphore(%run_scoped3A_228 : memref<!tpu.dma_semaphore, #tpu.memory_space<semaphore_mem>>) src(%dma_wait3A_236 : memref<25x128xi32, #tpu.memory_space<hbm>>) dst(%arg8 : memref<25x128xi32, #tpu.memory_space<vmem>>)
      tpu.yield
    }) : () -> ()
    %mul3A_7 = arith.constant 25 : i32
    %mul3A_8 = arith.muli %arg1, %mul3A_7 : i32
    "tpu.region"() ({
      %run_scoped3A_228 = tpu.sem_alloc : memref<!tpu.dma_semaphore, #tpu.memory_space<semaphore_mem>>
      %dma_start3A_229 = arith.constant 0 : i32
      %dma_start3A_230 = tpu.memref_slice %arg4[%mul3A_8, %dma_start3A_229] : memref<400x128xi32, #tpu.memory_space<hbm>> -> memref<25x128xi32, #tpu.memory_space<hbm>>
      %dma_start3A_231 = arith.constant 0 : i32
      %dma_start3A_232 = tpu.memref_slice %arg4[%mul3A_8, %dma_start3A_231] : memref<400x128xi32, #tpu.memory_space<hbm>> -> memref<25x128xi32, #tpu.memory_space<hbm>>
      tpu.enqueue_dma source(%dma_start3A_232 : memref<25x128xi32, #tpu.memory_space<hbm>>) target(%arg9 : memref<25x128xi32, #tpu.memory_space<vmem>>) target_semaphore(%run_scoped3A_228 : memref<!tpu.dma_semaphore, #tpu.memory_space<semaphore_mem>>)
      %dma_wait3A_233 = arith.constant 0 : i32
      %dma_wait3A_234 = tpu.memref_slice %arg4[%mul3A_8, %dma_wait3A_233] : memref<400x128xi32, #tpu.memory_space<hbm>> -> memref<25x128xi32, #tpu.memory_space<hbm>>
      %dma_wait3A_235 = arith.constant 0 : i32
      %dma_wait3A_236 = tpu.memref_slice %arg4[%mul3A_8, %dma_wait3A_235] : memref<400x128xi32, #tpu.memory_space<hbm>> -> memref<25x128xi32, #tpu.memory_space<hbm>>
      tpu.wait_dma2 semaphore(%run_scoped3A_228 : memref<!tpu.dma_semaphore, #tpu.memory_space<semaphore_mem>>) src(%dma_wait3A_236 : memref<25x128xi32, #tpu.memory_space<hbm>>) dst(%arg9 : memref<25x128xi32, #tpu.memory_space<vmem>>)
      tpu.yield
    }) : () -> ()
    %add3A = arith.constant 0 : i32
    %add3A_9 = arith.addi %add3A, %arg0 : i32
    %add3A_10 = arith.constant 2 : i32
    %add3A_11 = arith.addi %add3A_10, %arg0 : i32
    %mul3A_12 = arith.constant 3136 : i32
    %mul3A_13 = arith.muli %arg1, %mul3A_12 : i32
    %add3A_14 = arith.constant 0 : i32
    %add3A_15 = arith.addi %mul3A_13, %add3A_14 : i32
    %dma_start3A = arith.constant 0 : i32
    %dma_start3A_16 = tpu.memref_slice %arg13[%add3A_15, %dma_start3A] : memref<50176x32xf32, #tpu.memory_space<vmem_shared>> -> memref<448x32xf32, #tpu.memory_space<vmem_shared>>
    %dma_start3A_17 = arith.constant 0 : i32
    %dma_start3A_18 = tpu.memref_slice %arg13[%add3A_15, %dma_start3A_17] : memref<50176x32xf32, #tpu.memory_space<vmem_shared>> -> memref<448x32xf32, #tpu.memory_space<vmem_shared>>
    tpu.enqueue_dma source(%arg12 : memref<448x32xf32, #tpu.memory_space<vmem>>) target(%dma_start3A_18 : memref<448x32xf32, #tpu.memory_space<vmem_shared>>) target_semaphore(%arg14 : memref<!tpu.dma_semaphore, #tpu.memory_space<semaphore_mem>>)
    %mul3A_19 = arith.constant 3136 : i32
    %mul3A_20 = arith.muli %arg1, %mul3A_19 : i32
    %add3A_21 = arith.constant 448 : i32
    %add3A_22 = arith.addi %mul3A_20, %add3A_21 : i32
    %dma_start3A_23 = arith.constant 0 : i32
    %dma_start3A_24 = tpu.memref_slice %arg13[%add3A_22, %dma_start3A_23] : memref<50176x32xf32, #tpu.memory_space<vmem_shared>> -> memref<448x32xf32, #tpu.memory_space<vmem_shared>>
    %dma_start3A_25 = arith.constant 0 : i32
    %dma_start3A_26 = tpu.memref_slice %arg13[%add3A_22, %dma_start3A_25] : memref<50176x32xf32, #tpu.memory_space<vmem_shared>> -> memref<448x32xf32, #tpu.memory_space<vmem_shared>>
    tpu.enqueue_dma source(%arg12 : memref<448x32xf32, #tpu.memory_space<vmem>>) target(%dma_start3A_26 : memref<448x32xf32, #tpu.memory_space<vmem_shared>>) target_semaphore(%arg14 : memref<!tpu.dma_semaphore, #tpu.memory_space<semaphore_mem>>)
    %mul3A_27 = arith.constant 3136 : i32
    %mul3A_28 = arith.muli %arg1, %mul3A_27 : i32
    %add3A_29 = arith.constant 896 : i32
    %add3A_30 = arith.addi %mul3A_28, %add3A_29 : i32
    %dma_start3A_31 = arith.constant 0 : i32
    %dma_start3A_32 = tpu.memref_slice %arg13[%add3A_30, %dma_start3A_31] : memref<50176x32xf32, #tpu.memory_space<vmem_shared>> -> memref<448x32xf32, #tpu.memory_space<vmem_shared>>
    %dma_start3A_33 = arith.constant 0 : i32
    %dma_start3A_34 = tpu.memref_slice %arg13[%add3A_30, %dma_start3A_33] : memref<50176x32xf32, #tpu.memory_space<vmem_shared>> -> memref<448x32xf32, #tpu.memory_space<vmem_shared>>
    tpu.enqueue_dma source(%arg12 : memref<448x32xf32, #tpu.memory_space<vmem>>) target(%dma_start3A_34 : memref<448x32xf32, #tpu.memory_space<vmem_shared>>) target_semaphore(%arg14 : memref<!tpu.dma_semaphore, #tpu.memory_space<semaphore_mem>>)
    %mul3A_35 = arith.constant 3136 : i32
    %mul3A_36 = arith.muli %arg1, %mul3A_35 : i32
    %add3A_37 = arith.constant 1344 : i32
    %add3A_38 = arith.addi %mul3A_36, %add3A_37 : i32
    %dma_start3A_39 = arith.constant 0 : i32
    %dma_start3A_40 = tpu.memref_slice %arg13[%add3A_38, %dma_start3A_39] : memref<50176x32xf32, #tpu.memory_space<vmem_shared>> -> memref<448x32xf32, #tpu.memory_space<vmem_shared>>
    %dma_start3A_41 = arith.constant 0 : i32
    %dma_start3A_42 = tpu.memref_slice %arg13[%add3A_38, %dma_start3A_41] : memref<50176x32xf32, #tpu.memory_space<vmem_shared>> -> memref<448x32xf32, #tpu.memory_space<vmem_shared>>
    tpu.enqueue_dma source(%arg12 : memref<448x32xf32, #tpu.memory_space<vmem>>) target(%dma_start3A_42 : memref<448x32xf32, #tpu.memory_space<vmem_shared>>) target_semaphore(%arg14 : memref<!tpu.dma_semaphore, #tpu.memory_space<semaphore_mem>>)
    %mul3A_43 = arith.constant 3136 : i32
    %mul3A_44 = arith.muli %arg1, %mul3A_43 : i32
    %add3A_45 = arith.constant 1792 : i32
    %add3A_46 = arith.addi %mul3A_44, %add3A_45 : i32
    %dma_start3A_47 = arith.constant 0 : i32
    %dma_start3A_48 = tpu.memref_slice %arg13[%add3A_46, %dma_start3A_47] : memref<50176x32xf32, #tpu.memory_space<vmem_shared>> -> memref<448x32xf32, #tpu.memory_space<vmem_shared>>
    %dma_start3A_49 = arith.constant 0 : i32
    %dma_start3A_50 = tpu.memref_slice %arg13[%add3A_46, %dma_start3A_49] : memref<50176x32xf32, #tpu.memory_space<vmem_shared>> -> memref<448x32xf32, #tpu.memory_space<vmem_shared>>
    tpu.enqueue_dma source(%arg12 : memref<448x32xf32, #tpu.memory_space<vmem>>) target(%dma_start3A_50 : memref<448x32xf32, #tpu.memory_space<vmem_shared>>) target_semaphore(%arg14 : memref<!tpu.dma_semaphore, #tpu.memory_space<semaphore_mem>>)
    %mul3A_51 = arith.constant 3136 : i32
    %mul3A_52 = arith.muli %arg1, %mul3A_51 : i32
    %add3A_53 = arith.constant 2240 : i32
    %add3A_54 = arith.addi %mul3A_52, %add3A_53 : i32
    %dma_start3A_55 = arith.constant 0 : i32
    %dma_start3A_56 = tpu.memref_slice %arg13[%add3A_54, %dma_start3A_55] : memref<50176x32xf32, #tpu.memory_space<vmem_shared>> -> memref<448x32xf32, #tpu.memory_space<vmem_shared>>
    %dma_start3A_57 = arith.constant 0 : i32
    %dma_start3A_58 = tpu.memref_slice %arg13[%add3A_54, %dma_start3A_57] : memref<50176x32xf32, #tpu.memory_space<vmem_shared>> -> memref<448x32xf32, #tpu.memory_space<vmem_shared>>
    tpu.enqueue_dma source(%arg12 : memref<448x32xf32, #tpu.memory_space<vmem>>) target(%dma_start3A_58 : memref<448x32xf32, #tpu.memory_space<vmem_shared>>) target_semaphore(%arg14 : memref<!tpu.dma_semaphore, #tpu.memory_space<semaphore_mem>>)
    %mul3A_59 = arith.constant 3136 : i32
    %mul3A_60 = arith.muli %arg1, %mul3A_59 : i32
    %add3A_61 = arith.constant 2688 : i32
    %add3A_62 = arith.addi %mul3A_60, %add3A_61 : i32
    %dma_start3A_63 = arith.constant 0 : i32
    %dma_start3A_64 = tpu.memref_slice %arg13[%add3A_62, %dma_start3A_63] : memref<50176x32xf32, #tpu.memory_space<vmem_shared>> -> memref<448x32xf32, #tpu.memory_space<vmem_shared>>
    %dma_start3A_65 = arith.constant 0 : i32
    %dma_start3A_66 = tpu.memref_slice %arg13[%add3A_62, %dma_start3A_65] : memref<50176x32xf32, #tpu.memory_space<vmem_shared>> -> memref<448x32xf32, #tpu.memory_space<vmem_shared>>
    tpu.enqueue_dma source(%arg12 : memref<448x32xf32, #tpu.memory_space<vmem>>) target(%dma_start3A_66 : memref<448x32xf32, #tpu.memory_space<vmem_shared>>) target_semaphore(%arg14 : memref<!tpu.dma_semaphore, #tpu.memory_space<semaphore_mem>>)
    %scan3A_67 = arith.constant 0 : i32
    %scan3A_68 = arith.constant 0 : i32
    %scan3A_69 = arith.constant 200 : i32
    %scan3A_70 = arith.addi %scan3A_68, %scan3A_69 : i32
    %scan3A_71 = arith.constant 1 : i32
    scf.for %scan3A_228 = %scan3A_68 to %scan3A_70 step %scan3A_71  : i32 {
      %jit3A = arith.constant 8 : i32
      %div3A = arith.divsi %scan3A_228, %jit3A : i32
      %sign3A = arith.constant 0 : i32
      %sign3A_229 = arith.cmpi sgt, %scan3A_228, %sign3A : i32
      %sign3A_230 = arith.extui %sign3A_229 : i1 to i32
      %sign3A_231 = arith.constant 0 : i32
      %sign3A_232 = arith.cmpi slt, %scan3A_228, %sign3A_231 : i32
      %sign3A_233 = arith.extui %sign3A_232 : i1 to i32
      %sign3A_234 = arith.subi %sign3A_230, %sign3A_233 : i32
      %sign3A_235 = arith.constant 0 : i32
      %sign3A_236 = arith.cmpi sgt, %jit3A, %sign3A_235 : i32
      %sign3A_237 = arith.extui %sign3A_236 : i1 to i32
      %sign3A_238 = arith.constant 0 : i32
      %sign3A_239 = arith.cmpi slt, %jit3A, %sign3A_238 : i32
      %sign3A_240 = arith.extui %sign3A_239 : i1 to i32
      %sign3A_241 = arith.subi %sign3A_237, %sign3A_240 : i32
      %ne3A = arith.cmpi ne, %sign3A_234, %sign3A_241 : i32
      %rem3A = arith.remsi %scan3A_228, %jit3A : i32
      %ne3A_242 = arith.constant 0 : i32
      %ne3A_243 = arith.cmpi ne, %rem3A, %ne3A_242 : i32
      %and3A = arith.andi %ne3A, %ne3A_243 : i1
      %sub3A = arith.constant 1 : i32
      %sub3A_244 = arith.subi %div3A, %sub3A : i32
      %select_n3A = arith.select %and3A, %sub3A_244, %div3A : i32
      %jit3A_245 = arith.constant 8 : i32
      %eq3A = arith.constant 0 : i32
      %eq3A_246 = arith.cmpi eq, %jit3A_245, %eq3A : i32
      %jit3A_247 = arith.constant 1 : i32
      %select_n3A_248 = arith.select %eq3A_246, %jit3A_247, %jit3A_245 : i32
      %rem3A_249 = arith.remsi %scan3A_228, %select_n3A_248 : i32
      %ne3A_250 = arith.constant 0 : i32
      %ne3A_251 = arith.cmpi ne, %rem3A_249, %ne3A_250 : i32
      %lt3A = arith.constant 0 : i32
      %lt3A_252 = arith.cmpi slt, %rem3A_249, %lt3A : i32
      %lt3A_253 = arith.constant 0 : i32
      %lt3A_254 = arith.cmpi slt, %select_n3A_248, %lt3A_253 : i32
      %ne3A_255 = arith.xori %lt3A_252, %lt3A_254 : i1
      %and3A_256 = arith.andi %ne3A_255, %ne3A_251 : i1
      %add3A_257 = arith.addi %rem3A_249, %select_n3A_248 : i32
      %select_n3A_258 = arith.select %and3A_256, %add3A_257, %rem3A_249 : i32
      %mul3A_259 = arith.constant 16 : i32
      %mul3A_260 = arith.muli %select_n3A_258, %mul3A_259 : i32
      %get3A = arith.index_cast %select_n3A : i32 to index
      %get3A_261 = arith.index_cast %mul3A_260 : i32 to index
      %get3A_262 = tpu.vector_load %arg8[%get3A, %get3A_261] {strides = array<i32>} : memref<25x128xi32, #tpu.memory_space<vmem>>, vector<1x16xi32>,
      %get3A_263 = vector.shape_cast %get3A_262 : vector<1x16xi32> to vector<16xi32>
      %mul3A_264 = arith.constant 4 : i32
      %mul3A_265 = vector.broadcast %mul3A_264 : i32 to vector<16xi32>
      %mul3A_266 = arith.muli %get3A_263, %mul3A_265 : vector<16xi32>
      %add3A_267 = vector.broadcast %add3A_9 : i32 to vector<16xi32>
      %add3A_268 = arith.addi %mul3A_266, %add3A_267 : vector<16xi32>
      %swap3A = arith.index_cast %select_n3A : i32 to index
      %swap3A_269 = arith.index_cast %mul3A_260 : i32 to index
      %swap3A_270 = tpu.vector_load %arg8[%swap3A, %swap3A_269] {strides = array<i32>} : memref<25x128xi32, #tpu.memory_space<vmem>>, vector<1x16xi32>,
      %swap3A_271 = vector.shape_cast %swap3A_270 : vector<1x16xi32> to vector<16xi32>
      %swap3A_272 = vector.shape_cast %add3A_268 : vector<16xi32> to vector<1x16xi32>
      tpu.vector_store %arg8[%swap3A, %swap3A_269], %swap3A_272 {strides = array<i32>} : memref<25x128xi32, #tpu.memory_space<vmem>>, vector<1x16xi32>,
    }
    %scan3A_72 = arith.constant 200 : i32
    %dma_wait3A = arith.constant 0 : i32
    %dma_wait3A_73 = tpu.memref_slice %arg13[%add3A_15, %dma_wait3A] : memref<50176x32xf32, #tpu.memory_space<vmem_shared>> -> memref<448x32xf32, #tpu.memory_space<vmem_shared>>
    %dma_wait3A_74 = arith.constant 0 : i32
    %dma_wait3A_75 = tpu.memref_slice %arg13[%add3A_15, %dma_wait3A_74] : memref<50176x32xf32, #tpu.memory_space<vmem_shared>> -> memref<448x32xf32, #tpu.memory_space<vmem_shared>>
    tpu.wait_dma2 semaphore(%arg14 : memref<!tpu.dma_semaphore, #tpu.memory_space<semaphore_mem>>) src(%arg12 : memref<448x32xf32, #tpu.memory_space<vmem>>) dst(%dma_wait3A_75 : memref<448x32xf32, #tpu.memory_space<vmem_shared>>)
    %dma_wait3A_76 = arith.constant 0 : i32
    %dma_wait3A_77 = tpu.memref_slice %arg13[%add3A_22, %dma_wait3A_76] : memref<50176x32xf32, #tpu.memory_space<vmem_shared>> -> memref<448x32xf32, #tpu.memory_space<vmem_shared>>
    %dma_wait3A_78 = arith.constant 0 : i32
    %dma_wait3A_79 = tpu.memref_slice %arg13[%add3A_22, %dma_wait3A_78] : memref<50176x32xf32, #tpu.memory_space<vmem_shared>> -> memref<448x32xf32, #tpu.memory_space<vmem_shared>>
    tpu.wait_dma2 semaphore(%arg14 : memref<!tpu.dma_semaphore, #tpu.memory_space<semaphore_mem>>) src(%arg12 : memref<448x32xf32, #tpu.memory_space<vmem>>) dst(%dma_wait3A_79 : memref<448x32xf32, #tpu.memory_space<vmem_shared>>)
    %dma_wait3A_80 = arith.constant 0 : i32
    %dma_wait3A_81 = tpu.memref_slice %arg13[%add3A_30, %dma_wait3A_80] : memref<50176x32xf32, #tpu.memory_space<vmem_shared>> -> memref<448x32xf32, #tpu.memory_space<vmem_shared>>
    %dma_wait3A_82 = arith.constant 0 : i32
    %dma_wait3A_83 = tpu.memref_slice %arg13[%add3A_30, %dma_wait3A_82] : memref<50176x32xf32, #tpu.memory_space<vmem_shared>> -> memref<448x32xf32, #tpu.memory_space<vmem_shared>>
    tpu.wait_dma2 semaphore(%arg14 : memref<!tpu.dma_semaphore, #tpu.memory_space<semaphore_mem>>) src(%arg12 : memref<448x32xf32, #tpu.memory_space<vmem>>) dst(%dma_wait3A_83 : memref<448x32xf32, #tpu.memory_space<vmem_shared>>)
    %dma_wait3A_84 = arith.constant 0 : i32
    %dma_wait3A_85 = tpu.memref_slice %arg13[%add3A_38, %dma_wait3A_84] : memref<50176x32xf32, #tpu.memory_space<vmem_shared>> -> memref<448x32xf32, #tpu.memory_space<vmem_shared>>
    %dma_wait3A_86 = arith.constant 0 : i32
    %dma_wait3A_87 = tpu.memref_slice %arg13[%add3A_38, %dma_wait3A_86] : memref<50176x32xf32, #tpu.memory_space<vmem_shared>> -> memref<448x32xf32, #tpu.memory_space<vmem_shared>>
    tpu.wait_dma2 semaphore(%arg14 : memref<!tpu.dma_semaphore, #tpu.memory_space<semaphore_mem>>) src(%arg12 : memref<448x32xf32, #tpu.memory_space<vmem>>) dst(%dma_wait3A_87 : memref<448x32xf32, #tpu.memory_space<vmem_shared>>)
    %dma_wait3A_88 = arith.constant 0 : i32
    %dma_wait3A_89 = tpu.memref_slice %arg13[%add3A_46, %dma_wait3A_88] : memref<50176x32xf32, #tpu.memory_space<vmem_shared>> -> memref<448x32xf32, #tpu.memory_space<vmem_shared>>
    %dma_wait3A_90 = arith.constant 0 : i32
    %dma_wait3A_91 = tpu.memref_slice %arg13[%add3A_46, %dma_wait3A_90] : memref<50176x32xf32, #tpu.memory_space<vmem_shared>> -> memref<448x32xf32, #tpu.memory_space<vmem_shared>>
    tpu.wait_dma2 semaphore(%arg14 : memref<!tpu.dma_semaphore, #tpu.memory_space<semaphore_mem>>) src(%arg12 : memref<448x32xf32, #tpu.memory_space<vmem>>) dst(%dma_wait3A_91 : memref<448x32xf32, #tpu.memory_space<vmem_shared>>)
    %dma_wait3A_92 = arith.constant 0 : i32
    %dma_wait3A_93 = tpu.memref_slice %arg13[%add3A_54, %dma_wait3A_92] : memref<50176x32xf32, #tpu.memory_space<vmem_shared>> -> memref<448x32xf32, #tpu.memory_space<vmem_shared>>
    %dma_wait3A_94 = arith.constant 0 : i32
    %dma_wait3A_95 = tpu.memref_slice %arg13[%add3A_54, %dma_wait3A_94] : memref<50176x32xf32, #tpu.memory_space<vmem_shared>> -> memref<448x32xf32, #tpu.memory_space<vmem_shared>>
    tpu.wait_dma2 semaphore(%arg14 : memref<!tpu.dma_semaphore, #tpu.memory_space<semaphore_mem>>) src(%arg12 : memref<448x32xf32, #tpu.memory_space<vmem>>) dst(%dma_wait3A_95 : memref<448x32xf32, #tpu.memory_space<vmem_shared>>)
    %dma_wait3A_96 = arith.constant 0 : i32
    %dma_wait3A_97 = tpu.memref_slice %arg13[%add3A_62, %dma_wait3A_96] : memref<50176x32xf32, #tpu.memory_space<vmem_shared>> -> memref<448x32xf32, #tpu.memory_space<vmem_shared>>
    %dma_wait3A_98 = arith.constant 0 : i32
    %dma_wait3A_99 = tpu.memref_slice %arg13[%add3A_62, %dma_wait3A_98] : memref<50176x32xf32, #tpu.memory_space<vmem_shared>> -> memref<448x32xf32, #tpu.memory_space<vmem_shared>>
    tpu.wait_dma2 semaphore(%arg14 : memref<!tpu.dma_semaphore, #tpu.memory_space<semaphore_mem>>) src(%arg12 : memref<448x32xf32, #tpu.memory_space<vmem>>) dst(%dma_wait3A_99 : memref<448x32xf32, #tpu.memory_space<vmem_shared>>)
    %barrier3A = arith.constant 0 : index
    tpu.barrier barrier_id(%barrier3A)
    %run_scoped3A = arith.constant 0 : i32
    "tpu.region"() ({
      %run_scoped3A_228 = tpu.sem_alloc : memref<!tpu.dma_semaphore, #tpu.memory_space<semaphore_mem>>
      %dma_start3A_229 = arith.constant 0 : i32
      %dma_start3A_230 = tpu.memref_slice %arg8[%run_scoped3A, %dma_start3A_229] : memref<25x128xi32, #tpu.memory_space<vmem>> -> memref<1x128xi32, #tpu.memory_space<vmem>>
      %dma_start3A_231 = tpu.memref_squeeze %dma_start3A_230 : memref<1x128xi32, #tpu.memory_space<vmem>> -> memref<128xi32, #tpu.memory_space<vmem>>
      %dma_start3A_232 = arith.constant 0 : i32
      %dma_start3A_233 = arith.constant 0 : i32
      %dma_start3A_234 = tpu.memref_slice %arg2[%dma_start3A_232, %dma_start3A_233] : memref<200000x32xf32, #tpu.memory_space<hbm>> -> memref<200000x32xf32, #tpu.memory_space<hbm>>
      tpu.enqueue_indirect_dma source(%dma_start3A_234 : memref<200000x32xf32, #tpu.memory_space<hbm>>) target(%arg10 : memref<128x32xf32, #tpu.memory_space<vmem>>) offsets(%dma_start3A_231 : memref<128xi32, #tpu.memory_space<vmem>>) semaphore(%run_scoped3A_228 : memref<!tpu.dma_semaphore, #tpu.memory_space<semaphore_mem>>)
      %dma_wait3A_235 = arith.constant 0 : i32
      %dma_wait3A_236 = tpu.memref_slice %arg8[%run_scoped3A, %dma_wait3A_235] : memref<25x128xi32, #tpu.memory_space<vmem>> -> memref<1x128xi32, #tpu.memory_space<vmem>>
      %dma_wait3A_237 = tpu.memref_squeeze %dma_wait3A_236 : memref<1x128xi32, #tpu.memory_space<vmem>> -> memref<128xi32, #tpu.memory_space<vmem>>
      %dma_wait3A_238 = arith.constant 0 : i32
      %dma_wait3A_239 = arith.constant 0 : i32
      %dma_wait3A_240 = tpu.memref_slice %arg2[%dma_wait3A_238, %dma_wait3A_239] : memref<200000x32xf32, #tpu.memory_space<hbm>> -> memref<200000x32xf32, #tpu.memory_space<hbm>>
      tpu.wait_indirect_dma semaphore(%run_scoped3A_228 : memref<!tpu.dma_semaphore, #tpu.memory_space<semaphore_mem>>) src(%dma_wait3A_240 : memref<200000x32xf32, #tpu.memory_space<hbm>>) dst(%arg10 : memref<128x32xf32, #tpu.memory_space<vmem>>)
      tpu.yield
    }) : () -> ()
    %scan3A_100 = arith.constant 0 : i32
    %scan3A_101 = arith.constant 0 : i32
    %scan3A_102 = arith.constant 12 : i32
    %scan3A_103 = arith.addi %scan3A_101, %scan3A_102 : i32
    %scan3A_104 = arith.constant 1 : i32
    scf.for %scan3A_228 = %scan3A_101 to %scan3A_103 step %scan3A_104  : i32 {
      %mul3A_229 = arith.constant 2 : i32
      %mul3A_230 = arith.muli %scan3A_228, %mul3A_229 : i32
      %add3A_231 = arith.constant 1 : i32
      %add3A_232 = arith.addi %mul3A_230, %add3A_231 : i32
      %dma_start3A_233 = arith.constant 0 : i32
      %dma_start3A_234 = tpu.memref_slice %arg8[%add3A_232, %dma_start3A_233] : memref<25x128xi32, #tpu.memory_space<vmem>> -> memref<1x128xi32, #tpu.memory_space<vmem>>
      %dma_start3A_235 = tpu.memref_squeeze %dma_start3A_234 : memref<1x128xi32, #tpu.memory_space<vmem>> -> memref<128xi32, #tpu.memory_space<vmem>>
      %dma_start3A_236 = arith.constant 0 : i32
      %dma_start3A_237 = arith.constant 0 : i32
      %dma_start3A_238 = tpu.memref_slice %arg2[%dma_start3A_236, %dma_start3A_237] : memref<200000x32xf32, #tpu.memory_space<hbm>> -> memref<200000x32xf32, #tpu.memory_space<hbm>>
      tpu.enqueue_indirect_dma source(%dma_start3A_238 : memref<200000x32xf32, #tpu.memory_space<hbm>>) target(%arg11 : memref<128x32xf32, #tpu.memory_space<vmem>>) offsets(%dma_start3A_235 : memref<128xi32, #tpu.memory_space<vmem>>) semaphore(%arg15 : memref<!tpu.dma_semaphore, #tpu.memory_space<semaphore_mem>>)
      "tpu.region"() ({
        %run_scoped3A_261 = tpu.sem_alloc : memref<!tpu.dma_semaphore, #tpu.memory_space<semaphore_mem>>
        %dma_start3A_262 = arith.constant 0 : i32
        %dma_start3A_263 = tpu.memref_slice %arg9[%mul3A_230, %dma_start3A_262] : memref<25x128xi32, #tpu.memory_space<vmem>> -> memref<1x128xi32, #tpu.memory_space<vmem>>
        %dma_start3A_264 = tpu.memref_squeeze %dma_start3A_263 : memref<1x128xi32, #tpu.memory_space<vmem>> -> memref<128xi32, #tpu.memory_space<vmem>>
        %dma_start3A_265 = arith.constant 0 : i32
        %dma_start3A_266 = arith.constant 0 : i32
        %dma_start3A_267 = tpu.memref_slice %arg13[%dma_start3A_265, %dma_start3A_266] : memref<50176x32xf32, #tpu.memory_space<vmem_shared>> -> memref<50176x32xf32, #tpu.memory_space<vmem_shared>>
        tpu.enqueue_indirect_dma source(%arg10 : memref<128x32xf32, #tpu.memory_space<vmem>>) target(%dma_start3A_267 : memref<50176x32xf32, #tpu.memory_space<vmem_shared>>) offsets(%dma_start3A_264 : memref<128xi32, #tpu.memory_space<vmem>>) semaphore(%run_scoped3A_261 : memref<!tpu.dma_semaphore, #tpu.memory_space<semaphore_mem>>) {add = true}
        %dma_wait3A_268 = arith.constant 0 : i32
        %dma_wait3A_269 = tpu.memref_slice %arg9[%mul3A_230, %dma_wait3A_268] : memref<25x128xi32, #tpu.memory_space<vmem>> -> memref<1x128xi32, #tpu.memory_space<vmem>>
        %dma_wait3A_270 = tpu.memref_squeeze %dma_wait3A_269 : memref<1x128xi32, #tpu.memory_space<vmem>> -> memref<128xi32, #tpu.memory_space<vmem>>
        %dma_wait3A_271 = arith.constant 0 : i32
        %dma_wait3A_272 = arith.constant 0 : i32
        %dma_wait3A_273 = tpu.memref_slice %arg13[%dma_wait3A_271, %dma_wait3A_272] : memref<50176x32xf32, #tpu.memory_space<vmem_shared>> -> memref<50176x32xf32, #tpu.memory_space<vmem_shared>>
        tpu.wait_indirect_dma semaphore(%run_scoped3A_261 : memref<!tpu.dma_semaphore, #tpu.memory_space<semaphore_mem>>) src(%arg10 : memref<128x32xf32, #tpu.memory_space<vmem>>) dst(%dma_wait3A_273 : memref<50176x32xf32, #tpu.memory_space<vmem_shared>>)
        tpu.yield
      }) : () -> ()
      %dma_wait3A_239 = arith.constant 0 : i32
      %dma_wait3A_240 = tpu.memref_slice %arg8[%add3A_232, %dma_wait3A_239] : memref<25x128xi32, #tpu.memory_space<vmem>> -> memref<1x128xi32, #tpu.memory_space<vmem>>
      %dma_wait3A_241 = tpu.memref_squeeze %dma_wait3A_240 : memref<1x128xi32, #tpu.memory_space<vmem>> -> memref<128xi32, #tpu.memory_space<vmem>>
      %dma_wait3A_242 = arith.constant 0 : i32
      %dma_wait3A_243 = arith.constant 0 : i32
      %dma_wait3A_244 = tpu.memref_slice %arg2[%dma_wait3A_242, %dma_wait3A_243] : memref<200000x32xf32, #tpu.memory_space<hbm>> -> memref<200000x32xf32, #tpu.memory_space<hbm>>
      tpu.wait_indirect_dma semaphore(%arg15 : memref<!tpu.dma_semaphore, #tpu.memory_space<semaphore_mem>>) src(%dma_wait3A_244 : memref<200000x32xf32, #tpu.memory_space<hbm>>) dst(%arg11 : memref<128x32xf32, #tpu.memory_space<vmem>>)
      %add3A_245 = arith.constant 2 : i32
      %add3A_246 = arith.addi %mul3A_230, %add3A_245 : i32
      %dma_start3A_247 = arith.constant 0 : i32
      %dma_start3A_248 = tpu.memref_slice %arg8[%add3A_246, %dma_start3A_247] : memref<25x128xi32, #tpu.memory_space<vmem>> -> memref<1x128xi32, #tpu.memory_space<vmem>>
      %dma_start3A_249 = tpu.memref_squeeze %dma_start3A_248 : memref<1x128xi32, #tpu.memory_space<vmem>> -> memref<128xi32, #tpu.memory_space<vmem>>
      %dma_start3A_250 = arith.constant 0 : i32
      %dma_start3A_251 = arith.constant 0 : i32
      %dma_start3A_252 = tpu.memref_slice %arg2[%dma_start3A_250, %dma_start3A_251] : memref<200000x32xf32, #tpu.memory_space<hbm>> -> memref<200000x32xf32, #tpu.memory_space<hbm>>
      tpu.enqueue_indirect_dma source(%dma_start3A_252 : memref<200000x32xf32, #tpu.memory_space<hbm>>) target(%arg10 : memref<128x32xf32, #tpu.memory_space<vmem>>) offsets(%dma_start3A_249 : memref<128xi32, #tpu.memory_space<vmem>>) semaphore(%arg14 : memref<!tpu.dma_semaphore, #tpu.memory_space<semaphore_mem>>)
      %add3A_253 = arith.constant 1 : i32
      %add3A_254 = arith.addi %mul3A_230, %add3A_253 : i32
      "tpu.region"() ({
        %run_scoped3A_261 = tpu.sem_alloc : memref<!tpu.dma_semaphore, #tpu.memory_space<semaphore_mem>>
        %dma_start3A_262 = arith.constant 0 : i32
        %dma_start3A_263 = tpu.memref_slice %arg9[%add3A_254, %dma_start3A_262] : memref<25x128xi32, #tpu.memory_space<vmem>> -> memref<1x128xi32, #tpu.memory_space<vmem>>
        %dma_start3A_264 = tpu.memref_squeeze %dma_start3A_263 : memref<1x128xi32, #tpu.memory_space<vmem>> -> memref<128xi32, #tpu.memory_space<vmem>>
        %dma_start3A_265 = arith.constant 0 : i32
        %dma_start3A_266 = arith.constant 0 : i32
        %dma_start3A_267 = tpu.memref_slice %arg13[%dma_start3A_265, %dma_start3A_266] : memref<50176x32xf32, #tpu.memory_space<vmem_shared>> -> memref<50176x32xf32, #tpu.memory_space<vmem_shared>>
        tpu.enqueue_indirect_dma source(%arg11 : memref<128x32xf32, #tpu.memory_space<vmem>>) target(%dma_start3A_267 : memref<50176x32xf32, #tpu.memory_space<vmem_shared>>) offsets(%dma_start3A_264 : memref<128xi32, #tpu.memory_space<vmem>>) semaphore(%run_scoped3A_261 : memref<!tpu.dma_semaphore, #tpu.memory_space<semaphore_mem>>) {add = true}
        %dma_wait3A_268 = arith.constant 0 : i32
        %dma_wait3A_269 = tpu.memref_slice %arg9[%add3A_254, %dma_wait3A_268] : memref<25x128xi32, #tpu.memory_space<vmem>> -> memref<1x128xi32, #tpu.memory_space<vmem>>
        %dma_wait3A_270 = tpu.memref_squeeze %dma_wait3A_269 : memref<1x128xi32, #tpu.memory_space<vmem>> -> memref<128xi32, #tpu.memory_space<vmem>>
        %dma_wait3A_271 = arith.constant 0 : i32
        %dma_wait3A_272 = arith.constant 0 : i32
        %dma_wait3A_273 = tpu.memref_slice %arg13[%dma_wait3A_271, %dma_wait3A_272] : memref<50176x32xf32, #tpu.memory_space<vmem_shared>> -> memref<50176x32xf32, #tpu.memory_space<vmem_shared>>
        tpu.wait_indirect_dma semaphore(%run_scoped3A_261 : memref<!tpu.dma_semaphore, #tpu.memory_space<semaphore_mem>>) src(%arg11 : memref<128x32xf32, #tpu.memory_space<vmem>>) dst(%dma_wait3A_273 : memref<50176x32xf32, #tpu.memory_space<vmem_shared>>)
        tpu.yield
      }) : () -> ()
      %dma_wait3A_255 = arith.constant 0 : i32
      %dma_wait3A_256 = tpu.memref_slice %arg8[%add3A_246, %dma_wait3A_255] : memref<25x128xi32, #tpu.memory_space<vmem>> -> memref<1x128xi32, #tpu.memory_space<vmem>>
      %dma_wait3A_257 = tpu.memref_squeeze %dma_wait3A_256 : memref<1x128xi32, #tpu.memory_space<vmem>> -> memref<128xi32, #tpu.memory_space<vmem>>
      %dma_wait3A_258 = arith.constant 0 : i32
      %dma_wait3A_259 = arith.constant 0 : i32
      %dma_wait3A_260 = tpu.memref_slice %arg2[%dma_wait3A_258, %dma_wait3A_259] : memref<200000x32xf32, #tpu.memory_space<hbm>> -> memref<200000x32xf32, #tpu.memory_space<hbm>>
      tpu.wait_indirect_dma semaphore(%arg14 : memref<!tpu.dma_semaphore, #tpu.memory_space<semaphore_mem>>) src(%dma_wait3A_260 : memref<200000x32xf32, #tpu.memory_space<hbm>>) dst(%arg10 : memref<128x32xf32, #tpu.memory_space<vmem>>)
    }
    %scan3A_105 = arith.constant 12 : i32
    %run_scoped3A_106 = arith.constant 24 : i32
    "tpu.region"() ({
      %run_scoped3A_228 = tpu.sem_alloc : memref<!tpu.dma_semaphore, #tpu.memory_space<semaphore_mem>>
      %dma_start3A_229 = arith.constant 0 : i32
      %dma_start3A_230 = tpu.memref_slice %arg9[%run_scoped3A_106, %dma_start3A_229] : memref<25x128xi32, #tpu.memory_space<vmem>> -> memref<1x128xi32, #tpu.memory_space<vmem>>
      %dma_start3A_231 = tpu.memref_squeeze %dma_start3A_230 : memref<1x128xi32, #tpu.memory_space<vmem>> -> memref<128xi32, #tpu.memory_space<vmem>>
      %dma_start3A_232 = arith.constant 0 : i32
      %dma_start3A_233 = arith.constant 0 : i32
      %dma_start3A_234 = tpu.memref_slice %arg13[%dma_start3A_232, %dma_start3A_233] : memref<50176x32xf32, #tpu.memory_space<vmem_shared>> -> memref<50176x32xf32, #tpu.memory_space<vmem_shared>>
      tpu.enqueue_indirect_dma source(%arg10 : memref<128x32xf32, #tpu.memory_space<vmem>>) target(%dma_start3A_234 : memref<50176x32xf32, #tpu.memory_space<vmem_shared>>) offsets(%dma_start3A_231 : memref<128xi32, #tpu.memory_space<vmem>>) semaphore(%run_scoped3A_228 : memref<!tpu.dma_semaphore, #tpu.memory_space<semaphore_mem>>) {add = true}
      %dma_wait3A_235 = arith.constant 0 : i32
      %dma_wait3A_236 = tpu.memref_slice %arg9[%run_scoped3A_106, %dma_wait3A_235] : memref<25x128xi32, #tpu.memory_space<vmem>> -> memref<1x128xi32, #tpu.memory_space<vmem>>
      %dma_wait3A_237 = tpu.memref_squeeze %dma_wait3A_236 : memref<1x128xi32, #tpu.memory_space<vmem>> -> memref<128xi32, #tpu.memory_space<vmem>>
      %dma_wait3A_238 = arith.constant 0 : i32
      %dma_wait3A_239 = arith.constant 0 : i32
      %dma_wait3A_240 = tpu.memref_slice %arg13[%dma_wait3A_238, %dma_wait3A_239] : memref<50176x32xf32, #tpu.memory_space<vmem_shared>> -> memref<50176x32xf32, #tpu.memory_space<vmem_shared>>
      tpu.wait_indirect_dma semaphore(%run_scoped3A_228 : memref<!tpu.dma_semaphore, #tpu.memory_space<semaphore_mem>>) src(%arg10 : memref<128x32xf32, #tpu.memory_space<vmem>>) dst(%dma_wait3A_240 : memref<50176x32xf32, #tpu.memory_space<vmem_shared>>)
      tpu.yield
    }) : () -> ()
    %barrier3A_107 = arith.constant 0 : index
    tpu.barrier barrier_id(%barrier3A_107)
    %mul3A_108 = arith.constant 3125 : i32
    %mul3A_109 = arith.muli %arg1, %mul3A_108 : i32
    %mul3A_110 = arith.constant 3125 : i32
    %mul3A_111 = arith.muli %arg1, %mul3A_110 : i32
    %mul3A_112 = arith.constant 32 : i32
    %mul3A_113 = arith.muli %add3A_11, %mul3A_112 : i32
    "tpu.region"() ({
      %run_scoped3A_228 = tpu.sem_alloc : memref<!tpu.dma_semaphore, #tpu.memory_space<semaphore_mem>>
      %dma_start3A_229 = tpu.memref_slice %arg7[%mul3A_111, %mul3A_113] : memref<50000x128xf32, #tpu.memory_space<hbm>> -> memref<3125x32xf32, #tpu.memory_space<hbm>>
      %dma_start3A_230 = arith.constant 0 : i32
      %dma_start3A_231 = tpu.memref_slice %arg13[%mul3A_109, %dma_start3A_230] : memref<50176x32xf32, #tpu.memory_space<vmem_shared>> -> memref<3125x32xf32, #tpu.memory_space<vmem_shared>>
      tpu.enqueue_dma source(%dma_start3A_231 : memref<3125x32xf32, #tpu.memory_space<vmem_shared>>) target(%dma_start3A_229 : memref<3125x32xf32, #tpu.memory_space<hbm>>) target_semaphore(%run_scoped3A_228 : memref<!tpu.dma_semaphore, #tpu.memory_space<semaphore_mem>>)
      %dma_wait3A_232 = tpu.memref_slice %arg7[%mul3A_111, %mul3A_113] : memref<50000x128xf32, #tpu.memory_space<hbm>> -> memref<3125x32xf32, #tpu.memory_space<hbm>>
      %dma_wait3A_233 = arith.constant 0 : i32
      %dma_wait3A_234 = tpu.memref_slice %arg13[%mul3A_109, %dma_wait3A_233] : memref<50176x32xf32, #tpu.memory_space<vmem_shared>> -> memref<3125x32xf32, #tpu.memory_space<vmem_shared>>
      tpu.wait_dma2 semaphore(%run_scoped3A_228 : memref<!tpu.dma_semaphore, #tpu.memory_space<semaphore_mem>>) src(%dma_wait3A_234 : memref<3125x32xf32, #tpu.memory_space<vmem_shared>>) dst(%dma_wait3A_232 : memref<3125x32xf32, #tpu.memory_space<hbm>>)
      tpu.yield
    }) : () -> ()
    %mul3A_114 = arith.constant 25 : i32
    %mul3A_115 = arith.muli %arg1, %mul3A_114 : i32
    "tpu.region"() ({
      %run_scoped3A_228 = tpu.sem_alloc : memref<!tpu.dma_semaphore, #tpu.memory_space<semaphore_mem>>
      %dma_start3A_229 = arith.constant 0 : i32
      %dma_start3A_230 = tpu.memref_slice %arg5[%mul3A_115, %dma_start3A_229] : memref<400x128xi32, #tpu.memory_space<hbm>> -> memref<25x128xi32, #tpu.memory_space<hbm>>
      %dma_start3A_231 = arith.constant 0 : i32
      %dma_start3A_232 = tpu.memref_slice %arg5[%mul3A_115, %dma_start3A_231] : memref<400x128xi32, #tpu.memory_space<hbm>> -> memref<25x128xi32, #tpu.memory_space<hbm>>
      tpu.enqueue_dma source(%dma_start3A_232 : memref<25x128xi32, #tpu.memory_space<hbm>>) target(%arg8 : memref<25x128xi32, #tpu.memory_space<vmem>>) target_semaphore(%run_scoped3A_228 : memref<!tpu.dma_semaphore, #tpu.memory_space<semaphore_mem>>)
      %dma_wait3A_233 = arith.constant 0 : i32
      %dma_wait3A_234 = tpu.memref_slice %arg5[%mul3A_115, %dma_wait3A_233] : memref<400x128xi32, #tpu.memory_space<hbm>> -> memref<25x128xi32, #tpu.memory_space<hbm>>
      %dma_wait3A_235 = arith.constant 0 : i32
      %dma_wait3A_236 = tpu.memref_slice %arg5[%mul3A_115, %dma_wait3A_235] : memref<400x128xi32, #tpu.memory_space<hbm>> -> memref<25x128xi32, #tpu.memory_space<hbm>>
      tpu.wait_dma2 semaphore(%run_scoped3A_228 : memref<!tpu.dma_semaphore, #tpu.memory_space<semaphore_mem>>) src(%dma_wait3A_236 : memref<25x128xi32, #tpu.memory_space<hbm>>) dst(%arg8 : memref<25x128xi32, #tpu.memory_space<vmem>>)
      tpu.yield
    }) : () -> ()
    %mul3A_116 = arith.constant 25 : i32
    %mul3A_117 = arith.muli %arg1, %mul3A_116 : i32
    "tpu.region"() ({
      %run_scoped3A_228 = tpu.sem_alloc : memref<!tpu.dma_semaphore, #tpu.memory_space<semaphore_mem>>
      %dma_start3A_229 = arith.constant 0 : i32
      %dma_start3A_230 = tpu.memref_slice %arg6[%mul3A_117, %dma_start3A_229] : memref<400x128xi32, #tpu.memory_space<hbm>> -> memref<25x128xi32, #tpu.memory_space<hbm>>
      %dma_start3A_231 = arith.constant 0 : i32
      %dma_start3A_232 = tpu.memref_slice %arg6[%mul3A_117, %dma_start3A_231] : memref<400x128xi32, #tpu.memory_space<hbm>> -> memref<25x128xi32, #tpu.memory_space<hbm>>
      tpu.enqueue_dma source(%dma_start3A_232 : memref<25x128xi32, #tpu.memory_space<hbm>>) target(%arg9 : memref<25x128xi32, #tpu.memory_space<vmem>>) target_semaphore(%run_scoped3A_228 : memref<!tpu.dma_semaphore, #tpu.memory_space<semaphore_mem>>)
      %dma_wait3A_233 = arith.constant 0 : i32
      %dma_wait3A_234 = tpu.memref_slice %arg6[%mul3A_117, %dma_wait3A_233] : memref<400x128xi32, #tpu.memory_space<hbm>> -> memref<25x128xi32, #tpu.memory_space<hbm>>
      %dma_wait3A_235 = arith.constant 0 : i32
      %dma_wait3A_236 = tpu.memref_slice %arg6[%mul3A_117, %dma_wait3A_235] : memref<400x128xi32, #tpu.memory_space<hbm>> -> memref<25x128xi32, #tpu.memory_space<hbm>>
      tpu.wait_dma2 semaphore(%run_scoped3A_228 : memref<!tpu.dma_semaphore, #tpu.memory_space<semaphore_mem>>) src(%dma_wait3A_236 : memref<25x128xi32, #tpu.memory_space<hbm>>) dst(%arg9 : memref<25x128xi32, #tpu.memory_space<vmem>>)
      tpu.yield
    }) : () -> ()
    %add3A_118 = arith.constant 2 : i32
    %add3A_119 = arith.addi %add3A_118, %arg0 : i32
    %add3A_120 = arith.constant 0 : i32
    %add3A_121 = arith.addi %add3A_120, %arg0 : i32
    %mul3A_122 = arith.constant 3136 : i32
    %mul3A_123 = arith.muli %arg1, %mul3A_122 : i32
    %add3A_124 = arith.constant 0 : i32
    %add3A_125 = arith.addi %mul3A_123, %add3A_124 : i32
    %dma_start3A_126 = arith.constant 0 : i32
    %dma_start3A_127 = tpu.memref_slice %arg13[%add3A_125, %dma_start3A_126] : memref<50176x32xf32, #tpu.memory_space<vmem_shared>> -> memref<448x32xf32, #tpu.memory_space<vmem_shared>>
    %dma_start3A_128 = arith.constant 0 : i32
    %dma_start3A_129 = tpu.memref_slice %arg13[%add3A_125, %dma_start3A_128] : memref<50176x32xf32, #tpu.memory_space<vmem_shared>> -> memref<448x32xf32, #tpu.memory_space<vmem_shared>>
    tpu.enqueue_dma source(%arg12 : memref<448x32xf32, #tpu.memory_space<vmem>>) target(%dma_start3A_129 : memref<448x32xf32, #tpu.memory_space<vmem_shared>>) target_semaphore(%arg14 : memref<!tpu.dma_semaphore, #tpu.memory_space<semaphore_mem>>)
    %mul3A_130 = arith.constant 3136 : i32
    %mul3A_131 = arith.muli %arg1, %mul3A_130 : i32
    %add3A_132 = arith.constant 448 : i32
    %add3A_133 = arith.addi %mul3A_131, %add3A_132 : i32
    %dma_start3A_134 = arith.constant 0 : i32
    %dma_start3A_135 = tpu.memref_slice %arg13[%add3A_133, %dma_start3A_134] : memref<50176x32xf32, #tpu.memory_space<vmem_shared>> -> memref<448x32xf32, #tpu.memory_space<vmem_shared>>
    %dma_start3A_136 = arith.constant 0 : i32
    %dma_start3A_137 = tpu.memref_slice %arg13[%add3A_133, %dma_start3A_136] : memref<50176x32xf32, #tpu.memory_space<vmem_shared>> -> memref<448x32xf32, #tpu.memory_space<vmem_shared>>
    tpu.enqueue_dma source(%arg12 : memref<448x32xf32, #tpu.memory_space<vmem>>) target(%dma_start3A_137 : memref<448x32xf32, #tpu.memory_space<vmem_shared>>) target_semaphore(%arg14 : memref<!tpu.dma_semaphore, #tpu.memory_space<semaphore_mem>>)
    %mul3A_138 = arith.constant 3136 : i32
    %mul3A_139 = arith.muli %arg1, %mul3A_138 : i32
    %add3A_140 = arith.constant 896 : i32
    %add3A_141 = arith.addi %mul3A_139, %add3A_140 : i32
    %dma_start3A_142 = arith.constant 0 : i32
    %dma_start3A_143 = tpu.memref_slice %arg13[%add3A_141, %dma_start3A_142] : memref<50176x32xf32, #tpu.memory_space<vmem_shared>> -> memref<448x32xf32, #tpu.memory_space<vmem_shared>>
    %dma_start3A_144 = arith.constant 0 : i32
    %dma_start3A_145 = tpu.memref_slice %arg13[%add3A_141, %dma_start3A_144] : memref<50176x32xf32, #tpu.memory_space<vmem_shared>> -> memref<448x32xf32, #tpu.memory_space<vmem_shared>>
    tpu.enqueue_dma source(%arg12 : memref<448x32xf32, #tpu.memory_space<vmem>>) target(%dma_start3A_145 : memref<448x32xf32, #tpu.memory_space<vmem_shared>>) target_semaphore(%arg14 : memref<!tpu.dma_semaphore, #tpu.memory_space<semaphore_mem>>)
    %mul3A_146 = arith.constant 3136 : i32
    %mul3A_147 = arith.muli %arg1, %mul3A_146 : i32
    %add3A_148 = arith.constant 1344 : i32
    %add3A_149 = arith.addi %mul3A_147, %add3A_148 : i32
    %dma_start3A_150 = arith.constant 0 : i32
    %dma_start3A_151 = tpu.memref_slice %arg13[%add3A_149, %dma_start3A_150] : memref<50176x32xf32, #tpu.memory_space<vmem_shared>> -> memref<448x32xf32, #tpu.memory_space<vmem_shared>>
    %dma_start3A_152 = arith.constant 0 : i32
    %dma_start3A_153 = tpu.memref_slice %arg13[%add3A_149, %dma_start3A_152] : memref<50176x32xf32, #tpu.memory_space<vmem_shared>> -> memref<448x32xf32, #tpu.memory_space<vmem_shared>>
    tpu.enqueue_dma source(%arg12 : memref<448x32xf32, #tpu.memory_space<vmem>>) target(%dma_start3A_153 : memref<448x32xf32, #tpu.memory_space<vmem_shared>>) target_semaphore(%arg14 : memref<!tpu.dma_semaphore, #tpu.memory_space<semaphore_mem>>)
    %mul3A_154 = arith.constant 3136 : i32
    %mul3A_155 = arith.muli %arg1, %mul3A_154 : i32
    %add3A_156 = arith.constant 1792 : i32
    %add3A_157 = arith.addi %mul3A_155, %add3A_156 : i32
    %dma_start3A_158 = arith.constant 0 : i32
    %dma_start3A_159 = tpu.memref_slice %arg13[%add3A_157, %dma_start3A_158] : memref<50176x32xf32, #tpu.memory_space<vmem_shared>> -> memref<448x32xf32, #tpu.memory_space<vmem_shared>>
    %dma_start3A_160 = arith.constant 0 : i32
    %dma_start3A_161 = tpu.memref_slice %arg13[%add3A_157, %dma_start3A_160] : memref<50176x32xf32, #tpu.memory_space<vmem_shared>> -> memref<448x32xf32, #tpu.memory_space<vmem_shared>>
    tpu.enqueue_dma source(%arg12 : memref<448x32xf32, #tpu.memory_space<vmem>>) target(%dma_start3A_161 : memref<448x32xf32, #tpu.memory_space<vmem_shared>>) target_semaphore(%arg14 : memref<!tpu.dma_semaphore, #tpu.memory_space<semaphore_mem>>)
    %mul3A_162 = arith.constant 3136 : i32
    %mul3A_163 = arith.muli %arg1, %mul3A_162 : i32
    %add3A_164 = arith.constant 2240 : i32
    %add3A_165 = arith.addi %mul3A_163, %add3A_164 : i32
    %dma_start3A_166 = arith.constant 0 : i32
    %dma_start3A_167 = tpu.memref_slice %arg13[%add3A_165, %dma_start3A_166] : memref<50176x32xf32, #tpu.memory_space<vmem_shared>> -> memref<448x32xf32, #tpu.memory_space<vmem_shared>>
    %dma_start3A_168 = arith.constant 0 : i32
    %dma_start3A_169 = tpu.memref_slice %arg13[%add3A_165, %dma_start3A_168] : memref<50176x32xf32, #tpu.memory_space<vmem_shared>> -> memref<448x32xf32, #tpu.memory_space<vmem_shared>>
    tpu.enqueue_dma source(%arg12 : memref<448x32xf32, #tpu.memory_space<vmem>>) target(%dma_start3A_169 : memref<448x32xf32, #tpu.memory_space<vmem_shared>>) target_semaphore(%arg14 : memref<!tpu.dma_semaphore, #tpu.memory_space<semaphore_mem>>)
    %mul3A_170 = arith.constant 3136 : i32
    %mul3A_171 = arith.muli %arg1, %mul3A_170 : i32
    %add3A_172 = arith.constant 2688 : i32
    %add3A_173 = arith.addi %mul3A_171, %add3A_172 : i32
    %dma_start3A_174 = arith.constant 0 : i32
    %dma_start3A_175 = tpu.memref_slice %arg13[%add3A_173, %dma_start3A_174] : memref<50176x32xf32, #tpu.memory_space<vmem_shared>> -> memref<448x32xf32, #tpu.memory_space<vmem_shared>>
    %dma_start3A_176 = arith.constant 0 : i32
    %dma_start3A_177 = tpu.memref_slice %arg13[%add3A_173, %dma_start3A_176] : memref<50176x32xf32, #tpu.memory_space<vmem_shared>> -> memref<448x32xf32, #tpu.memory_space<vmem_shared>>
    tpu.enqueue_dma source(%arg12 : memref<448x32xf32, #tpu.memory_space<vmem>>) target(%dma_start3A_177 : memref<448x32xf32, #tpu.memory_space<vmem_shared>>) target_semaphore(%arg14 : memref<!tpu.dma_semaphore, #tpu.memory_space<semaphore_mem>>)
    %scan3A_178 = arith.constant 0 : i32
    %scan3A_179 = arith.constant 0 : i32
    %scan3A_180 = arith.constant 200 : i32
    %scan3A_181 = arith.addi %scan3A_179, %scan3A_180 : i32
    %scan3A_182 = arith.constant 1 : i32
    scf.for %scan3A_228 = %scan3A_179 to %scan3A_181 step %scan3A_182  : i32 {
      %jit3A = arith.constant 8 : i32
      %div3A = arith.divsi %scan3A_228, %jit3A : i32
      %sign3A = arith.constant 0 : i32
      %sign3A_229 = arith.cmpi sgt, %scan3A_228, %sign3A : i32
      %sign3A_230 = arith.extui %sign3A_229 : i1 to i32
      %sign3A_231 = arith.constant 0 : i32
      %sign3A_232 = arith.cmpi slt, %scan3A_228, %sign3A_231 : i32
      %sign3A_233 = arith.extui %sign3A_232 : i1 to i32
      %sign3A_234 = arith.subi %sign3A_230, %sign3A_233 : i32
      %sign3A_235 = arith.constant 0 : i32
      %sign3A_236 = arith.cmpi sgt, %jit3A, %sign3A_235 : i32
      %sign3A_237 = arith.extui %sign3A_236 : i1 to i32
      %sign3A_238 = arith.constant 0 : i32
      %sign3A_239 = arith.cmpi slt, %jit3A, %sign3A_238 : i32
      %sign3A_240 = arith.extui %sign3A_239 : i1 to i32
      %sign3A_241 = arith.subi %sign3A_237, %sign3A_240 : i32
      %ne3A = arith.cmpi ne, %sign3A_234, %sign3A_241 : i32
      %rem3A = arith.remsi %scan3A_228, %jit3A : i32
      %ne3A_242 = arith.constant 0 : i32
      %ne3A_243 = arith.cmpi ne, %rem3A, %ne3A_242 : i32
      %and3A = arith.andi %ne3A, %ne3A_243 : i1
      %sub3A = arith.constant 1 : i32
      %sub3A_244 = arith.subi %div3A, %sub3A : i32
      %select_n3A = arith.select %and3A, %sub3A_244, %div3A : i32
      %jit3A_245 = arith.constant 8 : i32
      %eq3A = arith.constant 0 : i32
      %eq3A_246 = arith.cmpi eq, %jit3A_245, %eq3A : i32
      %jit3A_247 = arith.constant 1 : i32
      %select_n3A_248 = arith.select %eq3A_246, %jit3A_247, %jit3A_245 : i32
      %rem3A_249 = arith.remsi %scan3A_228, %select_n3A_248 : i32
      %ne3A_250 = arith.constant 0 : i32
      %ne3A_251 = arith.cmpi ne, %rem3A_249, %ne3A_250 : i32
      %lt3A = arith.constant 0 : i32
      %lt3A_252 = arith.cmpi slt, %rem3A_249, %lt3A : i32
      %lt3A_253 = arith.constant 0 : i32
      %lt3A_254 = arith.cmpi slt, %select_n3A_248, %lt3A_253 : i32
      %ne3A_255 = arith.xori %lt3A_252, %lt3A_254 : i1
      %and3A_256 = arith.andi %ne3A_255, %ne3A_251 : i1
      %add3A_257 = arith.addi %rem3A_249, %select_n3A_248 : i32
      %select_n3A_258 = arith.select %and3A_256, %add3A_257, %rem3A_249 : i32
      %mul3A_259 = arith.constant 16 : i32
      %mul3A_260 = arith.muli %select_n3A_258, %mul3A_259 : i32
      %get3A = arith.index_cast %select_n3A : i32 to index
      %get3A_261 = arith.index_cast %mul3A_260 : i32 to index
      %get3A_262 = tpu.vector_load %arg8[%get3A, %get3A_261] {strides = array<i32>} : memref<25x128xi32, #tpu.memory_space<vmem>>, vector<1x16xi32>,
      %get3A_263 = vector.shape_cast %get3A_262 : vector<1x16xi32> to vector<16xi32>
      %mul3A_264 = arith.constant 4 : i32
      %mul3A_265 = vector.broadcast %mul3A_264 : i32 to vector<16xi32>
      %mul3A_266 = arith.muli %get3A_263, %mul3A_265 : vector<16xi32>
      %add3A_267 = vector.broadcast %add3A_119 : i32 to vector<16xi32>
      %add3A_268 = arith.addi %mul3A_266, %add3A_267 : vector<16xi32>
      %swap3A = arith.index_cast %select_n3A : i32 to index
      %swap3A_269 = arith.index_cast %mul3A_260 : i32 to index
      %swap3A_270 = tpu.vector_load %arg8[%swap3A, %swap3A_269] {strides = array<i32>} : memref<25x128xi32, #tpu.memory_space<vmem>>, vector<1x16xi32>,
      %swap3A_271 = vector.shape_cast %swap3A_270 : vector<1x16xi32> to vector<16xi32>
      %swap3A_272 = vector.shape_cast %add3A_268 : vector<16xi32> to vector<1x16xi32>
      tpu.vector_store %arg8[%swap3A, %swap3A_269], %swap3A_272 {strides = array<i32>} : memref<25x128xi32, #tpu.memory_space<vmem>>, vector<1x16xi32>,
    }
    %scan3A_183 = arith.constant 200 : i32
    %dma_wait3A_184 = arith.constant 0 : i32
    %dma_wait3A_185 = tpu.memref_slice %arg13[%add3A_125, %dma_wait3A_184] : memref<50176x32xf32, #tpu.memory_space<vmem_shared>> -> memref<448x32xf32, #tpu.memory_space<vmem_shared>>
    %dma_wait3A_186 = arith.constant 0 : i32
    %dma_wait3A_187 = tpu.memref_slice %arg13[%add3A_125, %dma_wait3A_186] : memref<50176x32xf32, #tpu.memory_space<vmem_shared>> -> memref<448x32xf32, #tpu.memory_space<vmem_shared>>
    tpu.wait_dma2 semaphore(%arg14 : memref<!tpu.dma_semaphore, #tpu.memory_space<semaphore_mem>>) src(%arg12 : memref<448x32xf32, #tpu.memory_space<vmem>>) dst(%dma_wait3A_187 : memref<448x32xf32, #tpu.memory_space<vmem_shared>>)
    %dma_wait3A_188 = arith.constant 0 : i32
    %dma_wait3A_189 = tpu.memref_slice %arg13[%add3A_133, %dma_wait3A_188] : memref<50176x32xf32, #tpu.memory_space<vmem_shared>> -> memref<448x32xf32, #tpu.memory_space<vmem_shared>>
    %dma_wait3A_190 = arith.constant 0 : i32
    %dma_wait3A_191 = tpu.memref_slice %arg13[%add3A_133, %dma_wait3A_190] : memref<50176x32xf32, #tpu.memory_space<vmem_shared>> -> memref<448x32xf32, #tpu.memory_space<vmem_shared>>
    tpu.wait_dma2 semaphore(%arg14 : memref<!tpu.dma_semaphore, #tpu.memory_space<semaphore_mem>>) src(%arg12 : memref<448x32xf32, #tpu.memory_space<vmem>>) dst(%dma_wait3A_191 : memref<448x32xf32, #tpu.memory_space<vmem_shared>>)
    %dma_wait3A_192 = arith.constant 0 : i32
    %dma_wait3A_193 = tpu.memref_slice %arg13[%add3A_141, %dma_wait3A_192] : memref<50176x32xf32, #tpu.memory_space<vmem_shared>> -> memref<448x32xf32, #tpu.memory_space<vmem_shared>>
    %dma_wait3A_194 = arith.constant 0 : i32
    %dma_wait3A_195 = tpu.memref_slice %arg13[%add3A_141, %dma_wait3A_194] : memref<50176x32xf32, #tpu.memory_space<vmem_shared>> -> memref<448x32xf32, #tpu.memory_space<vmem_shared>>
    tpu.wait_dma2 semaphore(%arg14 : memref<!tpu.dma_semaphore, #tpu.memory_space<semaphore_mem>>) src(%arg12 : memref<448x32xf32, #tpu.memory_space<vmem>>) dst(%dma_wait3A_195 : memref<448x32xf32, #tpu.memory_space<vmem_shared>>)
    %dma_wait3A_196 = arith.constant 0 : i32
    %dma_wait3A_197 = tpu.memref_slice %arg13[%add3A_149, %dma_wait3A_196] : memref<50176x32xf32, #tpu.memory_space<vmem_shared>> -> memref<448x32xf32, #tpu.memory_space<vmem_shared>>
    %dma_wait3A_198 = arith.constant 0 : i32
    %dma_wait3A_199 = tpu.memref_slice %arg13[%add3A_149, %dma_wait3A_198] : memref<50176x32xf32, #tpu.memory_space<vmem_shared>> -> memref<448x32xf32, #tpu.memory_space<vmem_shared>>
    tpu.wait_dma2 semaphore(%arg14 : memref<!tpu.dma_semaphore, #tpu.memory_space<semaphore_mem>>) src(%arg12 : memref<448x32xf32, #tpu.memory_space<vmem>>) dst(%dma_wait3A_199 : memref<448x32xf32, #tpu.memory_space<vmem_shared>>)
    %dma_wait3A_200 = arith.constant 0 : i32
    %dma_wait3A_201 = tpu.memref_slice %arg13[%add3A_157, %dma_wait3A_200] : memref<50176x32xf32, #tpu.memory_space<vmem_shared>> -> memref<448x32xf32, #tpu.memory_space<vmem_shared>>
    %dma_wait3A_202 = arith.constant 0 : i32
    %dma_wait3A_203 = tpu.memref_slice %arg13[%add3A_157, %dma_wait3A_202] : memref<50176x32xf32, #tpu.memory_space<vmem_shared>> -> memref<448x32xf32, #tpu.memory_space<vmem_shared>>
    tpu.wait_dma2 semaphore(%arg14 : memref<!tpu.dma_semaphore, #tpu.memory_space<semaphore_mem>>) src(%arg12 : memref<448x32xf32, #tpu.memory_space<vmem>>) dst(%dma_wait3A_203 : memref<448x32xf32, #tpu.memory_space<vmem_shared>>)
    %dma_wait3A_204 = arith.constant 0 : i32
    %dma_wait3A_205 = tpu.memref_slice %arg13[%add3A_165, %dma_wait3A_204] : memref<50176x32xf32, #tpu.memory_space<vmem_shared>> -> memref<448x32xf32, #tpu.memory_space<vmem_shared>>
    %dma_wait3A_206 = arith.constant 0 : i32
    %dma_wait3A_207 = tpu.memref_slice %arg13[%add3A_165, %dma_wait3A_206] : memref<50176x32xf32, #tpu.memory_space<vmem_shared>> -> memref<448x32xf32, #tpu.memory_space<vmem_shared>>
    tpu.wait_dma2 semaphore(%arg14 : memref<!tpu.dma_semaphore, #tpu.memory_space<semaphore_mem>>) src(%arg12 : memref<448x32xf32, #tpu.memory_space<vmem>>) dst(%dma_wait3A_207 : memref<448x32xf32, #tpu.memory_space<vmem_shared>>)
    %dma_wait3A_208 = arith.constant 0 : i32
    %dma_wait3A_209 = tpu.memref_slice %arg13[%add3A_173, %dma_wait3A_208] : memref<50176x32xf32, #tpu.memory_space<vmem_shared>> -> memref<448x32xf32, #tpu.memory_space<vmem_shared>>
    %dma_wait3A_210 = arith.constant 0 : i32
    %dma_wait3A_211 = tpu.memref_slice %arg13[%add3A_173, %dma_wait3A_210] : memref<50176x32xf32, #tpu.memory_space<vmem_shared>> -> memref<448x32xf32, #tpu.memory_space<vmem_shared>>
    tpu.wait_dma2 semaphore(%arg14 : memref<!tpu.dma_semaphore, #tpu.memory_space<semaphore_mem>>) src(%arg12 : memref<448x32xf32, #tpu.memory_space<vmem>>) dst(%dma_wait3A_211 : memref<448x32xf32, #tpu.memory_space<vmem_shared>>)
    %barrier3A_212 = arith.constant 0 : index
    tpu.barrier barrier_id(%barrier3A_212)
    %run_scoped3A_213 = arith.constant 0 : i32
    "tpu.region"() ({
      %run_scoped3A_228 = tpu.sem_alloc : memref<!tpu.dma_semaphore, #tpu.memory_space<semaphore_mem>>
      %dma_start3A_229 = arith.constant 0 : i32
      %dma_start3A_230 = tpu.memref_slice %arg8[%run_scoped3A_213, %dma_start3A_229] : memref<25x128xi32, #tpu.memory_space<vmem>> -> memref<1x128xi32, #tpu.memory_space<vmem>>
      %dma_start3A_231 = tpu.memref_squeeze %dma_start3A_230 : memref<1x128xi32, #tpu.memory_space<vmem>> -> memref<128xi32, #tpu.memory_space<vmem>>
      %dma_start3A_232 = arith.constant 0 : i32
      %dma_start3A_233 = arith.constant 0 : i32
      %dma_start3A_234 = tpu.memref_slice %arg2[%dma_start3A_232, %dma_start3A_233] : memref<200000x32xf32, #tpu.memory_space<hbm>> -> memref<200000x32xf32, #tpu.memory_space<hbm>>
      tpu.enqueue_indirect_dma source(%dma_start3A_234 : memref<200000x32xf32, #tpu.memory_space<hbm>>) target(%arg10 : memref<128x32xf32, #tpu.memory_space<vmem>>) offsets(%dma_start3A_231 : memref<128xi32, #tpu.memory_space<vmem>>) semaphore(%run_scoped3A_228 : memref<!tpu.dma_semaphore, #tpu.memory_space<semaphore_mem>>)
      %dma_wait3A_235 = arith.constant 0 : i32
      %dma_wait3A_236 = tpu.memref_slice %arg8[%run_scoped3A_213, %dma_wait3A_235] : memref<25x128xi32, #tpu.memory_space<vmem>> -> memref<1x128xi32, #tpu.memory_space<vmem>>
      %dma_wait3A_237 = tpu.memref_squeeze %dma_wait3A_236 : memref<1x128xi32, #tpu.memory_space<vmem>> -> memref<128xi32, #tpu.memory_space<vmem>>
      %dma_wait3A_238 = arith.constant 0 : i32
      %dma_wait3A_239 = arith.constant 0 : i32
      %dma_wait3A_240 = tpu.memref_slice %arg2[%dma_wait3A_238, %dma_wait3A_239] : memref<200000x32xf32, #tpu.memory_space<hbm>> -> memref<200000x32xf32, #tpu.memory_space<hbm>>
      tpu.wait_indirect_dma semaphore(%run_scoped3A_228 : memref<!tpu.dma_semaphore, #tpu.memory_space<semaphore_mem>>) src(%dma_wait3A_240 : memref<200000x32xf32, #tpu.memory_space<hbm>>) dst(%arg10 : memref<128x32xf32, #tpu.memory_space<vmem>>)
      tpu.yield
    }) : () -> ()
    %scan3A_214 = arith.constant 0 : i32
    %scan3A_215 = arith.constant 0 : i32
    %scan3A_216 = arith.constant 12 : i32
    %scan3A_217 = arith.addi %scan3A_215, %scan3A_216 : i32
    %scan3A_218 = arith.constant 1 : i32
    scf.for %scan3A_228 = %scan3A_215 to %scan3A_217 step %scan3A_218  : i32 {
      %mul3A_229 = arith.constant 2 : i32
      %mul3A_230 = arith.muli %scan3A_228, %mul3A_229 : i32
      %add3A_231 = arith.constant 1 : i32
      %add3A_232 = arith.addi %mul3A_230, %add3A_231 : i32
      %dma_start3A_233 = arith.constant 0 : i32
      %dma_start3A_234 = tpu.memref_slice %arg8[%add3A_232, %dma_start3A_233] : memref<25x128xi32, #tpu.memory_space<vmem>> -> memref<1x128xi32, #tpu.memory_space<vmem>>
      %dma_start3A_235 = tpu.memref_squeeze %dma_start3A_234 : memref<1x128xi32, #tpu.memory_space<vmem>> -> memref<128xi32, #tpu.memory_space<vmem>>
      %dma_start3A_236 = arith.constant 0 : i32
      %dma_start3A_237 = arith.constant 0 : i32
      %dma_start3A_238 = tpu.memref_slice %arg2[%dma_start3A_236, %dma_start3A_237] : memref<200000x32xf32, #tpu.memory_space<hbm>> -> memref<200000x32xf32, #tpu.memory_space<hbm>>
      tpu.enqueue_indirect_dma source(%dma_start3A_238 : memref<200000x32xf32, #tpu.memory_space<hbm>>) target(%arg11 : memref<128x32xf32, #tpu.memory_space<vmem>>) offsets(%dma_start3A_235 : memref<128xi32, #tpu.memory_space<vmem>>) semaphore(%arg15 : memref<!tpu.dma_semaphore, #tpu.memory_space<semaphore_mem>>)
      "tpu.region"() ({
        %run_scoped3A_261 = tpu.sem_alloc : memref<!tpu.dma_semaphore, #tpu.memory_space<semaphore_mem>>
        %dma_start3A_262 = arith.constant 0 : i32
        %dma_start3A_263 = tpu.memref_slice %arg9[%mul3A_230, %dma_start3A_262] : memref<25x128xi32, #tpu.memory_space<vmem>> -> memref<1x128xi32, #tpu.memory_space<vmem>>
        %dma_start3A_264 = tpu.memref_squeeze %dma_start3A_263 : memref<1x128xi32, #tpu.memory_space<vmem>> -> memref<128xi32, #tpu.memory_space<vmem>>
        %dma_start3A_265 = arith.constant 0 : i32
        %dma_start3A_266 = arith.constant 0 : i32
        %dma_start3A_267 = tpu.memref_slice %arg13[%dma_start3A_265, %dma_start3A_266] : memref<50176x32xf32, #tpu.memory_space<vmem_shared>> -> memref<50176x32xf32, #tpu.memory_space<vmem_shared>>
        tpu.enqueue_indirect_dma source(%arg10 : memref<128x32xf32, #tpu.memory_space<vmem>>) target(%dma_start3A_267 : memref<50176x32xf32, #tpu.memory_space<vmem_shared>>) offsets(%dma_start3A_264 : memref<128xi32, #tpu.memory_space<vmem>>) semaphore(%run_scoped3A_261 : memref<!tpu.dma_semaphore, #tpu.memory_space<semaphore_mem>>) {add = true}
        %dma_wait3A_268 = arith.constant 0 : i32
        %dma_wait3A_269 = tpu.memref_slice %arg9[%mul3A_230, %dma_wait3A_268] : memref<25x128xi32, #tpu.memory_space<vmem>> -> memref<1x128xi32, #tpu.memory_space<vmem>>
        %dma_wait3A_270 = tpu.memref_squeeze %dma_wait3A_269 : memref<1x128xi32, #tpu.memory_space<vmem>> -> memref<128xi32, #tpu.memory_space<vmem>>
        %dma_wait3A_271 = arith.constant 0 : i32
        %dma_wait3A_272 = arith.constant 0 : i32
        %dma_wait3A_273 = tpu.memref_slice %arg13[%dma_wait3A_271, %dma_wait3A_272] : memref<50176x32xf32, #tpu.memory_space<vmem_shared>> -> memref<50176x32xf32, #tpu.memory_space<vmem_shared>>
        tpu.wait_indirect_dma semaphore(%run_scoped3A_261 : memref<!tpu.dma_semaphore, #tpu.memory_space<semaphore_mem>>) src(%arg10 : memref<128x32xf32, #tpu.memory_space<vmem>>) dst(%dma_wait3A_273 : memref<50176x32xf32, #tpu.memory_space<vmem_shared>>)
        tpu.yield
      }) : () -> ()
      %dma_wait3A_239 = arith.constant 0 : i32
      %dma_wait3A_240 = tpu.memref_slice %arg8[%add3A_232, %dma_wait3A_239] : memref<25x128xi32, #tpu.memory_space<vmem>> -> memref<1x128xi32, #tpu.memory_space<vmem>>
      %dma_wait3A_241 = tpu.memref_squeeze %dma_wait3A_240 : memref<1x128xi32, #tpu.memory_space<vmem>> -> memref<128xi32, #tpu.memory_space<vmem>>
      %dma_wait3A_242 = arith.constant 0 : i32
      %dma_wait3A_243 = arith.constant 0 : i32
      %dma_wait3A_244 = tpu.memref_slice %arg2[%dma_wait3A_242, %dma_wait3A_243] : memref<200000x32xf32, #tpu.memory_space<hbm>> -> memref<200000x32xf32, #tpu.memory_space<hbm>>
      tpu.wait_indirect_dma semaphore(%arg15 : memref<!tpu.dma_semaphore, #tpu.memory_space<semaphore_mem>>) src(%dma_wait3A_244 : memref<200000x32xf32, #tpu.memory_space<hbm>>) dst(%arg11 : memref<128x32xf32, #tpu.memory_space<vmem>>)
      %add3A_245 = arith.constant 2 : i32
      %add3A_246 = arith.addi %mul3A_230, %add3A_245 : i32
      %dma_start3A_247 = arith.constant 0 : i32
      %dma_start3A_248 = tpu.memref_slice %arg8[%add3A_246, %dma_start3A_247] : memref<25x128xi32, #tpu.memory_space<vmem>> -> memref<1x128xi32, #tpu.memory_space<vmem>>
      %dma_start3A_249 = tpu.memref_squeeze %dma_start3A_248 : memref<1x128xi32, #tpu.memory_space<vmem>> -> memref<128xi32, #tpu.memory_space<vmem>>
      %dma_start3A_250 = arith.constant 0 : i32
      %dma_start3A_251 = arith.constant 0 : i32
      %dma_start3A_252 = tpu.memref_slice %arg2[%dma_start3A_250, %dma_start3A_251] : memref<200000x32xf32, #tpu.memory_space<hbm>> -> memref<200000x32xf32, #tpu.memory_space<hbm>>
      tpu.enqueue_indirect_dma source(%dma_start3A_252 : memref<200000x32xf32, #tpu.memory_space<hbm>>) target(%arg10 : memref<128x32xf32, #tpu.memory_space<vmem>>) offsets(%dma_start3A_249 : memref<128xi32, #tpu.memory_space<vmem>>) semaphore(%arg14 : memref<!tpu.dma_semaphore, #tpu.memory_space<semaphore_mem>>)
      %add3A_253 = arith.constant 1 : i32
      %add3A_254 = arith.addi %mul3A_230, %add3A_253 : i32
      "tpu.region"() ({
        %run_scoped3A_261 = tpu.sem_alloc : memref<!tpu.dma_semaphore, #tpu.memory_space<semaphore_mem>>
        %dma_start3A_262 = arith.constant 0 : i32
        %dma_start3A_263 = tpu.memref_slice %arg9[%add3A_254, %dma_start3A_262] : memref<25x128xi32, #tpu.memory_space<vmem>> -> memref<1x128xi32, #tpu.memory_space<vmem>>
        %dma_start3A_264 = tpu.memref_squeeze %dma_start3A_263 : memref<1x128xi32, #tpu.memory_space<vmem>> -> memref<128xi32, #tpu.memory_space<vmem>>
        %dma_start3A_265 = arith.constant 0 : i32
        %dma_start3A_266 = arith.constant 0 : i32
        %dma_start3A_267 = tpu.memref_slice %arg13[%dma_start3A_265, %dma_start3A_266] : memref<50176x32xf32, #tpu.memory_space<vmem_shared>> -> memref<50176x32xf32, #tpu.memory_space<vmem_shared>>
        tpu.enqueue_indirect_dma source(%arg11 : memref<128x32xf32, #tpu.memory_space<vmem>>) target(%dma_start3A_267 : memref<50176x32xf32, #tpu.memory_space<vmem_shared>>) offsets(%dma_start3A_264 : memref<128xi32, #tpu.memory_space<vmem>>) semaphore(%run_scoped3A_261 : memref<!tpu.dma_semaphore, #tpu.memory_space<semaphore_mem>>) {add = true}
        %dma_wait3A_268 = arith.constant 0 : i32
        %dma_wait3A_269 = tpu.memref_slice %arg9[%add3A_254, %dma_wait3A_268] : memref<25x128xi32, #tpu.memory_space<vmem>> -> memref<1x128xi32, #tpu.memory_space<vmem>>
        %dma_wait3A_270 = tpu.memref_squeeze %dma_wait3A_269 : memref<1x128xi32, #tpu.memory_space<vmem>> -> memref<128xi32, #tpu.memory_space<vmem>>
        %dma_wait3A_271 = arith.constant 0 : i32
        %dma_wait3A_272 = arith.constant 0 : i32
        %dma_wait3A_273 = tpu.memref_slice %arg13[%dma_wait3A_271, %dma_wait3A_272] : memref<50176x32xf32, #tpu.memory_space<vmem_shared>> -> memref<50176x32xf32, #tpu.memory_space<vmem_shared>>
        tpu.wait_indirect_dma semaphore(%run_scoped3A_261 : memref<!tpu.dma_semaphore, #tpu.memory_space<semaphore_mem>>) src(%arg11 : memref<128x32xf32, #tpu.memory_space<vmem>>) dst(%dma_wait3A_273 : memref<50176x32xf32, #tpu.memory_space<vmem_shared>>)
        tpu.yield
      }) : () -> ()
      %dma_wait3A_255 = arith.constant 0 : i32
      %dma_wait3A_256 = tpu.memref_slice %arg8[%add3A_246, %dma_wait3A_255] : memref<25x128xi32, #tpu.memory_space<vmem>> -> memref<1x128xi32, #tpu.memory_space<vmem>>
      %dma_wait3A_257 = tpu.memref_squeeze %dma_wait3A_256 : memref<1x128xi32, #tpu.memory_space<vmem>> -> memref<128xi32, #tpu.memory_space<vmem>>
      %dma_wait3A_258 = arith.constant 0 : i32
      %dma_wait3A_259 = arith.constant 0 : i32
      %dma_wait3A_260 = tpu.memref_slice %arg2[%dma_wait3A_258, %dma_wait3A_259] : memref<200000x32xf32, #tpu.memory_space<hbm>> -> memref<200000x32xf32, #tpu.memory_space<hbm>>
      tpu.wait_indirect_dma semaphore(%arg14 : memref<!tpu.dma_semaphore, #tpu.memory_space<semaphore_mem>>) src(%dma_wait3A_260 : memref<200000x32xf32, #tpu.memory_space<hbm>>) dst(%arg10 : memref<128x32xf32, #tpu.memory_space<vmem>>)
    }
    %scan3A_219 = arith.constant 12 : i32
    %run_scoped3A_220 = arith.constant 24 : i32
    "tpu.region"() ({
      %run_scoped3A_228 = tpu.sem_alloc : memref<!tpu.dma_semaphore, #tpu.memory_space<semaphore_mem>>
      %dma_start3A_229 = arith.constant 0 : i32
      %dma_start3A_230 = tpu.memref_slice %arg9[%run_scoped3A_220, %dma_start3A_229] : memref<25x128xi32, #tpu.memory_space<vmem>> -> memref<1x128xi32, #tpu.memory_space<vmem>>
      %dma_start3A_231 = tpu.memref_squeeze %dma_start3A_230 : memref<1x128xi32, #tpu.memory_space<vmem>> -> memref<128xi32, #tpu.memory_space<vmem>>
      %dma_start3A_232 = arith.constant 0 : i32
      %dma_start3A_233 = arith.constant 0 : i32
      %dma_start3A_234 = tpu.memref_slice %arg13[%dma_start3A_232, %dma_start3A_233] : memref<50176x32xf32, #tpu.memory_space<vmem_shared>> -> memref<50176x32xf32, #tpu.memory_space<vmem_shared>>
      tpu.enqueue_indirect_dma source(%arg10 : memref<128x32xf32, #tpu.memory_space<vmem>>) target(%dma_start3A_234 : memref<50176x32xf32, #tpu.memory_space<vmem_shared>>) offsets(%dma_start3A_231 : memref<128xi32, #tpu.memory_space<vmem>>) semaphore(%run_scoped3A_228 : memref<!tpu.dma_semaphore, #tpu.memory_space<semaphore_mem>>) {add = true}
      %dma_wait3A_235 = arith.constant 0 : i32
      %dma_wait3A_236 = tpu.memref_slice %arg9[%run_scoped3A_220, %dma_wait3A_235] : memref<25x128xi32, #tpu.memory_space<vmem>> -> memref<1x128xi32, #tpu.memory_space<vmem>>
      %dma_wait3A_237 = tpu.memref_squeeze %dma_wait3A_236 : memref<1x128xi32, #tpu.memory_space<vmem>> -> memref<128xi32, #tpu.memory_space<vmem>>
      %dma_wait3A_238 = arith.constant 0 : i32
      %dma_wait3A_239 = arith.constant 0 : i32
      %dma_wait3A_240 = tpu.memref_slice %arg13[%dma_wait3A_238, %dma_wait3A_239] : memref<50176x32xf32, #tpu.memory_space<vmem_shared>> -> memref<50176x32xf32, #tpu.memory_space<vmem_shared>>
      tpu.wait_indirect_dma semaphore(%run_scoped3A_228 : memref<!tpu.dma_semaphore, #tpu.memory_space<semaphore_mem>>) src(%arg10 : memref<128x32xf32, #tpu.memory_space<vmem>>) dst(%dma_wait3A_240 : memref<50176x32xf32, #tpu.memory_space<vmem_shared>>)
      tpu.yield
    }) : () -> ()
    %barrier3A_221 = arith.constant 0 : index
    tpu.barrier barrier_id(%barrier3A_221)
    %mul3A_222 = arith.constant 3125 : i32
    %mul3A_223 = arith.muli %arg1, %mul3A_222 : i32
    %mul3A_224 = arith.constant 3125 : i32
    %mul3A_225 = arith.muli %arg1, %mul3A_224 : i32
    %mul3A_226 = arith.constant 32 : i32
    %mul3A_227 = arith.muli %add3A_121, %mul3A_226 : i32
    "tpu.region"() ({
      %run_scoped3A_228 = tpu.sem_alloc : memref<!tpu.dma_semaphore, #tpu.memory_space<semaphore_mem>>
      %dma_start3A_229 = tpu.memref_slice %arg7[%mul3A_225, %mul3A_227] : memref<50000x128xf32, #tpu.memory_space<hbm>> -> memref<3125x32xf32, #tpu.memory_space<hbm>>
      %dma_start3A_230 = arith.constant 0 : i32
      %dma_start3A_231 = tpu.memref_slice %arg13[%mul3A_223, %dma_start3A_230] : memref<50176x32xf32, #tpu.memory_space<vmem_shared>> -> memref<3125x32xf32, #tpu.memory_space<vmem_shared>>
      tpu.enqueue_dma source(%dma_start3A_231 : memref<3125x32xf32, #tpu.memory_space<vmem_shared>>) target(%dma_start3A_229 : memref<3125x32xf32, #tpu.memory_space<hbm>>) target_semaphore(%run_scoped3A_228 : memref<!tpu.dma_semaphore, #tpu.memory_space<semaphore_mem>>)
      %dma_wait3A_232 = tpu.memref_slice %arg7[%mul3A_225, %mul3A_227] : memref<50000x128xf32, #tpu.memory_space<hbm>> -> memref<3125x32xf32, #tpu.memory_space<hbm>>
      %dma_wait3A_233 = arith.constant 0 : i32
      %dma_wait3A_234 = tpu.memref_slice %arg13[%mul3A_223, %dma_wait3A_233] : memref<50176x32xf32, #tpu.memory_space<vmem_shared>> -> memref<3125x32xf32, #tpu.memory_space<vmem_shared>>
      tpu.wait_dma2 semaphore(%run_scoped3A_228 : memref<!tpu.dma_semaphore, #tpu.memory_space<semaphore_mem>>) src(%dma_wait3A_234 : memref<3125x32xf32, #tpu.memory_space<vmem_shared>>) dst(%dma_wait3A_232 : memref<3125x32xf32, #tpu.memory_space<hbm>>)
      tpu.yield
    }) : () -> ()
    return
  }
}

#map = affine_map<(d0, d1) -> (0, 0, 0)>
module attributes {stable_mosaic.version = 14 : i64} {
  func.func @_deg_kernel(%arg0: i32, %arg1: i32, %arg2: memref<2x400x128xi32, #tpu.memory_space<hbm>>, %arg3: memref<2x50176x16xf32, #tpu.memory_space<hbm>>, %arg4: memref<25x128xi32, #tpu.memory_space<vmem>>, %arg5: memref<128x16xf32, #tpu.memory_space<vmem>>, %arg6: memref<392x16xf32, #tpu.memory_space<vmem>>, %arg7: memref<50176x16xf32, #tpu.memory_space<vmem_shared>>) attributes {dimension_semantics = [#tpu.dimension_semantics<core_parallel>, #tpu.dimension_semantics<subcore_parallel>], iteration_bounds = array<i64: 2, 16>, scalar_prefetch = 0 : i64, scratch_operands = 4 : i64, tpu.core_type = #tpu.core_type<sc_vector_subcore>, window_params = [{transform_indices = #map}, {transform_indices = #map}]} {
    %mul3A = arith.constant 25 : i32
    %mul3A_0 = arith.muli %arg1, %mul3A : i32
    "tpu.region"() ({
      %run_scoped3A = tpu.sem_alloc : memref<!tpu.dma_semaphore, #tpu.memory_space<semaphore_mem>>
      %dma_start3A = arith.constant 0 : i32
      %dma_start3A_57 = tpu.memref_slice %arg2[%arg0, %mul3A_0, %dma_start3A] : memref<2x400x128xi32, #tpu.memory_space<hbm>> -> memref<1x25x128xi32, #tpu.memory_space<hbm>>
      %dma_start3A_58 = tpu.memref_squeeze %dma_start3A_57 : memref<1x25x128xi32, #tpu.memory_space<hbm>> -> memref<25x128xi32, #tpu.memory_space<hbm>>
      %dma_start3A_59 = arith.constant 0 : i32
      %dma_start3A_60 = tpu.memref_slice %arg2[%arg0, %mul3A_0, %dma_start3A_59] : memref<2x400x128xi32, #tpu.memory_space<hbm>> -> memref<1x25x128xi32, #tpu.memory_space<hbm>>
      %dma_start3A_61 = tpu.memref_squeeze %dma_start3A_60 : memref<1x25x128xi32, #tpu.memory_space<hbm>> -> memref<25x128xi32, #tpu.memory_space<hbm>>
      tpu.enqueue_dma source(%dma_start3A_61 : memref<25x128xi32, #tpu.memory_space<hbm>>) target(%arg4 : memref<25x128xi32, #tpu.memory_space<vmem>>) target_semaphore(%run_scoped3A : memref<!tpu.dma_semaphore, #tpu.memory_space<semaphore_mem>>)
      %dma_wait3A = arith.constant 0 : i32
      %dma_wait3A_62 = tpu.memref_slice %arg2[%arg0, %mul3A_0, %dma_wait3A] : memref<2x400x128xi32, #tpu.memory_space<hbm>> -> memref<1x25x128xi32, #tpu.memory_space<hbm>>
      %dma_wait3A_63 = tpu.memref_squeeze %dma_wait3A_62 : memref<1x25x128xi32, #tpu.memory_space<hbm>> -> memref<25x128xi32, #tpu.memory_space<hbm>>
      %dma_wait3A_64 = arith.constant 0 : i32
      %dma_wait3A_65 = tpu.memref_slice %arg2[%arg0, %mul3A_0, %dma_wait3A_64] : memref<2x400x128xi32, #tpu.memory_space<hbm>> -> memref<1x25x128xi32, #tpu.memory_space<hbm>>
      %dma_wait3A_66 = tpu.memref_squeeze %dma_wait3A_65 : memref<1x25x128xi32, #tpu.memory_space<hbm>> -> memref<25x128xi32, #tpu.memory_space<hbm>>
      tpu.wait_dma2 semaphore(%run_scoped3A : memref<!tpu.dma_semaphore, #tpu.memory_space<semaphore_mem>>) src(%dma_wait3A_66 : memref<25x128xi32, #tpu.memory_space<hbm>>) dst(%arg4 : memref<25x128xi32, #tpu.memory_space<vmem>>)
      tpu.yield
    }) : () -> ()
    %broadcast_in_dim3A = arith.constant 1.000000e+00 : f32
    %broadcast_in_dim3A_1 = vector.broadcast %broadcast_in_dim3A : f32 to vector<16xf32>
    %broadcast_in_dim3A_2 = arith.constant 0.000000e+00 : f32
    %broadcast_in_dim3A_3 = vector.broadcast %broadcast_in_dim3A_2 : f32 to vector<16xf32>
    %scan3A = arith.constant 0 : i32
    %scan3A_4 = arith.constant 0 : i32
    %scan3A_5 = arith.constant 128 : i32
    %scan3A_6 = arith.addi %scan3A_4, %scan3A_5 : i32
    %scan3A_7 = arith.constant 1 : i32
    scf.for %scan3A_57 = %scan3A_4 to %scan3A_6 step %scan3A_7  : i32 {
      %swap3A = arith.index_cast %scan3A_57 : i32 to index
      %swap3A_58 = arith.constant 0 : index
      %swap3A_59 = tpu.vector_load %arg5[%swap3A, %swap3A_58] {strides = array<i32>} : memref<128x16xf32, #tpu.memory_space<vmem>>, vector<1x16xf32>,
      %swap3A_60 = vector.shape_cast %swap3A_59 : vector<1x16xf32> to vector<16xf32>
      %swap3A_61 = vector.shape_cast %broadcast_in_dim3A_1 : vector<16xf32> to vector<1x16xf32>
      tpu.vector_store %arg5[%swap3A, %swap3A_58], %swap3A_61 {strides = array<i32>} : memref<128x16xf32, #tpu.memory_space<vmem>>, vector<1x16xf32>,
    }
    %scan3A_8 = arith.constant 128 : i32
    %scan3A_9 = arith.constant 0 : i32
    %scan3A_10 = arith.constant 0 : i32
    %scan3A_11 = arith.constant 392 : i32
    %scan3A_12 = arith.addi %scan3A_10, %scan3A_11 : i32
    %scan3A_13 = arith.constant 1 : i32
    scf.for %scan3A_57 = %scan3A_10 to %scan3A_12 step %scan3A_13  : i32 {
      %swap3A = arith.index_cast %scan3A_57 : i32 to index
      %swap3A_58 = arith.constant 0 : index
      %swap3A_59 = tpu.vector_load %arg6[%swap3A, %swap3A_58] {strides = array<i32>} : memref<392x16xf32, #tpu.memory_space<vmem>>, vector<1x16xf32>,
      %swap3A_60 = vector.shape_cast %swap3A_59 : vector<1x16xf32> to vector<16xf32>
      %swap3A_61 = vector.shape_cast %broadcast_in_dim3A_3 : vector<16xf32> to vector<1x16xf32>
      tpu.vector_store %arg6[%swap3A, %swap3A_58], %swap3A_61 {strides = array<i32>} : memref<392x16xf32, #tpu.memory_space<vmem>>, vector<1x16xf32>,
    }
    %scan3A_14 = arith.constant 392 : i32
    %mul3A_15 = arith.constant 3136 : i32
    %mul3A_16 = arith.muli %arg1, %mul3A_15 : i32
    %add3A = arith.constant 0 : i32
    %add3A_17 = arith.addi %mul3A_16, %add3A : i32
    "tpu.region"() ({
      %run_scoped3A = tpu.sem_alloc : memref<!tpu.dma_semaphore, #tpu.memory_space<semaphore_mem>>
      %dma_start3A = arith.constant 0 : i32
      %dma_start3A_57 = tpu.memref_slice %arg7[%add3A_17, %dma_start3A] : memref<50176x16xf32, #tpu.memory_space<vmem_shared>> -> memref<392x16xf32, #tpu.memory_space<vmem_shared>>
      %dma_start3A_58 = arith.constant 0 : i32
      %dma_start3A_59 = tpu.memref_slice %arg7[%add3A_17, %dma_start3A_58] : memref<50176x16xf32, #tpu.memory_space<vmem_shared>> -> memref<392x16xf32, #tpu.memory_space<vmem_shared>>
      tpu.enqueue_dma source(%arg6 : memref<392x16xf32, #tpu.memory_space<vmem>>) target(%dma_start3A_59 : memref<392x16xf32, #tpu.memory_space<vmem_shared>>) target_semaphore(%run_scoped3A : memref<!tpu.dma_semaphore, #tpu.memory_space<semaphore_mem>>)
      %dma_wait3A = arith.constant 0 : i32
      %dma_wait3A_60 = tpu.memref_slice %arg7[%add3A_17, %dma_wait3A] : memref<50176x16xf32, #tpu.memory_space<vmem_shared>> -> memref<392x16xf32, #tpu.memory_space<vmem_shared>>
      %dma_wait3A_61 = arith.constant 0 : i32
      %dma_wait3A_62 = tpu.memref_slice %arg7[%add3A_17, %dma_wait3A_61] : memref<50176x16xf32, #tpu.memory_space<vmem_shared>> -> memref<392x16xf32, #tpu.memory_space<vmem_shared>>
      tpu.wait_dma2 semaphore(%run_scoped3A : memref<!tpu.dma_semaphore, #tpu.memory_space<semaphore_mem>>) src(%arg6 : memref<392x16xf32, #tpu.memory_space<vmem>>) dst(%dma_wait3A_62 : memref<392x16xf32, #tpu.memory_space<vmem_shared>>)
      tpu.yield
    }) : () -> ()
    %mul3A_18 = arith.constant 3136 : i32
    %mul3A_19 = arith.muli %arg1, %mul3A_18 : i32
    %add3A_20 = arith.constant 392 : i32
    %add3A_21 = arith.addi %mul3A_19, %add3A_20 : i32
    "tpu.region"() ({
      %run_scoped3A = tpu.sem_alloc : memref<!tpu.dma_semaphore, #tpu.memory_space<semaphore_mem>>
      %dma_start3A = arith.constant 0 : i32
      %dma_start3A_57 = tpu.memref_slice %arg7[%add3A_21, %dma_start3A] : memref<50176x16xf32, #tpu.memory_space<vmem_shared>> -> memref<392x16xf32, #tpu.memory_space<vmem_shared>>
      %dma_start3A_58 = arith.constant 0 : i32
      %dma_start3A_59 = tpu.memref_slice %arg7[%add3A_21, %dma_start3A_58] : memref<50176x16xf32, #tpu.memory_space<vmem_shared>> -> memref<392x16xf32, #tpu.memory_space<vmem_shared>>
      tpu.enqueue_dma source(%arg6 : memref<392x16xf32, #tpu.memory_space<vmem>>) target(%dma_start3A_59 : memref<392x16xf32, #tpu.memory_space<vmem_shared>>) target_semaphore(%run_scoped3A : memref<!tpu.dma_semaphore, #tpu.memory_space<semaphore_mem>>)
      %dma_wait3A = arith.constant 0 : i32
      %dma_wait3A_60 = tpu.memref_slice %arg7[%add3A_21, %dma_wait3A] : memref<50176x16xf32, #tpu.memory_space<vmem_shared>> -> memref<392x16xf32, #tpu.memory_space<vmem_shared>>
      %dma_wait3A_61 = arith.constant 0 : i32
      %dma_wait3A_62 = tpu.memref_slice %arg7[%add3A_21, %dma_wait3A_61] : memref<50176x16xf32, #tpu.memory_space<vmem_shared>> -> memref<392x16xf32, #tpu.memory_space<vmem_shared>>
      tpu.wait_dma2 semaphore(%run_scoped3A : memref<!tpu.dma_semaphore, #tpu.memory_space<semaphore_mem>>) src(%arg6 : memref<392x16xf32, #tpu.memory_space<vmem>>) dst(%dma_wait3A_62 : memref<392x16xf32, #tpu.memory_space<vmem_shared>>)
      tpu.yield
    }) : () -> ()
    %mul3A_22 = arith.constant 3136 : i32
    %mul3A_23 = arith.muli %arg1, %mul3A_22 : i32
    %add3A_24 = arith.constant 784 : i32
    %add3A_25 = arith.addi %mul3A_23, %add3A_24 : i32
    "tpu.region"() ({
      %run_scoped3A = tpu.sem_alloc : memref<!tpu.dma_semaphore, #tpu.memory_space<semaphore_mem>>
      %dma_start3A = arith.constant 0 : i32
      %dma_start3A_57 = tpu.memref_slice %arg7[%add3A_25, %dma_start3A] : memref<50176x16xf32, #tpu.memory_space<vmem_shared>> -> memref<392x16xf32, #tpu.memory_space<vmem_shared>>
      %dma_start3A_58 = arith.constant 0 : i32
      %dma_start3A_59 = tpu.memref_slice %arg7[%add3A_25, %dma_start3A_58] : memref<50176x16xf32, #tpu.memory_space<vmem_shared>> -> memref<392x16xf32, #tpu.memory_space<vmem_shared>>
      tpu.enqueue_dma source(%arg6 : memref<392x16xf32, #tpu.memory_space<vmem>>) target(%dma_start3A_59 : memref<392x16xf32, #tpu.memory_space<vmem_shared>>) target_semaphore(%run_scoped3A : memref<!tpu.dma_semaphore, #tpu.memory_space<semaphore_mem>>)
      %dma_wait3A = arith.constant 0 : i32
      %dma_wait3A_60 = tpu.memref_slice %arg7[%add3A_25, %dma_wait3A] : memref<50176x16xf32, #tpu.memory_space<vmem_shared>> -> memref<392x16xf32, #tpu.memory_space<vmem_shared>>
      %dma_wait3A_61 = arith.constant 0 : i32
      %dma_wait3A_62 = tpu.memref_slice %arg7[%add3A_25, %dma_wait3A_61] : memref<50176x16xf32, #tpu.memory_space<vmem_shared>> -> memref<392x16xf32, #tpu.memory_space<vmem_shared>>
      tpu.wait_dma2 semaphore(%run_scoped3A : memref<!tpu.dma_semaphore, #tpu.memory_space<semaphore_mem>>) src(%arg6 : memref<392x16xf32, #tpu.memory_space<vmem>>) dst(%dma_wait3A_62 : memref<392x16xf32, #tpu.memory_space<vmem_shared>>)
      tpu.yield
    }) : () -> ()
    %mul3A_26 = arith.constant 3136 : i32
    %mul3A_27 = arith.muli %arg1, %mul3A_26 : i32
    %add3A_28 = arith.constant 1176 : i32
    %add3A_29 = arith.addi %mul3A_27, %add3A_28 : i32
    "tpu.region"() ({
      %run_scoped3A = tpu.sem_alloc : memref<!tpu.dma_semaphore, #tpu.memory_space<semaphore_mem>>
      %dma_start3A = arith.constant 0 : i32
      %dma_start3A_57 = tpu.memref_slice %arg7[%add3A_29, %dma_start3A] : memref<50176x16xf32, #tpu.memory_space<vmem_shared>> -> memref<392x16xf32, #tpu.memory_space<vmem_shared>>
      %dma_start3A_58 = arith.constant 0 : i32
      %dma_start3A_59 = tpu.memref_slice %arg7[%add3A_29, %dma_start3A_58] : memref<50176x16xf32, #tpu.memory_space<vmem_shared>> -> memref<392x16xf32, #tpu.memory_space<vmem_shared>>
      tpu.enqueue_dma source(%arg6 : memref<392x16xf32, #tpu.memory_space<vmem>>) target(%dma_start3A_59 : memref<392x16xf32, #tpu.memory_space<vmem_shared>>) target_semaphore(%run_scoped3A : memref<!tpu.dma_semaphore, #tpu.memory_space<semaphore_mem>>)
      %dma_wait3A = arith.constant 0 : i32
      %dma_wait3A_60 = tpu.memref_slice %arg7[%add3A_29, %dma_wait3A] : memref<50176x16xf32, #tpu.memory_space<vmem_shared>> -> memref<392x16xf32, #tpu.memory_space<vmem_shared>>
      %dma_wait3A_61 = arith.constant 0 : i32
      %dma_wait3A_62 = tpu.memref_slice %arg7[%add3A_29, %dma_wait3A_61] : memref<50176x16xf32, #tpu.memory_space<vmem_shared>> -> memref<392x16xf32, #tpu.memory_space<vmem_shared>>
      tpu.wait_dma2 semaphore(%run_scoped3A : memref<!tpu.dma_semaphore, #tpu.memory_space<semaphore_mem>>) src(%arg6 : memref<392x16xf32, #tpu.memory_space<vmem>>) dst(%dma_wait3A_62 : memref<392x16xf32, #tpu.memory_space<vmem_shared>>)
      tpu.yield
    }) : () -> ()
    %mul3A_30 = arith.constant 3136 : i32
    %mul3A_31 = arith.muli %arg1, %mul3A_30 : i32
    %add3A_32 = arith.constant 1568 : i32
    %add3A_33 = arith.addi %mul3A_31, %add3A_32 : i32
    "tpu.region"() ({
      %run_scoped3A = tpu.sem_alloc : memref<!tpu.dma_semaphore, #tpu.memory_space<semaphore_mem>>
      %dma_start3A = arith.constant 0 : i32
      %dma_start3A_57 = tpu.memref_slice %arg7[%add3A_33, %dma_start3A] : memref<50176x16xf32, #tpu.memory_space<vmem_shared>> -> memref<392x16xf32, #tpu.memory_space<vmem_shared>>
      %dma_start3A_58 = arith.constant 0 : i32
      %dma_start3A_59 = tpu.memref_slice %arg7[%add3A_33, %dma_start3A_58] : memref<50176x16xf32, #tpu.memory_space<vmem_shared>> -> memref<392x16xf32, #tpu.memory_space<vmem_shared>>
      tpu.enqueue_dma source(%arg6 : memref<392x16xf32, #tpu.memory_space<vmem>>) target(%dma_start3A_59 : memref<392x16xf32, #tpu.memory_space<vmem_shared>>) target_semaphore(%run_scoped3A : memref<!tpu.dma_semaphore, #tpu.memory_space<semaphore_mem>>)
      %dma_wait3A = arith.constant 0 : i32
      %dma_wait3A_60 = tpu.memref_slice %arg7[%add3A_33, %dma_wait3A] : memref<50176x16xf32, #tpu.memory_space<vmem_shared>> -> memref<392x16xf32, #tpu.memory_space<vmem_shared>>
      %dma_wait3A_61 = arith.constant 0 : i32
      %dma_wait3A_62 = tpu.memref_slice %arg7[%add3A_33, %dma_wait3A_61] : memref<50176x16xf32, #tpu.memory_space<vmem_shared>> -> memref<392x16xf32, #tpu.memory_space<vmem_shared>>
      tpu.wait_dma2 semaphore(%run_scoped3A : memref<!tpu.dma_semaphore, #tpu.memory_space<semaphore_mem>>) src(%arg6 : memref<392x16xf32, #tpu.memory_space<vmem>>) dst(%dma_wait3A_62 : memref<392x16xf32, #tpu.memory_space<vmem_shared>>)
      tpu.yield
    }) : () -> ()
    %mul3A_34 = arith.constant 3136 : i32
    %mul3A_35 = arith.muli %arg1, %mul3A_34 : i32
    %add3A_36 = arith.constant 1960 : i32
    %add3A_37 = arith.addi %mul3A_35, %add3A_36 : i32
    "tpu.region"() ({
      %run_scoped3A = tpu.sem_alloc : memref<!tpu.dma_semaphore, #tpu.memory_space<semaphore_mem>>
      %dma_start3A = arith.constant 0 : i32
      %dma_start3A_57 = tpu.memref_slice %arg7[%add3A_37, %dma_start3A] : memref<50176x16xf32, #tpu.memory_space<vmem_shared>> -> memref<392x16xf32, #tpu.memory_space<vmem_shared>>
      %dma_start3A_58 = arith.constant 0 : i32
      %dma_start3A_59 = tpu.memref_slice %arg7[%add3A_37, %dma_start3A_58] : memref<50176x16xf32, #tpu.memory_space<vmem_shared>> -> memref<392x16xf32, #tpu.memory_space<vmem_shared>>
      tpu.enqueue_dma source(%arg6 : memref<392x16xf32, #tpu.memory_space<vmem>>) target(%dma_start3A_59 : memref<392x16xf32, #tpu.memory_space<vmem_shared>>) target_semaphore(%run_scoped3A : memref<!tpu.dma_semaphore, #tpu.memory_space<semaphore_mem>>)
      %dma_wait3A = arith.constant 0 : i32
      %dma_wait3A_60 = tpu.memref_slice %arg7[%add3A_37, %dma_wait3A] : memref<50176x16xf32, #tpu.memory_space<vmem_shared>> -> memref<392x16xf32, #tpu.memory_space<vmem_shared>>
      %dma_wait3A_61 = arith.constant 0 : i32
      %dma_wait3A_62 = tpu.memref_slice %arg7[%add3A_37, %dma_wait3A_61] : memref<50176x16xf32, #tpu.memory_space<vmem_shared>> -> memref<392x16xf32, #tpu.memory_space<vmem_shared>>
      tpu.wait_dma2 semaphore(%run_scoped3A : memref<!tpu.dma_semaphore, #tpu.memory_space<semaphore_mem>>) src(%arg6 : memref<392x16xf32, #tpu.memory_space<vmem>>) dst(%dma_wait3A_62 : memref<392x16xf32, #tpu.memory_space<vmem_shared>>)
      tpu.yield
    }) : () -> ()
    %mul3A_38 = arith.constant 3136 : i32
    %mul3A_39 = arith.muli %arg1, %mul3A_38 : i32
    %add3A_40 = arith.constant 2352 : i32
    %add3A_41 = arith.addi %mul3A_39, %add3A_40 : i32
    "tpu.region"() ({
      %run_scoped3A = tpu.sem_alloc : memref<!tpu.dma_semaphore, #tpu.memory_space<semaphore_mem>>
      %dma_start3A = arith.constant 0 : i32
      %dma_start3A_57 = tpu.memref_slice %arg7[%add3A_41, %dma_start3A] : memref<50176x16xf32, #tpu.memory_space<vmem_shared>> -> memref<392x16xf32, #tpu.memory_space<vmem_shared>>
      %dma_start3A_58 = arith.constant 0 : i32
      %dma_start3A_59 = tpu.memref_slice %arg7[%add3A_41, %dma_start3A_58] : memref<50176x16xf32, #tpu.memory_space<vmem_shared>> -> memref<392x16xf32, #tpu.memory_space<vmem_shared>>
      tpu.enqueue_dma source(%arg6 : memref<392x16xf32, #tpu.memory_space<vmem>>) target(%dma_start3A_59 : memref<392x16xf32, #tpu.memory_space<vmem_shared>>) target_semaphore(%run_scoped3A : memref<!tpu.dma_semaphore, #tpu.memory_space<semaphore_mem>>)
      %dma_wait3A = arith.constant 0 : i32
      %dma_wait3A_60 = tpu.memref_slice %arg7[%add3A_41, %dma_wait3A] : memref<50176x16xf32, #tpu.memory_space<vmem_shared>> -> memref<392x16xf32, #tpu.memory_space<vmem_shared>>
      %dma_wait3A_61 = arith.constant 0 : i32
      %dma_wait3A_62 = tpu.memref_slice %arg7[%add3A_41, %dma_wait3A_61] : memref<50176x16xf32, #tpu.memory_space<vmem_shared>> -> memref<392x16xf32, #tpu.memory_space<vmem_shared>>
      tpu.wait_dma2 semaphore(%run_scoped3A : memref<!tpu.dma_semaphore, #tpu.memory_space<semaphore_mem>>) src(%arg6 : memref<392x16xf32, #tpu.memory_space<vmem>>) dst(%dma_wait3A_62 : memref<392x16xf32, #tpu.memory_space<vmem_shared>>)
      tpu.yield
    }) : () -> ()
    %mul3A_42 = arith.constant 3136 : i32
    %mul3A_43 = arith.muli %arg1, %mul3A_42 : i32
    %add3A_44 = arith.constant 2744 : i32
    %add3A_45 = arith.addi %mul3A_43, %add3A_44 : i32
    "tpu.region"() ({
      %run_scoped3A = tpu.sem_alloc : memref<!tpu.dma_semaphore, #tpu.memory_space<semaphore_mem>>
      %dma_start3A = arith.constant 0 : i32
      %dma_start3A_57 = tpu.memref_slice %arg7[%add3A_45, %dma_start3A] : memref<50176x16xf32, #tpu.memory_space<vmem_shared>> -> memref<392x16xf32, #tpu.memory_space<vmem_shared>>
      %dma_start3A_58 = arith.constant 0 : i32
      %dma_start3A_59 = tpu.memref_slice %arg7[%add3A_45, %dma_start3A_58] : memref<50176x16xf32, #tpu.memory_space<vmem_shared>> -> memref<392x16xf32, #tpu.memory_space<vmem_shared>>
      tpu.enqueue_dma source(%arg6 : memref<392x16xf32, #tpu.memory_space<vmem>>) target(%dma_start3A_59 : memref<392x16xf32, #tpu.memory_space<vmem_shared>>) target_semaphore(%run_scoped3A : memref<!tpu.dma_semaphore, #tpu.memory_space<semaphore_mem>>)
      %dma_wait3A = arith.constant 0 : i32
      %dma_wait3A_60 = tpu.memref_slice %arg7[%add3A_45, %dma_wait3A] : memref<50176x16xf32, #tpu.memory_space<vmem_shared>> -> memref<392x16xf32, #tpu.memory_space<vmem_shared>>
      %dma_wait3A_61 = arith.constant 0 : i32
      %dma_wait3A_62 = tpu.memref_slice %arg7[%add3A_45, %dma_wait3A_61] : memref<50176x16xf32, #tpu.memory_space<vmem_shared>> -> memref<392x16xf32, #tpu.memory_space<vmem_shared>>
      tpu.wait_dma2 semaphore(%run_scoped3A : memref<!tpu.dma_semaphore, #tpu.memory_space<semaphore_mem>>) src(%arg6 : memref<392x16xf32, #tpu.memory_space<vmem>>) dst(%dma_wait3A_62 : memref<392x16xf32, #tpu.memory_space<vmem_shared>>)
      tpu.yield
    }) : () -> ()
    %barrier3A = arith.constant 0 : index
    tpu.barrier barrier_id(%barrier3A)
    %scan3A_46 = arith.constant 0 : i32
    %scan3A_47 = arith.constant 0 : i32
    %scan3A_48 = arith.constant 25 : i32
    %scan3A_49 = arith.addi %scan3A_47, %scan3A_48 : i32
    %scan3A_50 = arith.constant 1 : i32
    scf.for %scan3A_57 = %scan3A_47 to %scan3A_49 step %scan3A_50  : i32 {
      "tpu.region"() ({
        %run_scoped3A = tpu.sem_alloc : memref<!tpu.dma_semaphore, #tpu.memory_space<semaphore_mem>>
        %dma_start3A = arith.constant 0 : i32
        %dma_start3A_58 = tpu.memref_slice %arg4[%scan3A_57, %dma_start3A] : memref<25x128xi32, #tpu.memory_space<vmem>> -> memref<1x128xi32, #tpu.memory_space<vmem>>
        %dma_start3A_59 = tpu.memref_squeeze %dma_start3A_58 : memref<1x128xi32, #tpu.memory_space<vmem>> -> memref<128xi32, #tpu.memory_space<vmem>>
        %dma_start3A_60 = arith.constant 0 : i32
        %dma_start3A_61 = arith.constant 0 : i32
        %dma_start3A_62 = tpu.memref_slice %arg7[%dma_start3A_60, %dma_start3A_61] : memref<50176x16xf32, #tpu.memory_space<vmem_shared>> -> memref<50176x16xf32, #tpu.memory_space<vmem_shared>>
        tpu.enqueue_indirect_dma source(%arg5 : memref<128x16xf32, #tpu.memory_space<vmem>>) target(%dma_start3A_62 : memref<50176x16xf32, #tpu.memory_space<vmem_shared>>) offsets(%dma_start3A_59 : memref<128xi32, #tpu.memory_space<vmem>>) semaphore(%run_scoped3A : memref<!tpu.dma_semaphore, #tpu.memory_space<semaphore_mem>>) {add = true}
        %dma_wait3A = arith.constant 0 : i32
        %dma_wait3A_63 = tpu.memref_slice %arg4[%scan3A_57, %dma_wait3A] : memref<25x128xi32, #tpu.memory_space<vmem>> -> memref<1x128xi32, #tpu.memory_space<vmem>>
        %dma_wait3A_64 = tpu.memref_squeeze %dma_wait3A_63 : memref<1x128xi32, #tpu.memory_space<vmem>> -> memref<128xi32, #tpu.memory_space<vmem>>
        %dma_wait3A_65 = arith.constant 0 : i32
        %dma_wait3A_66 = arith.constant 0 : i32
        %dma_wait3A_67 = tpu.memref_slice %arg7[%dma_wait3A_65, %dma_wait3A_66] : memref<50176x16xf32, #tpu.memory_space<vmem_shared>> -> memref<50176x16xf32, #tpu.memory_space<vmem_shared>>
        tpu.wait_indirect_dma semaphore(%run_scoped3A : memref<!tpu.dma_semaphore, #tpu.memory_space<semaphore_mem>>) src(%arg5 : memref<128x16xf32, #tpu.memory_space<vmem>>) dst(%dma_wait3A_67 : memref<50176x16xf32, #tpu.memory_space<vmem_shared>>)
        tpu.yield
      }) : () -> ()
    }
    %scan3A_51 = arith.constant 25 : i32
    %barrier3A_52 = arith.constant 0 : index
    tpu.barrier barrier_id(%barrier3A_52)
    %mul3A_53 = arith.constant 3136 : i32
    %mul3A_54 = arith.muli %arg1, %mul3A_53 : i32
    %mul3A_55 = arith.constant 3136 : i32
    %mul3A_56 = arith.muli %arg1, %mul3A_55 : i32
    "tpu.region"() ({
      %run_scoped3A = tpu.sem_alloc : memref<!tpu.dma_semaphore, #tpu.memory_space<semaphore_mem>>
      %dma_start3A = arith.constant 0 : i32
      %dma_start3A_57 = tpu.memref_slice %arg3[%arg0, %mul3A_56, %dma_start3A] : memref<2x50176x16xf32, #tpu.memory_space<hbm>> -> memref<1x3136x16xf32, #tpu.memory_space<hbm>>
      %dma_start3A_58 = tpu.memref_squeeze %dma_start3A_57 : memref<1x3136x16xf32, #tpu.memory_space<hbm>> -> memref<3136x16xf32, #tpu.memory_space<hbm>>
      %dma_start3A_59 = arith.constant 0 : i32
      %dma_start3A_60 = tpu.memref_slice %arg7[%mul3A_54, %dma_start3A_59] : memref<50176x16xf32, #tpu.memory_space<vmem_shared>> -> memref<3136x16xf32, #tpu.memory_space<vmem_shared>>
      tpu.enqueue_dma source(%dma_start3A_60 : memref<3136x16xf32, #tpu.memory_space<vmem_shared>>) target(%dma_start3A_58 : memref<3136x16xf32, #tpu.memory_space<hbm>>) target_semaphore(%run_scoped3A : memref<!tpu.dma_semaphore, #tpu.memory_space<semaphore_mem>>)
      %dma_wait3A = arith.constant 0 : i32
      %dma_wait3A_61 = tpu.memref_slice %arg3[%arg0, %mul3A_56, %dma_wait3A] : memref<2x50176x16xf32, #tpu.memory_space<hbm>> -> memref<1x3136x16xf32, #tpu.memory_space<hbm>>
      %dma_wait3A_62 = tpu.memref_squeeze %dma_wait3A_61 : memref<1x3136x16xf32, #tpu.memory_space<hbm>> -> memref<3136x16xf32, #tpu.memory_space<hbm>>
      %dma_wait3A_63 = arith.constant 0 : i32
      %dma_wait3A_64 = tpu.memref_slice %arg7[%mul3A_54, %dma_wait3A_63] : memref<50176x16xf32, #tpu.memory_space<vmem_shared>> -> memref<3136x16xf32, #tpu.memory_space<vmem_shared>>
      tpu.wait_dma2 semaphore(%run_scoped3A : memref<!tpu.dma_semaphore, #tpu.memory_space<semaphore_mem>>) src(%dma_wait3A_64 : memref<3136x16xf32, #tpu.memory_space<vmem_shared>>) dst(%dma_wait3A_62 : memref<3136x16xf32, #tpu.memory_space<hbm>>)
      tpu.yield
    }) : () -> ()
    return
  }
}

module attributes {stable_mosaic.version = 14 : i64} {
  func.func @_pre_body(%arg0: i32, %arg1: memref<4x64x2048xf32, #tpu.memory_space<vmem>>, %arg2: memref<4x64x2048xf32, #tpu.memory_space<vmem>>, %arg3: memref<4x64x2048xf32, #tpu.memory_space<vmem>>, %arg4: memref<4x64x2048xf32, #tpu.memory_space<vmem>>, %arg5: memref<64x64xf32, #tpu.memory_space<vmem>>, %arg6: memref<64x64xf32, #tpu.memory_space<vmem>>, %arg7: memref<64x64xf32, #tpu.memory_space<vmem>>, %arg8: memref<64x64xf32, #tpu.memory_space<vmem>>, %arg9: memref<1x64xf32, #tpu.memory_space<vmem>>, %arg10: memref<1x64xf32, #tpu.memory_space<vmem>>, %arg11: memref<1x64xf32, #tpu.memory_space<vmem>>, %arg12: memref<1x64xf32, #tpu.memory_space<vmem>>, %arg13: memref<2048x64xf32, #tpu.memory_space<vmem>>, %arg14: memref<2048x64xf32, #tpu.memory_space<vmem>>, %arg15: memref<2048x64xf32, #tpu.memory_space<vmem>>, %arg16: memref<2048x64xf32, #tpu.memory_space<vmem>>, %arg17: memref<2048x64xf32, #tpu.memory_space<vmem>>, %arg18: memref<2048x64xf32, #tpu.memory_space<vmem>>, %arg19: memref<2048x64xf32, #tpu.memory_space<vmem>>) attributes {dimension_semantics = [#tpu.dimension_semantics<arbitrary>], iteration_bounds = array<i64: 25>, scalar_prefetch = 0 : i64, scratch_operands = 0 : i64, tpu.core_type = #tpu.core_type<tc>, window_params = [{transform_indices = @transform_0, window_bounds = array<i64: 4, 64, 2048>}, {transform_indices = @transform_1, window_bounds = array<i64: 4, 64, 2048>}, {transform_indices = @transform_2, window_bounds = array<i64: 4, 64, 2048>}, {transform_indices = @transform_3, window_bounds = array<i64: 4, 64, 2048>}, {pipeline_mode = #tpu.pipeline_mode<synchronous>, transform_indices = @transform_4, window_bounds = array<i64: 64, 64>}, {pipeline_mode = #tpu.pipeline_mode<synchronous>, transform_indices = @transform_5, window_bounds = array<i64: 64, 64>}, {pipeline_mode = #tpu.pipeline_mode<synchronous>, transform_indices = @transform_6, window_bounds = array<i64: 64, 64>}, {pipeline_mode = #tpu.pipeline_mode<synchronous>, transform_indices = @transform_7, window_bounds = array<i64: 64, 64>}, {pipeline_mode = #tpu.pipeline_mode<synchronous>, transform_indices = @transform_8, window_bounds = array<i64: 1, 64>}, {pipeline_mode = #tpu.pipeline_mode<synchronous>, transform_indices = @transform_9, window_bounds = array<i64: 1, 64>}, {pipeline_mode = #tpu.pipeline_mode<synchronous>, transform_indices = @transform_10, window_bounds = array<i64: 1, 64>}, {pipeline_mode = #tpu.pipeline_mode<synchronous>, transform_indices = @transform_11, window_bounds = array<i64: 1, 64>}, {transform_indices = @transform_12, window_bounds = array<i64: 2048, 64>}, {transform_indices = @transform_13, window_bounds = array<i64: 2048, 64>}, {transform_indices = @transform_14, window_bounds = array<i64: 2048, 64>}, {transform_indices = @transform_15, window_bounds = array<i64: 2048, 64>}, {transform_indices = @transform_16, window_bounds = array<i64: 2048, 64>}, {transform_indices = @transform_17, window_bounds = array<i64: 2048, 64>}, {transform_indices = @transform_18, window_bounds = array<i64: 2048, 64>}]} {
    %get3A = arith.constant 0 : index
    %get3A_0 = arith.constant 0 : index
    %get3A_1 = arith.constant 0 : index
    %get3A_2 = vector.load %arg1[%get3A, %get3A_0, %get3A_1] : memref<4x64x2048xf32, #tpu.memory_space<vmem>>, vector<4x64x2048xf32>
    %reduce_sum3A = arith.constant dense<0.000000e+00> : vector<64x2048xf32>
    %reduce_sum3A_3 = vector.multi_reduction <add>, %get3A_2, %reduce_sum3A [0] : vector<4x64x2048xf32> to vector<64x2048xf32>
    %div3A = arith.constant 4.000000e+00 : f32
    %div3A_4 = vector.broadcast %div3A : f32 to vector<64x2048xf32>
    %div3A_5 = arith.divf %reduce_sum3A_3, %div3A_4 : vector<64x2048xf32>
    %transpose3A = tpu.transpose %div3A_5, [1, 0] : vector<64x2048xf32> -> vector<2048x64xf32>
    %get3A_6 = arith.constant 0 : index
    %get3A_7 = arith.constant 0 : index
    %get3A_8 = arith.constant 0 : index
    %get3A_9 = vector.load %arg2[%get3A_6, %get3A_7, %get3A_8] : memref<4x64x2048xf32, #tpu.memory_space<vmem>>, vector<4x64x2048xf32>
    %reduce_sum3A_10 = arith.constant dense<0.000000e+00> : vector<64x2048xf32>
    %reduce_sum3A_11 = vector.multi_reduction <add>, %get3A_9, %reduce_sum3A_10 [0] : vector<4x64x2048xf32> to vector<64x2048xf32>
    %div3A_12 = arith.constant 4.000000e+00 : f32
    %div3A_13 = vector.broadcast %div3A_12 : f32 to vector<64x2048xf32>
    %div3A_14 = arith.divf %reduce_sum3A_11, %div3A_13 : vector<64x2048xf32>
    %transpose3A_15 = tpu.transpose %div3A_14, [1, 0] : vector<64x2048xf32> -> vector<2048x64xf32>
    %get3A_16 = arith.constant 0 : index
    %get3A_17 = arith.constant 0 : index
    %get3A_18 = arith.constant 0 : index
    %get3A_19 = vector.load %arg3[%get3A_16, %get3A_17, %get3A_18] : memref<4x64x2048xf32, #tpu.memory_space<vmem>>, vector<4x64x2048xf32>
    %reduce_sum3A_20 = arith.constant dense<0.000000e+00> : vector<64x2048xf32>
    %reduce_sum3A_21 = vector.multi_reduction <add>, %get3A_19, %reduce_sum3A_20 [0] : vector<4x64x2048xf32> to vector<64x2048xf32>
    %div3A_22 = arith.constant 4.000000e+00 : f32
    %div3A_23 = vector.broadcast %div3A_22 : f32 to vector<64x2048xf32>
    %div3A_24 = arith.divf %reduce_sum3A_21, %div3A_23 : vector<64x2048xf32>
    %transpose3A_25 = tpu.transpose %div3A_24, [1, 0] : vector<64x2048xf32> -> vector<2048x64xf32>
    %get3A_26 = arith.constant 0 : index
    %get3A_27 = arith.constant 0 : index
    %get3A_28 = arith.constant 0 : index
    %get3A_29 = vector.load %arg4[%get3A_26, %get3A_27, %get3A_28] : memref<4x64x2048xf32, #tpu.memory_space<vmem>>, vector<4x64x2048xf32>
    %reduce_sum3A_30 = arith.constant dense<0.000000e+00> : vector<64x2048xf32>
    %reduce_sum3A_31 = vector.multi_reduction <add>, %get3A_29, %reduce_sum3A_30 [0] : vector<4x64x2048xf32> to vector<64x2048xf32>
    %div3A_32 = arith.constant 4.000000e+00 : f32
    %div3A_33 = vector.broadcast %div3A_32 : f32 to vector<64x2048xf32>
    %div3A_34 = arith.divf %reduce_sum3A_31, %div3A_33 : vector<64x2048xf32>
    %transpose3A_35 = tpu.transpose %div3A_34, [1, 0] : vector<64x2048xf32> -> vector<2048x64xf32>
    %swap3A = arith.constant 0 : index
    %swap3A_36 = arith.constant 0 : index
    %swap3A_37 = vector.load %arg13[%swap3A, %swap3A_36] : memref<2048x64xf32, #tpu.memory_space<vmem>>, vector<2048x64xf32>
    tpu.vector_store %arg13[%swap3A, %swap3A_36], %transpose3A {strides = array<i32>} : memref<2048x64xf32, #tpu.memory_space<vmem>>, vector<2048x64xf32>,
    %swap3A_38 = arith.constant 0 : index
    %swap3A_39 = arith.constant 0 : index
    %swap3A_40 = vector.load %arg14[%swap3A_38, %swap3A_39] : memref<2048x64xf32, #tpu.memory_space<vmem>>, vector<2048x64xf32>
    tpu.vector_store %arg14[%swap3A_38, %swap3A_39], %transpose3A_15 {strides = array<i32>} : memref<2048x64xf32, #tpu.memory_space<vmem>>, vector<2048x64xf32>,
    %swap3A_41 = arith.constant 0 : index
    %swap3A_42 = arith.constant 0 : index
    %swap3A_43 = vector.load %arg15[%swap3A_41, %swap3A_42] : memref<2048x64xf32, #tpu.memory_space<vmem>>, vector<2048x64xf32>
    tpu.vector_store %arg15[%swap3A_41, %swap3A_42], %transpose3A_25 {strides = array<i32>} : memref<2048x64xf32, #tpu.memory_space<vmem>>, vector<2048x64xf32>,
    %get3A_44 = arith.constant 0 : index
    %get3A_45 = arith.constant 0 : index
    %get3A_46 = vector.load %arg5[%get3A_44, %get3A_45] : memref<64x64xf32, #tpu.memory_space<vmem>>, vector<64x64xf32>
    %dot_general3A = arith.constant dense<0.000000e+00> : vector<2048x64xf32>
    %dot_general3A_47 = tpu.matmul %transpose3A_25, %get3A_46, %dot_general3A {dimension_numbers = #tpu.dot_dimension_numbers<[1], [0], [0], [1], [0, 0, 1, 1], [], []>, transpose_lhs_hint = false} : vector<2048x64xf32>, vector<64x64xf32>, vector<2048x64xf32> -> vector<2048x64xf32>
    %get3A_48 = arith.constant 0 : index
    %get3A_49 = arith.constant 0 : index
    %get3A_50 = vector.load %arg9[%get3A_48, %get3A_49] : memref<1x64xf32, #tpu.memory_space<vmem>>, vector<1x64xf32>
    %add3A = vector.broadcast %get3A_50 : vector<1x64xf32> to vector<2048x64xf32>
    %add3A_51 = arith.addf %dot_general3A_47, %add3A : vector<2048x64xf32>
    %swap3A_52 = arith.constant 0 : index
    %swap3A_53 = arith.constant 0 : index
    %swap3A_54 = vector.load %arg16[%swap3A_52, %swap3A_53] : memref<2048x64xf32, #tpu.memory_space<vmem>>, vector<2048x64xf32>
    tpu.vector_store %arg16[%swap3A_52, %swap3A_53], %add3A_51 {strides = array<i32>} : memref<2048x64xf32, #tpu.memory_space<vmem>>, vector<2048x64xf32>,
    %get3A_55 = arith.constant 0 : index
    %get3A_56 = arith.constant 0 : index
    %get3A_57 = vector.load %arg6[%get3A_55, %get3A_56] : memref<64x64xf32, #tpu.memory_space<vmem>>, vector<64x64xf32>
    %dot_general3A_58 = arith.constant dense<0.000000e+00> : vector<2048x64xf32>
    %dot_general3A_59 = tpu.matmul %transpose3A_25, %get3A_57, %dot_general3A_58 {dimension_numbers = #tpu.dot_dimension_numbers<[1], [0], [0], [1], [0, 0, 1, 1], [], []>, transpose_lhs_hint = false} : vector<2048x64xf32>, vector<64x64xf32>, vector<2048x64xf32> -> vector<2048x64xf32>
    %get3A_60 = arith.constant 0 : index
    %get3A_61 = arith.constant 0 : index
    %get3A_62 = vector.load %arg10[%get3A_60, %get3A_61] : memref<1x64xf32, #tpu.memory_space<vmem>>, vector<1x64xf32>
    %add3A_63 = vector.broadcast %get3A_62 : vector<1x64xf32> to vector<2048x64xf32>
    %add3A_64 = arith.addf %dot_general3A_59, %add3A_63 : vector<2048x64xf32>
    %swap3A_65 = arith.constant 0 : index
    %swap3A_66 = arith.constant 0 : index
    %swap3A_67 = vector.load %arg17[%swap3A_65, %swap3A_66] : memref<2048x64xf32, #tpu.memory_space<vmem>>, vector<2048x64xf32>
    tpu.vector_store %arg17[%swap3A_65, %swap3A_66], %add3A_64 {strides = array<i32>} : memref<2048x64xf32, #tpu.memory_space<vmem>>, vector<2048x64xf32>,
    %get3A_68 = arith.constant 0 : index
    %get3A_69 = arith.constant 0 : index
    %get3A_70 = vector.load %arg7[%get3A_68, %get3A_69] : memref<64x64xf32, #tpu.memory_space<vmem>>, vector<64x64xf32>
    %dot_general3A_71 = arith.constant dense<0.000000e+00> : vector<2048x64xf32>
    %dot_general3A_72 = tpu.matmul %transpose3A_35, %get3A_70, %dot_general3A_71 {dimension_numbers = #tpu.dot_dimension_numbers<[1], [0], [0], [1], [0, 0, 1, 1], [], []>, transpose_lhs_hint = false} : vector<2048x64xf32>, vector<64x64xf32>, vector<2048x64xf32> -> vector<2048x64xf32>
    %get3A_73 = arith.constant 0 : index
    %get3A_74 = arith.constant 0 : index
    %get3A_75 = vector.load %arg11[%get3A_73, %get3A_74] : memref<1x64xf32, #tpu.memory_space<vmem>>, vector<1x64xf32>
    %add3A_76 = vector.broadcast %get3A_75 : vector<1x64xf32> to vector<2048x64xf32>
    %add3A_77 = arith.addf %dot_general3A_72, %add3A_76 : vector<2048x64xf32>
    %swap3A_78 = arith.constant 0 : index
    %swap3A_79 = arith.constant 0 : index
    %swap3A_80 = vector.load %arg18[%swap3A_78, %swap3A_79] : memref<2048x64xf32, #tpu.memory_space<vmem>>, vector<2048x64xf32>
    tpu.vector_store %arg18[%swap3A_78, %swap3A_79], %add3A_77 {strides = array<i32>} : memref<2048x64xf32, #tpu.memory_space<vmem>>, vector<2048x64xf32>,
    %get3A_81 = arith.constant 0 : index
    %get3A_82 = arith.constant 0 : index
    %get3A_83 = vector.load %arg8[%get3A_81, %get3A_82] : memref<64x64xf32, #tpu.memory_space<vmem>>, vector<64x64xf32>
    %dot_general3A_84 = arith.constant dense<0.000000e+00> : vector<2048x64xf32>
    %dot_general3A_85 = tpu.matmul %transpose3A_35, %get3A_83, %dot_general3A_84 {dimension_numbers = #tpu.dot_dimension_numbers<[1], [0], [0], [1], [0, 0, 1, 1], [], []>, transpose_lhs_hint = false} : vector<2048x64xf32>, vector<64x64xf32>, vector<2048x64xf32> -> vector<2048x64xf32>
    %get3A_86 = arith.constant 0 : index
    %get3A_87 = arith.constant 0 : index
    %get3A_88 = vector.load %arg12[%get3A_86, %get3A_87] : memref<1x64xf32, #tpu.memory_space<vmem>>, vector<1x64xf32>
    %add3A_89 = vector.broadcast %get3A_88 : vector<1x64xf32> to vector<2048x64xf32>
    %add3A_90 = arith.addf %dot_general3A_85, %add3A_89 : vector<2048x64xf32>
    %swap3A_91 = arith.constant 0 : index
    %swap3A_92 = arith.constant 0 : index
    %swap3A_93 = vector.load %arg19[%swap3A_91, %swap3A_92] : memref<2048x64xf32, #tpu.memory_space<vmem>>, vector<2048x64xf32>
    tpu.vector_store %arg19[%swap3A_91, %swap3A_92], %add3A_90 {strides = array<i32>} : memref<2048x64xf32, #tpu.memory_space<vmem>>, vector<2048x64xf32>,
    return
  }
  func.func @transform_0(%arg0: i32) -> (i32, i32, i32) {
    %c0_i32 = arith.constant 0 : i32
    %c0_i32_0 = arith.constant 0 : i32
    %c0_i32_1 = arith.constant 0 : i32
    return %c0_i32, %c0_i32_0, %arg0 : i32, i32, i32
  }
  func.func @transform_1(%arg0: i32) -> (i32, i32, i32) {
    %c0_i32 = arith.constant 0 : i32
    %c0_i32_0 = arith.constant 0 : i32
    %c0_i32_1 = arith.constant 0 : i32
    return %c0_i32, %c0_i32_0, %arg0 : i32, i32, i32
  }
  func.func @transform_2(%arg0: i32) -> (i32, i32, i32) {
    %c0_i32 = arith.constant 0 : i32
    %c0_i32_0 = arith.constant 0 : i32
    %c0_i32_1 = arith.constant 0 : i32
    return %c0_i32, %c0_i32_0, %arg0 : i32, i32, i32
  }
  func.func @transform_3(%arg0: i32) -> (i32, i32, i32) {
    %c0_i32 = arith.constant 0 : i32
    %c0_i32_0 = arith.constant 0 : i32
    %c0_i32_1 = arith.constant 0 : i32
    return %c0_i32, %c0_i32_0, %arg0 : i32, i32, i32
  }
  func.func @transform_4(%arg0: i32) -> (i32, i32) {
    %c0_i32 = arith.constant 0 : i32
    %c0_i32_0 = arith.constant 0 : i32
    %c0_i32_1 = arith.constant 0 : i32
    return %c0_i32, %c0_i32_0 : i32, i32
  }
  func.func @transform_5(%arg0: i32) -> (i32, i32) {
    %c0_i32 = arith.constant 0 : i32
    %c0_i32_0 = arith.constant 0 : i32
    %c0_i32_1 = arith.constant 0 : i32
    return %c0_i32, %c0_i32_0 : i32, i32
  }
  func.func @transform_6(%arg0: i32) -> (i32, i32) {
    %c0_i32 = arith.constant 0 : i32
    %c0_i32_0 = arith.constant 0 : i32
    %c0_i32_1 = arith.constant 0 : i32
    return %c0_i32, %c0_i32_0 : i32, i32
  }
  func.func @transform_7(%arg0: i32) -> (i32, i32) {
    %c0_i32 = arith.constant 0 : i32
    %c0_i32_0 = arith.constant 0 : i32
    %c0_i32_1 = arith.constant 0 : i32
    return %c0_i32, %c0_i32_0 : i32, i32
  }
  func.func @transform_8(%arg0: i32) -> (i32, i32) {
    %c0_i32 = arith.constant 0 : i32
    %c0_i32_0 = arith.constant 0 : i32
    %c0_i32_1 = arith.constant 0 : i32
    return %c0_i32, %c0_i32_0 : i32, i32
  }
  func.func @transform_9(%arg0: i32) -> (i32, i32) {
    %c0_i32 = arith.constant 0 : i32
    %c0_i32_0 = arith.constant 0 : i32
    %c0_i32_1 = arith.constant 0 : i32
    return %c0_i32, %c0_i32_0 : i32, i32
  }
  func.func @transform_10(%arg0: i32) -> (i32, i32) {
    %c0_i32 = arith.constant 0 : i32
    %c0_i32_0 = arith.constant 0 : i32
    %c0_i32_1 = arith.constant 0 : i32
    return %c0_i32, %c0_i32_0 : i32, i32
  }
  func.func @transform_11(%arg0: i32) -> (i32, i32) {
    %c0_i32 = arith.constant 0 : i32
    %c0_i32_0 = arith.constant 0 : i32
    %c0_i32_1 = arith.constant 0 : i32
    return %c0_i32, %c0_i32_0 : i32, i32
  }
  func.func @transform_12(%arg0: i32) -> (i32, i32) {
    %c0_i32 = arith.constant 0 : i32
    %c0_i32_0 = arith.constant 0 : i32
    return %arg0, %c0_i32 : i32, i32
  }
  func.func @transform_13(%arg0: i32) -> (i32, i32) {
    %c0_i32 = arith.constant 0 : i32
    %c0_i32_0 = arith.constant 0 : i32
    return %arg0, %c0_i32 : i32, i32
  }
  func.func @transform_14(%arg0: i32) -> (i32, i32) {
    %c0_i32 = arith.constant 0 : i32
    %c0_i32_0 = arith.constant 0 : i32
    return %arg0, %c0_i32 : i32, i32
  }
  func.func @transform_15(%arg0: i32) -> (i32, i32) {
    %c0_i32 = arith.constant 0 : i32
    %c0_i32_0 = arith.constant 0 : i32
    return %arg0, %c0_i32 : i32, i32
  }
  func.func @transform_16(%arg0: i32) -> (i32, i32) {
    %c0_i32 = arith.constant 0 : i32
    %c0_i32_0 = arith.constant 0 : i32
    return %arg0, %c0_i32 : i32, i32
  }
  func.func @transform_17(%arg0: i32) -> (i32, i32) {
    %c0_i32 = arith.constant 0 : i32
    %c0_i32_0 = arith.constant 0 : i32
    return %arg0, %c0_i32 : i32, i32
  }
  func.func @transform_18(%arg0: i32) -> (i32, i32) {
    %c0_i32 = arith.constant 0 : i32
    %c0_i32_0 = arith.constant 0 : i32
    return %arg0, %c0_i32 : i32, i32
  }
}

module attributes {stable_mosaic.version = 14 : i64} {
  func.func @_v_body(%arg0: i32, %arg1: memref<2000x64xf32, #tpu.memory_space<vmem>>, %arg2: memref<2000x64xf32, #tpu.memory_space<vmem>>, %arg3: memref<64x64xf32, #tpu.memory_space<vmem>>, %arg4: memref<64x64xf32, #tpu.memory_space<vmem>>, %arg5: memref<2000x64xf32, #tpu.memory_space<vmem>>, %arg6: memref<2000x64xf32, #tpu.memory_space<vmem>>, %arg7: memref<2000x1xf32, #tpu.memory_space<vmem>>, %arg8: memref<2000x1xf32, #tpu.memory_space<vmem>>, %arg9: memref<2000x128xf32, #tpu.memory_space<vmem>>) attributes {dimension_semantics = [#tpu.dimension_semantics<arbitrary>], iteration_bounds = array<i64: 25>, scalar_prefetch = 0 : i64, scratch_operands = 0 : i64, tpu.core_type = #tpu.core_type<tc>, window_params = [{transform_indices = @transform_0, window_bounds = array<i64: 2000, 64>}, {transform_indices = @transform_1, window_bounds = array<i64: 2000, 64>}, {pipeline_mode = #tpu.pipeline_mode<synchronous>, transform_indices = @transform_2, window_bounds = array<i64: 64, 64>}, {pipeline_mode = #tpu.pipeline_mode<synchronous>, transform_indices = @transform_3, window_bounds = array<i64: 64, 64>}, {transform_indices = @transform_4, window_bounds = array<i64: 2000, 64>}, {transform_indices = @transform_5, window_bounds = array<i64: 2000, 64>}, {transform_indices = @transform_6, window_bounds = array<i64: 2000, 1>}, {transform_indices = @transform_7, window_bounds = array<i64: 2000, 1>}, {transform_indices = @transform_8, window_bounds = array<i64: 2000, 128>}]} {
    %get3A = arith.constant 0 : index
    %get3A_0 = arith.constant 0 : index
    %get3A_1 = vector.load %arg1[%get3A, %get3A_0] : memref<2000x64xf32, #tpu.memory_space<vmem>>, vector<2000x64xf32>
    %get3A_2 = arith.constant 0 : index
    %get3A_3 = arith.constant 0 : index
    %get3A_4 = vector.load %arg2[%get3A_2, %get3A_3] : memref<2000x64xf32, #tpu.memory_space<vmem>>, vector<2000x64xf32>
    %get3A_5 = arith.constant 0 : index
    %get3A_6 = arith.constant 0 : index
    %get3A_7 = vector.load %arg7[%get3A_5, %get3A_6] : memref<2000x1xf32, #tpu.memory_space<vmem>>, vector<2000x1xf32>
    %add3A = arith.constant 1.000000e+00 : f32
    %add3A_8 = vector.broadcast %add3A : f32 to vector<2000x1xf32>
    %add3A_9 = arith.addf %get3A_7, %add3A_8 : vector<2000x1xf32>
    %rsqrt3A = math.rsqrt %add3A_9 : vector<2000x1xf32>
    %get3A_10 = arith.constant 0 : index
    %get3A_11 = arith.constant 0 : index
    %get3A_12 = vector.load %arg3[%get3A_10, %get3A_11] : memref<64x64xf32, #tpu.memory_space<vmem>>, vector<64x64xf32>
    %dot_general3A = arith.constant dense<0.000000e+00> : vector<2000x64xf32>
    %dot_general3A_13 = tpu.matmul %get3A_1, %get3A_12, %dot_general3A {dimension_numbers = #tpu.dot_dimension_numbers<[1], [0], [0], [1], [0, 0, 1, 1], [], []>, transpose_lhs_hint = false} : vector<2000x64xf32>, vector<64x64xf32>, vector<2000x64xf32> -> vector<2000x64xf32>
    %get3A_14 = arith.constant 0 : index
    %get3A_15 = arith.constant 0 : index
    %get3A_16 = vector.load %arg5[%get3A_14, %get3A_15] : memref<2000x64xf32, #tpu.memory_space<vmem>>, vector<2000x64xf32>
    %add3A_17 = arith.addf %dot_general3A_13, %get3A_16 : vector<2000x64xf32>
    %mul3A = vector.broadcast %rsqrt3A : vector<2000x1xf32> to vector<2000x64xf32>
    %mul3A_18 = arith.mulf %mul3A, %add3A_17 : vector<2000x64xf32>
    %get3A_19 = arith.constant 0 : index
    %get3A_20 = arith.constant 0 : index
    %get3A_21 = vector.load %arg8[%get3A_19, %get3A_20] : memref<2000x1xf32, #tpu.memory_space<vmem>>, vector<2000x1xf32>
    %add3A_22 = arith.constant 1.000000e+00 : f32
    %add3A_23 = vector.broadcast %add3A_22 : f32 to vector<2000x1xf32>
    %add3A_24 = arith.addf %get3A_21, %add3A_23 : vector<2000x1xf32>
    %rsqrt3A_25 = math.rsqrt %add3A_24 : vector<2000x1xf32>
    %get3A_26 = arith.constant 0 : index
    %get3A_27 = arith.constant 0 : index
    %get3A_28 = vector.load %arg4[%get3A_26, %get3A_27] : memref<64x64xf32, #tpu.memory_space<vmem>>, vector<64x64xf32>
    %dot_general3A_29 = arith.constant dense<0.000000e+00> : vector<2000x64xf32>
    %dot_general3A_30 = tpu.matmul %get3A_4, %get3A_28, %dot_general3A_29 {dimension_numbers = #tpu.dot_dimension_numbers<[1], [0], [0], [1], [0, 0, 1, 1], [], []>, transpose_lhs_hint = false} : vector<2000x64xf32>, vector<64x64xf32>, vector<2000x64xf32> -> vector<2000x64xf32>
    %get3A_31 = arith.constant 0 : index
    %get3A_32 = arith.constant 0 : index
    %get3A_33 = vector.load %arg6[%get3A_31, %get3A_32] : memref<2000x64xf32, #tpu.memory_space<vmem>>, vector<2000x64xf32>
    %add3A_34 = arith.addf %dot_general3A_30, %get3A_33 : vector<2000x64xf32>
    %mul3A_35 = vector.broadcast %rsqrt3A_25 : vector<2000x1xf32> to vector<2000x64xf32>
    %mul3A_36 = arith.mulf %mul3A_35, %add3A_34 : vector<2000x64xf32>
    %concatenate3A = tpu.concatenate %mul3A_18, %mul3A_36 in 1 : vector<2000x64xf32>, vector<2000x64xf32> -> vector<2000x128xf32>
    %swap3A = arith.constant 0 : index
    %swap3A_37 = arith.constant 0 : index
    %swap3A_38 = vector.load %arg9[%swap3A, %swap3A_37] : memref<2000x128xf32, #tpu.memory_space<vmem>>, vector<2000x128xf32>
    tpu.vector_store %arg9[%swap3A, %swap3A_37], %concatenate3A {strides = array<i32>} : memref<2000x128xf32, #tpu.memory_space<vmem>>, vector<2000x128xf32>,
    return
  }
  func.func @transform_0(%arg0: i32) -> (i32, i32) {
    %c0_i32 = arith.constant 0 : i32
    %c0_i32_0 = arith.constant 0 : i32
    return %arg0, %c0_i32 : i32, i32
  }
  func.func @transform_1(%arg0: i32) -> (i32, i32) {
    %c0_i32 = arith.constant 0 : i32
    %c0_i32_0 = arith.constant 0 : i32
    return %arg0, %c0_i32 : i32, i32
  }
  func.func @transform_2(%arg0: i32) -> (i32, i32) {
    %c0_i32 = arith.constant 0 : i32
    %c0_i32_0 = arith.constant 0 : i32
    %c0_i32_1 = arith.constant 0 : i32
    return %c0_i32, %c0_i32_0 : i32, i32
  }
  func.func @transform_3(%arg0: i32) -> (i32, i32) {
    %c0_i32 = arith.constant 0 : i32
    %c0_i32_0 = arith.constant 0 : i32
    %c0_i32_1 = arith.constant 0 : i32
    return %c0_i32, %c0_i32_0 : i32, i32
  }
  func.func @transform_4(%arg0: i32) -> (i32, i32) {
    %c0_i32 = arith.constant 0 : i32
    %c0_i32_0 = arith.constant 0 : i32
    return %arg0, %c0_i32 : i32, i32
  }
  func.func @transform_5(%arg0: i32) -> (i32, i32) {
    %c0_i32 = arith.constant 0 : i32
    %c0_i32_0 = arith.constant 0 : i32
    return %arg0, %c0_i32 : i32, i32
  }
  func.func @transform_6(%arg0: i32) -> (i32, i32) {
    %c0_i32 = arith.constant 0 : i32
    %c0_i32_0 = arith.constant 0 : i32
    return %arg0, %c0_i32 : i32, i32
  }
  func.func @transform_7(%arg0: i32) -> (i32, i32) {
    %c0_i32 = arith.constant 0 : i32
    %c0_i32_0 = arith.constant 0 : i32
    return %arg0, %c0_i32 : i32, i32
  }
  func.func @transform_8(%arg0: i32) -> (i32, i32) {
    %c0_i32 = arith.constant 0 : i32
    %c0_i32_0 = arith.constant 0 : i32
    return %arg0, %c0_i32 : i32, i32
  }
}

module attributes {stable_mosaic.version = 14 : i64} {
  func.func @_v_body(%arg0: i32, %arg1: memref<2000x128xf32, #tpu.memory_space<vmem>>, %arg2: memref<2000x128xf32, #tpu.memory_space<vmem>>, %arg3: memref<64x64xf32, #tpu.memory_space<vmem>>, %arg4: memref<64x64xf32, #tpu.memory_space<vmem>>, %arg5: memref<2000x64xf32, #tpu.memory_space<vmem>>, %arg6: memref<2000x64xf32, #tpu.memory_space<vmem>>, %arg7: memref<2000x1xf32, #tpu.memory_space<vmem>>, %arg8: memref<2000x1xf32, #tpu.memory_space<vmem>>, %arg9: memref<2000x128xf32, #tpu.memory_space<vmem>>) attributes {dimension_semantics = [#tpu.dimension_semantics<arbitrary>], iteration_bounds = array<i64: 25>, scalar_prefetch = 0 : i64, scratch_operands = 0 : i64, tpu.core_type = #tpu.core_type<tc>, window_params = [{transform_indices = @transform_0, window_bounds = array<i64: 2000, 128>}, {transform_indices = @transform_1, window_bounds = array<i64: 2000, 128>}, {pipeline_mode = #tpu.pipeline_mode<synchronous>, transform_indices = @transform_2, window_bounds = array<i64: 64, 64>}, {pipeline_mode = #tpu.pipeline_mode<synchronous>, transform_indices = @transform_3, window_bounds = array<i64: 64, 64>}, {transform_indices = @transform_4, window_bounds = array<i64: 2000, 64>}, {transform_indices = @transform_5, window_bounds = array<i64: 2000, 64>}, {transform_indices = @transform_6, window_bounds = array<i64: 2000, 1>}, {transform_indices = @transform_7, window_bounds = array<i64: 2000, 1>}, {transform_indices = @transform_8, window_bounds = array<i64: 2000, 128>}]} {
    %get3A = arith.constant 0 : index
    %get3A_0 = arith.constant 0 : index
    %get3A_1 = vector.load %arg1[%get3A, %get3A_0] : memref<2000x128xf32, #tpu.memory_space<vmem>>, vector<2000x64xf32>
    %get3A_2 = arith.constant 0 : index
    %get3A_3 = arith.constant 64 : index
    %get3A_4 = vector.load %arg2[%get3A_2, %get3A_3] : memref<2000x128xf32, #tpu.memory_space<vmem>>, vector<2000x64xf32>
    %add3A = arith.addf %get3A_1, %get3A_4 : vector<2000x64xf32>
    %get3A_5 = arith.constant 0 : index
    %get3A_6 = arith.constant 64 : index
    %get3A_7 = vector.load %arg1[%get3A_5, %get3A_6] : memref<2000x128xf32, #tpu.memory_space<vmem>>, vector<2000x64xf32>
    %get3A_8 = arith.constant 0 : index
    %get3A_9 = arith.constant 0 : index
    %get3A_10 = vector.load %arg2[%get3A_8, %get3A_9] : memref<2000x128xf32, #tpu.memory_space<vmem>>, vector<2000x64xf32>
    %add3A_11 = arith.addf %get3A_7, %get3A_10 : vector<2000x64xf32>
    %get3A_12 = arith.constant 0 : index
    %get3A_13 = arith.constant 0 : index
    %get3A_14 = vector.load %arg7[%get3A_12, %get3A_13] : memref<2000x1xf32, #tpu.memory_space<vmem>>, vector<2000x1xf32>
    %add3A_15 = arith.constant 1.000000e+00 : f32
    %add3A_16 = vector.broadcast %add3A_15 : f32 to vector<2000x1xf32>
    %add3A_17 = arith.addf %get3A_14, %add3A_16 : vector<2000x1xf32>
    %rsqrt3A = math.rsqrt %add3A_17 : vector<2000x1xf32>
    %get3A_18 = arith.constant 0 : index
    %get3A_19 = arith.constant 0 : index
    %get3A_20 = vector.load %arg3[%get3A_18, %get3A_19] : memref<64x64xf32, #tpu.memory_space<vmem>>, vector<64x64xf32>
    %dot_general3A = arith.constant dense<0.000000e+00> : vector<2000x64xf32>
    %dot_general3A_21 = tpu.matmul %add3A, %get3A_20, %dot_general3A {dimension_numbers = #tpu.dot_dimension_numbers<[1], [0], [0], [1], [0, 0, 1, 1], [], []>, transpose_lhs_hint = false} : vector<2000x64xf32>, vector<64x64xf32>, vector<2000x64xf32> -> vector<2000x64xf32>
    %get3A_22 = arith.constant 0 : index
    %get3A_23 = arith.constant 0 : index
    %get3A_24 = vector.load %arg5[%get3A_22, %get3A_23] : memref<2000x64xf32, #tpu.memory_space<vmem>>, vector<2000x64xf32>
    %add3A_25 = arith.addf %dot_general3A_21, %get3A_24 : vector<2000x64xf32>
    %mul3A = vector.broadcast %rsqrt3A : vector<2000x1xf32> to vector<2000x64xf32>
    %mul3A_26 = arith.mulf %mul3A, %add3A_25 : vector<2000x64xf32>
    %get3A_27 = arith.constant 0 : index
    %get3A_28 = arith.constant 0 : index
    %get3A_29 = vector.load %arg8[%get3A_27, %get3A_28] : memref<2000x1xf32, #tpu.memory_space<vmem>>, vector<2000x1xf32>
    %add3A_30 = arith.constant 1.000000e+00 : f32
    %add3A_31 = vector.broadcast %add3A_30 : f32 to vector<2000x1xf32>
    %add3A_32 = arith.addf %get3A_29, %add3A_31 : vector<2000x1xf32>
    %rsqrt3A_33 = math.rsqrt %add3A_32 : vector<2000x1xf32>
    %get3A_34 = arith.constant 0 : index
    %get3A_35 = arith.constant 0 : index
    %get3A_36 = vector.load %arg4[%get3A_34, %get3A_35] : memref<64x64xf32, #tpu.memory_space<vmem>>, vector<64x64xf32>
    %dot_general3A_37 = arith.constant dense<0.000000e+00> : vector<2000x64xf32>
    %dot_general3A_38 = tpu.matmul %add3A_11, %get3A_36, %dot_general3A_37 {dimension_numbers = #tpu.dot_dimension_numbers<[1], [0], [0], [1], [0, 0, 1, 1], [], []>, transpose_lhs_hint = false} : vector<2000x64xf32>, vector<64x64xf32>, vector<2000x64xf32> -> vector<2000x64xf32>
    %get3A_39 = arith.constant 0 : index
    %get3A_40 = arith.constant 0 : index
    %get3A_41 = vector.load %arg6[%get3A_39, %get3A_40] : memref<2000x64xf32, #tpu.memory_space<vmem>>, vector<2000x64xf32>
    %add3A_42 = arith.addf %dot_general3A_38, %get3A_41 : vector<2000x64xf32>
    %mul3A_43 = vector.broadcast %rsqrt3A_33 : vector<2000x1xf32> to vector<2000x64xf32>
    %mul3A_44 = arith.mulf %mul3A_43, %add3A_42 : vector<2000x64xf32>
    %concatenate3A = tpu.concatenate %mul3A_26, %mul3A_44 in 1 : vector<2000x64xf32>, vector<2000x64xf32> -> vector<2000x128xf32>
    %swap3A = arith.constant 0 : index
    %swap3A_45 = arith.constant 0 : index
    %swap3A_46 = vector.load %arg9[%swap3A, %swap3A_45] : memref<2000x128xf32, #tpu.memory_space<vmem>>, vector<2000x128xf32>
    tpu.vector_store %arg9[%swap3A, %swap3A_45], %concatenate3A {strides = array<i32>} : memref<2000x128xf32, #tpu.memory_space<vmem>>, vector<2000x128xf32>,
    return
  }
  func.func @transform_0(%arg0: i32) -> (i32, i32) {
    %c0_i32 = arith.constant 0 : i32
    %c0_i32_0 = arith.constant 0 : i32
    return %arg0, %c0_i32 : i32, i32
  }
  func.func @transform_1(%arg0: i32) -> (i32, i32) {
    %c0_i32 = arith.constant 0 : i32
    %c0_i32_0 = arith.constant 0 : i32
    return %arg0, %c0_i32 : i32, i32
  }
  func.func @transform_2(%arg0: i32) -> (i32, i32) {
    %c0_i32 = arith.constant 0 : i32
    %c0_i32_0 = arith.constant 0 : i32
    %c0_i32_1 = arith.constant 0 : i32
    return %c0_i32, %c0_i32_0 : i32, i32
  }
  func.func @transform_3(%arg0: i32) -> (i32, i32) {
    %c0_i32 = arith.constant 0 : i32
    %c0_i32_0 = arith.constant 0 : i32
    %c0_i32_1 = arith.constant 0 : i32
    return %c0_i32, %c0_i32_0 : i32, i32
  }
  func.func @transform_4(%arg0: i32) -> (i32, i32) {
    %c0_i32 = arith.constant 0 : i32
    %c0_i32_0 = arith.constant 0 : i32
    return %arg0, %c0_i32 : i32, i32
  }
  func.func @transform_5(%arg0: i32) -> (i32, i32) {
    %c0_i32 = arith.constant 0 : i32
    %c0_i32_0 = arith.constant 0 : i32
    return %arg0, %c0_i32 : i32, i32
  }
  func.func @transform_6(%arg0: i32) -> (i32, i32) {
    %c0_i32 = arith.constant 0 : i32
    %c0_i32_0 = arith.constant 0 : i32
    return %arg0, %c0_i32 : i32, i32
  }
  func.func @transform_7(%arg0: i32) -> (i32, i32) {
    %c0_i32 = arith.constant 0 : i32
    %c0_i32_0 = arith.constant 0 : i32
    return %arg0, %c0_i32 : i32, i32
  }
  func.func @transform_8(%arg0: i32) -> (i32, i32) {
    %c0_i32 = arith.constant 0 : i32
    %c0_i32_0 = arith.constant 0 : i32
    return %arg0, %c0_i32 : i32, i32
  }
}

module attributes {stable_mosaic.version = 14 : i64} {
  func.func @_fin_body(%arg0: i32, %arg1: memref<2000x64xf32, #tpu.memory_space<vmem>>, %arg2: memref<2000x64xf32, #tpu.memory_space<vmem>>, %arg3: memref<2000x128xf32, #tpu.memory_space<vmem>>, %arg4: memref<2000x128xf32, #tpu.memory_space<vmem>>, %arg5: memref<2000x128xf32, #tpu.memory_space<vmem>>, %arg6: memref<2000x128xf32, #tpu.memory_space<vmem>>, %arg7: memref<2000x64xf32, #tpu.memory_space<vmem>>, %arg8: memref<64x64xf32, #tpu.memory_space<vmem>>, %arg9: memref<1x64xf32, #tpu.memory_space<vmem>>, %arg10: memref<1x64xf32, #tpu.memory_space<vmem>>, %arg11: memref<1x1xf32, #tpu.memory_space<vmem>>, %arg12: memref<2000x1xf32, #tpu.memory_space<vmem>>) attributes {dimension_semantics = [#tpu.dimension_semantics<arbitrary>], iteration_bounds = array<i64: 25>, scalar_prefetch = 0 : i64, scratch_operands = 0 : i64, tpu.core_type = #tpu.core_type<tc>, window_params = [{transform_indices = @transform_0, window_bounds = array<i64: 2000, 64>}, {transform_indices = @transform_1, window_bounds = array<i64: 2000, 64>}, {transform_indices = @transform_2, window_bounds = array<i64: 2000, 128>}, {transform_indices = @transform_3, window_bounds = array<i64: 2000, 128>}, {transform_indices = @transform_4, window_bounds = array<i64: 2000, 128>}, {transform_indices = @transform_5, window_bounds = array<i64: 2000, 128>}, {transform_indices = @transform_6, window_bounds = array<i64: 2000, 64>}, {pipeline_mode = #tpu.pipeline_mode<synchronous>, transform_indices = @transform_7, window_bounds = array<i64: 64, 64>}, {pipeline_mode = #tpu.pipeline_mode<synchronous>, transform_indices = @transform_8, window_bounds = array<i64: 1, 64>}, {pipeline_mode = #tpu.pipeline_mode<synchronous>, transform_indices = @transform_9, window_bounds = array<i64: 1, 64>}, {pipeline_mode = #tpu.pipeline_mode<synchronous>, transform_indices = @transform_10, window_bounds = array<i64: 1, 1>}, {transform_indices = @transform_11, window_bounds = array<i64: 2000, 1>}]} {
    %get3A = arith.constant 0 : index
    %get3A_0 = arith.constant 0 : index
    %get3A_1 = vector.load %arg1[%get3A, %get3A_0] : memref<2000x64xf32, #tpu.memory_space<vmem>>, vector<2000x64xf32>
    %get3A_2 = arith.constant 0 : index
    %get3A_3 = arith.constant 0 : index
    %get3A_4 = vector.load %arg3[%get3A_2, %get3A_3] : memref<2000x128xf32, #tpu.memory_space<vmem>>, vector<2000x64xf32>
    %add3A = arith.addf %get3A_1, %get3A_4 : vector<2000x64xf32>
    %get3A_5 = arith.constant 0 : index
    %get3A_6 = arith.constant 64 : index
    %get3A_7 = vector.load %arg5[%get3A_5, %get3A_6] : memref<2000x128xf32, #tpu.memory_space<vmem>>, vector<2000x64xf32>
    %add3A_8 = arith.addf %add3A, %get3A_7 : vector<2000x64xf32>
    %get3A_9 = arith.constant 0 : index
    %get3A_10 = arith.constant 0 : index
    %get3A_11 = vector.load %arg4[%get3A_9, %get3A_10] : memref<2000x128xf32, #tpu.memory_space<vmem>>, vector<2000x64xf32>
    %add3A_12 = arith.addf %add3A_8, %get3A_11 : vector<2000x64xf32>
    %get3A_13 = arith.constant 0 : index
    %get3A_14 = arith.constant 64 : index
    %get3A_15 = vector.load %arg6[%get3A_13, %get3A_14] : memref<2000x128xf32, #tpu.memory_space<vmem>>, vector<2000x64xf32>
    %add3A_16 = arith.addf %add3A_12, %get3A_15 : vector<2000x64xf32>
    %get3A_17 = arith.constant 0 : index
    %get3A_18 = arith.constant 0 : index
    %get3A_19 = vector.load %arg2[%get3A_17, %get3A_18] : memref<2000x64xf32, #tpu.memory_space<vmem>>, vector<2000x64xf32>
    %get3A_20 = arith.constant 0 : index
    %get3A_21 = arith.constant 64 : index
    %get3A_22 = vector.load %arg3[%get3A_20, %get3A_21] : memref<2000x128xf32, #tpu.memory_space<vmem>>, vector<2000x64xf32>
    %add3A_23 = arith.addf %get3A_19, %get3A_22 : vector<2000x64xf32>
    %get3A_24 = arith.constant 0 : index
    %get3A_25 = arith.constant 0 : index
    %get3A_26 = vector.load %arg5[%get3A_24, %get3A_25] : memref<2000x128xf32, #tpu.memory_space<vmem>>, vector<2000x64xf32>
    %add3A_27 = arith.addf %add3A_23, %get3A_26 : vector<2000x64xf32>
    %get3A_28 = arith.constant 0 : index
    %get3A_29 = arith.constant 64 : index
    %get3A_30 = vector.load %arg4[%get3A_28, %get3A_29] : memref<2000x128xf32, #tpu.memory_space<vmem>>, vector<2000x64xf32>
    %add3A_31 = arith.addf %add3A_27, %get3A_30 : vector<2000x64xf32>
    %get3A_32 = arith.constant 0 : index
    %get3A_33 = arith.constant 0 : index
    %get3A_34 = vector.load %arg6[%get3A_32, %get3A_33] : memref<2000x128xf32, #tpu.memory_space<vmem>>, vector<2000x64xf32>
    %add3A_35 = arith.addf %add3A_31, %get3A_34 : vector<2000x64xf32>
    %add3A_36 = arith.addf %add3A_16, %add3A_35 : vector<2000x64xf32>
    %mul3A = arith.constant 0.333333343 : f32
    %mul3A_37 = vector.broadcast %mul3A : f32 to vector<2000x64xf32>
    %mul3A_38 = arith.mulf %add3A_36, %mul3A_37 : vector<2000x64xf32>
    %get3A_39 = arith.constant 0 : index
    %get3A_40 = arith.constant 0 : index
    %get3A_41 = vector.load %arg7[%get3A_39, %get3A_40] : memref<2000x64xf32, #tpu.memory_space<vmem>>, vector<2000x64xf32>
    %mul3A_42 = arith.constant 4.000000e+00 : f32
    %mul3A_43 = vector.broadcast %mul3A_42 : f32 to vector<2000x64xf32>
    %mul3A_44 = arith.mulf %mul3A_43, %get3A_41 : vector<2000x64xf32>
    %add3A_45 = arith.addf %mul3A_38, %mul3A_44 : vector<2000x64xf32>
    %get3A_46 = arith.constant 0 : index
    %get3A_47 = arith.constant 0 : index
    %get3A_48 = vector.load %arg8[%get3A_46, %get3A_47] : memref<64x64xf32, #tpu.memory_space<vmem>>, vector<64x64xf32>
    %dot_general3A = arith.constant dense<0.000000e+00> : vector<2000x64xf32>
    %dot_general3A_49 = tpu.matmul %add3A_45, %get3A_48, %dot_general3A {dimension_numbers = #tpu.dot_dimension_numbers<[1], [0], [0], [1], [0, 0, 1, 1], [], []>, transpose_lhs_hint = false} : vector<2000x64xf32>, vector<64x64xf32>, vector<2000x64xf32> -> vector<2000x64xf32>
    %get3A_50 = arith.constant 0 : index
    %get3A_51 = arith.constant 0 : index
    %get3A_52 = vector.load %arg9[%get3A_50, %get3A_51] : memref<1x64xf32, #tpu.memory_space<vmem>>, vector<1x64xf32>
    %add3A_53 = vector.broadcast %get3A_52 : vector<1x64xf32> to vector<2000x64xf32>
    %add3A_54 = arith.addf %dot_general3A_49, %add3A_53 : vector<2000x64xf32>
    %ge3A = arith.constant 0.000000e+00 : f32
    %ge3A_55 = vector.broadcast %ge3A : f32 to vector<2000x64xf32>
    %ge3A_56 = arith.cmpf oge, %add3A_54, %ge3A_55 : vector<2000x64xf32>
    %mul3A_57 = arith.constant 0.00999999977 : f32
    %mul3A_58 = vector.broadcast %mul3A_57 : f32 to vector<2000x64xf32>
    %mul3A_59 = arith.mulf %mul3A_58, %add3A_54 : vector<2000x64xf32>
    %select_n3A = arith.select %ge3A_56, %add3A_54, %mul3A_59 : vector<2000x64xi1>, vector<2000x64xf32>
    %get3A_60 = arith.constant 0 : index
    %get3A_61 = arith.constant 0 : index
    %get3A_62 = vector.load %arg10[%get3A_60, %get3A_61] : memref<1x64xf32, #tpu.memory_space<vmem>>, vector<1x64xf32>
    %mul3A_63 = vector.broadcast %get3A_62 : vector<1x64xf32> to vector<2000x64xf32>
    %mul3A_64 = arith.mulf %select_n3A, %mul3A_63 : vector<2000x64xf32>
    %reduce_sum3A = arith.constant dense<0.000000e+00> : vector<2000xf32>
    %reduce_sum3A_65 = vector.multi_reduction <add>, %mul3A_64, %reduce_sum3A [1] : vector<2000x64xf32> to vector<2000xf32>
    %broadcast_in_dim3A = vector.shape_cast %reduce_sum3A_65 : vector<2000xf32> to vector<2000x1xf32>
    %get3A_66 = arith.constant 0 : index
    %get3A_67 = arith.constant 0 : index
    %get3A_68 = vector.load %arg11[%get3A_66, %get3A_67] : memref<1x1xf32, #tpu.memory_space<vmem>>, vector<1x1xf32>
    %add3A_69 = vector.broadcast %get3A_68 : vector<1x1xf32> to vector<2000x1xf32>
    %add3A_70 = arith.addf %broadcast_in_dim3A, %add3A_69 : vector<2000x1xf32>
    %swap3A = arith.constant 0 : index
    %swap3A_71 = arith.constant 0 : index
    %swap3A_72 = vector.load %arg12[%swap3A, %swap3A_71] : memref<2000x1xf32, #tpu.memory_space<vmem>>, vector<2000x1xf32>
    tpu.vector_store %arg12[%swap3A, %swap3A_71], %add3A_70 {strides = array<i32>} : memref<2000x1xf32, #tpu.memory_space<vmem>>, vector<2000x1xf32>,
    return
  }
  func.func @transform_0(%arg0: i32) -> (i32, i32) {
    %c0_i32 = arith.constant 0 : i32
    %c0_i32_0 = arith.constant 0 : i32
    return %arg0, %c0_i32 : i32, i32
  }
  func.func @transform_1(%arg0: i32) -> (i32, i32) {
    %c0_i32 = arith.constant 0 : i32
    %c0_i32_0 = arith.constant 0 : i32
    return %arg0, %c0_i32 : i32, i32
  }
  func.func @transform_2(%arg0: i32) -> (i32, i32) {
    %c0_i32 = arith.constant 0 : i32
    %c0_i32_0 = arith.constant 0 : i32
    return %arg0, %c0_i32 : i32, i32
  }
  func.func @transform_3(%arg0: i32) -> (i32, i32) {
    %c0_i32 = arith.constant 0 : i32
    %c0_i32_0 = arith.constant 0 : i32
    return %arg0, %c0_i32 : i32, i32
  }
  func.func @transform_4(%arg0: i32) -> (i32, i32) {
    %c0_i32 = arith.constant 0 : i32
    %c0_i32_0 = arith.constant 0 : i32
    return %arg0, %c0_i32 : i32, i32
  }
  func.func @transform_5(%arg0: i32) -> (i32, i32) {
    %c0_i32 = arith.constant 0 : i32
    %c0_i32_0 = arith.constant 0 : i32
    return %arg0, %c0_i32 : i32, i32
  }
  func.func @transform_6(%arg0: i32) -> (i32, i32) {
    %c0_i32 = arith.constant 0 : i32
    %c0_i32_0 = arith.constant 0 : i32
    return %arg0, %c0_i32 : i32, i32
  }
  func.func @transform_7(%arg0: i32) -> (i32, i32) {
    %c0_i32 = arith.constant 0 : i32
    %c0_i32_0 = arith.constant 0 : i32
    %c0_i32_1 = arith.constant 0 : i32
    return %c0_i32, %c0_i32_0 : i32, i32
  }
  func.func @transform_8(%arg0: i32) -> (i32, i32) {
    %c0_i32 = arith.constant 0 : i32
    %c0_i32_0 = arith.constant 0 : i32
    %c0_i32_1 = arith.constant 0 : i32
    return %c0_i32, %c0_i32_0 : i32, i32
  }
  func.func @transform_9(%arg0: i32) -> (i32, i32) {
    %c0_i32 = arith.constant 0 : i32
    %c0_i32_0 = arith.constant 0 : i32
    %c0_i32_1 = arith.constant 0 : i32
    return %c0_i32, %c0_i32_0 : i32, i32
  }
  func.func @transform_10(%arg0: i32) -> (i32, i32) {
    %c0_i32 = arith.constant 0 : i32
    %c0_i32_0 = arith.constant 0 : i32
    %c0_i32_1 = arith.constant 0 : i32
    return %c0_i32, %c0_i32_0 : i32, i32
  }
  func.func @transform_11(%arg0: i32) -> (i32, i32) {
    %c0_i32 = arith.constant 0 : i32
    %c0_i32_0 = arith.constant 0 : i32
    return %arg0, %c0_i32 : i32, i32
  }
}

</mosaic_0001>

<sc_bundles>
// kernel: kernel.12.cloned.1.call-start
scs
__scs_entry_jumppad:
0x0: {  	(pc) =	sbr.rel $0x88, $3  }
0x1: {  	(tag) =	ssettag $0x0;
	lr =	simm.s32 $0x1  }
0x2: {  	[smem:$0x3F87] =	sst lr;
	_ =	strace $0xD0000000  }
0x3: {  	_ = 	snop  }
0x4: {  	_ = 	snop  }
0x5: {  	_ = 	snop  }
0x6: {  	_ = 	snop  }
0x7: {  	_ = 	snop  }
__scs_overlays_trampoline_lowered:
0x8: {  	[smem:$0x3F96] =	sst s0  }
0x9: {  	[smem:$0x3F97] =	sst s1  }
0xa: {  	[smem:$0x3F98] =	sst s2  }
0xb: {  	[smem:$0x3F99] =	sst s3  }
0xc: {  	[smem:$0x3F9A] =	sst s4  }
0xd: {  	[smem:$0x3F9B] =	sst s5  }
0xe: {  	[smem:$0x3F9C] =	sst s6  }
0xf: {  	[smem:$0x3F9D] =	sst s7  }
0x10: {  	[smem:$0x3F9E] =	sst s8  }
0x11: {  	[smem:$0x3F9F] =	sst s9;
	s0 =	simm.s32 @!p0 $0x0  }
0x12: {  	s1 =	sld [smem:$0x3F85];
	s0 =	simm.s32 @p0 $0x1  }
0x13: {  	[smem:$0x3FA0] =	sst s0;
	s0 =	simm.s32 @!p1 $0x0  }
0x14: {  	s2 =	sld [smem:$0x3F84];
	s0 =	simm.s32 @p1 $0x1  }
0x15: {  	[smem:$0x3FA1] =	sst s0;
	s0 =	simm.s32 @!p2 $0x0  }
0x16: {  	s3 =	sld [smem:$0x3FDB];
	s0 =	simm.s32 @p2 $0x1  }
0x17: {  	s4 =	simm.s32 $0x1BF5;
	[smem:$0x3FA3] =	sst s0  }
0x18: {  	s0 =	sld [smem:$0x3F86];
	_ =	swait.ge [sflag:s4], $0x0  }
0x19: {  	s7 =	sld [smem:$0x3F87]  }
0x1a: {  	s8 =	sadd.s32 $0xFFFFE003, lr  }
0x1b: {  	s9 =	sadd.s32 $0xFFFFFEF7, lr;
	s5 =	simm.s32 $0xFFFFFFFF;
	p2 =	slt.u32 s8, $0xFFFFF086  }
0x1c: {  	p1 =	slt.u32 s9, $0xF7A;
	s5 =	simm.s32 @!p2 $0x0  }
0x1d: {  	s5 =	simm.s32 @p1 $0x1;
	p0 =	seq.s32 s7, s2  }
0x1e: {  	s7 =	smul.u32 @!p0 $0xF7A, s2;
	p2 =	seq.s32 @!p0 s5, $0x0  }
0x1f: {  	s9 =	smul.u32 $0xF7A, s1;
	s8 =	simm.s32 @!p0 $0x1BF5;
	p2 =	por !p2, p0  }
0x20: {  	[sflag:s8] =	ssyncset.s32 @!p0 $0xFFFFF086;
	s6 =	sadd.s32 @!p0 s3, s7;
	s7 =	simm.s32 @!p0 $0x108  }
0x21: {  	s3 =	sadd.s32 s3, s9;
	s6 =	sadd.s32 @!p0 $0x88, s6;
	s7 =	simm.s32 @p2 $0x1082  }
0x22: {  	[simem:s7], [sflag:s8] =	dma.local @!p0 [hbm:s6], $0xF7A  }
0x23: {  	s9 =	sor.u32 $0xD0000000, s2;
	s6 =	simm.s32 $0x108;
	_ =	swait.ge @!p0 [sflag:s8], $0x0  }
0x24: {  	s3 =	sadd.s32 $0x88, s3;
	s6 =	simm.s32 @!p1 $0x1082;
	[sflag:s4] =	ssyncset.s32 $0xFFFFF086  }
0x25: {  	[simem:s6], [sflag:s4] =	dma.local [hbm:s3], $0xF7A  }
0x26: {  	[smem:$0x3F87] =	sst s1;
	(tag) =	ssettag s2;
	_ =	strace s9  }
0x27: {  	s1 =	sld [smem:$0x3F97]  }
0x28: {  	s2 =	sld [smem:$0x3F98]  }
0x29: {  	s4 =	sld [smem:$0x3F9A]  }
0x2a: {  	p0 =	seq.s32 s5, $0x0;
	s5 =	sld [smem:$0x3F9B]  }
0x2b: {  	s6 =	sld [smem:$0x3F9C]  }
0x2c: {  	s7 =	sld [smem:$0x3F9D]  }
0x2d: {  	s3 =	simm.s32 $0x108;
	s8 =	sld [smem:$0x3F9E]  }
0x2e: {  	s3 =	simm.s32 @!p0 $0x1082;
	s9 =	sld [smem:$0x3F9F]  }
0x2f: {  	lr =	sadd.s32 s0, s3;
	s0 =	sld [smem:$0x3F96]  }
0x30: {  	s3 =	sld [smem:$0x3F99]  }
0x31: {  	[smem:$0x3FA2] =	sst s10  }
0x32: {  	s10 =	sld [smem:$0x3FA0];
	_ =	sdelay $0x3  }
0x33: {  	p0 =	seq.s32 s10, $0x1;
	s10 =	sld [smem:$0x3FA2];
	_ =	sdelay $0x3  }
0x34: {  	[smem:$0x3FA2] =	sst s10  }
0x35: {  	s10 =	sld [smem:$0x3FA1];
	_ =	sdelay $0x3  }
0x36: {  	p1 =	seq.s32 s10, $0x1;
	s10 =	sld [smem:$0x3FA2];
	_ =	sdelay $0x3  }
0x37: {  	[smem:$0x3FA2] =	sst s10  }
0x38: {  	s10 =	sld [smem:$0x3FA3]  }
0x39: {  	_ = 	snop;
	(pc) =	sbr.ind lr, $3  }
0x3a: {  	_ = 	snop  }
0x3b: {  	_ = 	snop  }
0x3c: {  	p2 =	seq.s32 s10, $0x1;
	s10 =	sld [smem:$0x3FA2]  }
0x3d: {  	_ =	shalt  }
0x3e: {  	_ =	shalt  }
0x3f: {  	_ =	shalt  }
0x40: {  	_ =	shalt  }
0x41: {  	_ =	shalt  }
0x42: {  	_ =	shalt  }
0x43: {  	_ =	shalt  }
0x44: {  	_ =	shalt  }
0x45: {  	_ =	shalt  }
0x46: {  	_ =	shalt  }
0x47: {  	_ =	shalt  }
0x48: {  	_ =	shalt  }
0x49: {  	_ =	shalt  }
0x4a: {  	_ =	shalt  }
0x4b: {  	_ =	shalt  }
0x4c: {  	_ =	shalt  }
0x4d: {  	_ =	shalt  }
0x4e: {  	_ =	shalt  }
0x4f: {  	_ =	shalt  }
0x50: {  	_ =	shalt  }
0x51: {  	_ =	shalt  }
0x52: {  	_ =	shalt  }
0x53: {  	_ =	shalt  }
0x54: {  	_ =	shalt  }
0x55: {  	_ =	shalt  }
0x56: {  	_ =	shalt  }
0x57: {  	_ =	shalt  }
0x58: {  	_ =	shalt  }
0x59: {  	_ =	shalt  }
0x5a: {  	_ =	shalt  }
0x5b: {  	_ =	shalt  }
0x5c: {  	_ =	shalt  }
0x5d: {  	_ =	shalt  }
0x5e: {  	_ =	shalt  }
0x5f: {  	_ =	shalt  }
0x60: {  	_ =	shalt  }
0x61: {  	_ =	shalt  }
0x62: {  	_ =	shalt  }
0x63: {  	_ =	shalt  }
0x64: {  	_ =	shalt  }
0x65: {  	_ =	shalt  }
0x66: {  	_ =	shalt  }
0x67: {  	_ =	shalt  }
0x68: {  	_ =	shalt  }
0x69: {  	_ =	shalt  }
0x6a: {  	_ =	shalt  }
0x6b: {  	_ =	shalt  }
0x6c: {  	_ =	shalt  }
0x6d: {  	_ =	shalt  }
0x6e: {  	_ =	shalt  }
0x6f: {  	_ =	shalt  }
0x70: {  	_ =	shalt  }
0x71: {  	_ =	shalt  }
0x72: {  	_ =	shalt  }
0x73: {  	_ =	shalt  }
0x74: {  	_ =	shalt  }
0x75: {  	_ =	shalt  }
0x76: {  	_ =	shalt  }
0x77: {  	_ =	shalt  }
0x78: {  	_ =	shalt  }
0x79: {  	_ =	shalt  }
0x7a: {  	_ =	shalt  }
0x7b: {  	_ =	shalt  }
0x7c: {  	_ =	shalt  }
0x7d: {  	_ =	shalt  }
0x7e: {  	_ =	shalt  }
0x7f: {  	_ =	shalt  }
0x80: {  	_ =	shalt  }
0x81: {  	_ =	shalt  }
0x82: {  	_ =	shalt  }
0x83: {  	_ =	shalt  }
0x84: {  	_ =	shalt  }
0x85: {  	_ =	shalt  }
0x86: {  	_ =	shalt  }
0x87: {  	_ =	shalt  }
.Lfunc_end0:
.L_simem_size_0:
called_computation.1_lowered:
.L_overlay_start_0:
0x88: {  	s2 =	sld [smem:$0x3FD9]  }
0x89: {  	s3 =	sld [smem:$0x3FFE];
	_ =	sdelay $0x1  }
0x8a: {  	s1 =	srdreg.scid  }
0x8b: {  	s0 =	sand.u32 $0x1, s1  }
0x8c: {  	s16 =	sshll.u32 s0, $0xA;
	s2 =	sadd.s32 s3, s2  }
0x8d: {  	s2 =	sadd.s32 s2, s16  }
0x8e: {  	[smem:$0x3FAE] =	sst s2  }
0x8f: {  	_ = 	snop  }
0x90: {  	(tm) =	ssettm $0x1  }
0x91: {  	s17 =	sld [smem:$0x3FFB];
	_ =	sdelay $0x3  }
0x92: {  	_ =	strace s17  }
0x93: {  	s2 =	sld [smem:$0x3FFC];
	_ =	sdelay $0x3  }
0x94: {  	_ =	strace s2  }
0x95: {  	s2 =	sld [smem:$0x3FFD];
	_ =	sdelay $0x3  }
0x96: {  	_ =	strace s2  }
0x97: {  	_ =	strace $0x8FFFFFFF  }
0x98: {  	s18 =	sld [smem:$0x3FDB];
	_ =	sdelay $0x1  }
0x99: {  	s19 =	simm.s32 $_scs_section_size  }
0x9a: {  	s4 =	simm.s32 $_size__tile_overlayer_lowered;
	s5 =	simm.s32 $_tile_overlayer_lowered  }
0x9b: {  	s22 =	simm.s32 $0x1BFF;
	s21 =	sshll.u32 s5, $0x1;
	s2 =	sadd.s32 s19, s18  }
0x9c: {  	s6 =	simm.s32 $0x0;
	s20 =	sshll.u32 s4, $0x1;
	s4 =	sadd.s32 s21, s2  }
0x9d: {  	[timem:s6], [sflag:s22] =	dma.local [hbm:s4], s20  }
0x9e: {  	_ =	swait.ge [sflag:s22], s20  }
0x9f: {  	s3 =	ssub.s32 $0x0, s20;
	[sflag:s22] =	ssyncset.done $0x0  }
0xa0: {  	[sflag:s22] =	ssyncadd.s32 s3;
	_ =	sdelay $0x1  }
0xa1: {  	s23 =	simm.s32 $0x1B8B  }
0xa2: {  	_ =	swait.ge [sflag:s23], $0x1  }
0xa3: {  	[sflag:s23] =	ssyncset.done $0x0  }
0xa4: {  	s25 =	simm.s32 $0x1B8E;
	s24 =	sld [smem:$0x3FFE];
	[sflag:s23] =	ssyncadd.s32 $0xFFFFFFFF  }
0xa5: {  	s26 =	simm.s32 $execute0_lowered;
	[smem:$0x3FD2] =	sst s25  }
0xa6: {  	s4 =	sshll.u32 s26, $0x1;
	_ =	strace $0x80000049;
	[dreg:$0x1] =	wrdreg $0xFFFFFFFF  }
0xa7: {  	s28 =	simm.s32 $_size_execute0_lowered;
	s2 =	sadd.s32 s2, s4;
	[dreg:$0x0] =	wrdreg $0x0  }
0xa8: {  	s4 =	sshll.u32 s28, $0x1;
	[dreg:$0x2] =	wrdreg s2  }
0xa9: {  	[dreg:$0x3] =	wrdreg s4  }
0xaa: {  	[dreg:$0x4] =	wrdreg $0xC0  }
0xab: {  	_ =	task [dreg:s6], $0x5FFFF  }
0xac: {  	[dreg:$0x1] =	wrdreg $0xFFFFFFFF  }
0xad: {  	[dreg:$0x0] =	wrdreg $0x60  }
0xae: {  	[dreg:$0x2] =	wrdreg s24  }
0xaf: {  	[dreg:$0x3] =	wrdreg $0x71000  }
0xb0: {  	[dreg:$0x4] =	wrdreg $0x9  }
0xb1: {  	_ =	task.clear_ibuf [dreg:s6], $0x5FFFF;
	_ =	strace $0x90000049  }
0xb2: {  	s29 =	simm.s32 $0x9;
	_ =	strace $0x8000004B  }
0xb3: {  	_ =	swait.ge [sflag:s29], $0x1  }
0xb4: {  	[sflag:s29] =	ssyncadd.s32 $0xFFFFFFFF  }
0xb5: {  	_ =	strace $0x9000004B  }
0xb6: {  	_ =	sfence  }
0xb7: {  	s30 =	sld [smem:$0x0];
	_ =	sdelay $0x2  }
0xb8: {  	s31 =	sshll.u32 s1, $0xD;
	s1 =	sshrl.u32 s1, $0x2  }
0xb9: {  	s3 =	sand.u32 $0x4000, s31;
	s1 =	sadd.s32 s1, s30  }
0xba: {  	s0 =	sor.u32 s3, s0;
	s1 =	sshll.u32 s1, $0x11  }
0xbb: {  	s0 =	sor.u32 s1, s0  }
0xbc: {  	s0 =	sadd.s32 $0x8F2B, s0  }
0xbd: {  	[sflag:s0] =	ssyncadd.remote.s32 $0x1  }
0xbe: {  	_ =	sfence.sel $0xFFFF  }
0xbf: {  	[dreg:$0x0] =	wrdreg $0xFFFFFFFF;
	(pc) =	sbr.abs _section_cstart, $3  }
0xc0: {  	[dreg:$0x1] =	wrdreg $0xFFFFFFFF  }
0xc1: {  	_ =	task.clear_ibuf [dreg:s6], $0x2FFFF;
	_ =	strace $0x9FFFFFFF  }
0xc2: {  	(tm) =	ssettm $0x7FFFFFFF  }
0xc3: {  	_ =	shalt  }
tec
execute0_lowered:
.L_overlay_start_1:
0x0: {  	(tag) =	ssettag $0x1  }
0x1: {  	s0 =	rddreg [dreg:$0x0]  }
0x2: {  	s2 =	rddreg [dreg:$0x1];
	s3 =	simm.s32 $0x0  }
0x3: {  	s9 =	stileid.u32;
	s1 =	srdreg.scid;
	s22 =	simm.s32 $0x3900  }
0x4: {  	s23 =	simm.s32 $0x1;
	s24 =	simm.s32 $0x80;
	s25 =	simm.s32 $0x1900  }
0x5: {  	s28 =	simm.s32 $0x2;
	s29 =	simm.s32 $0x1880;
	s30 =	simm.s32 $0x10  }
0x6: {  	s31 =	simm.s32 $0x4;
	[smem:$0x7FF] =	sst s3;
	s18 =	smul.u32 $0x190, s9  }
0x7: {  	s1 =	sand.u32 $0x1, s1;
	s6 =	smul.u32 $0x62000, s9;
	s4 =	sadd.s32 $0x594E00, s0  }
0x8: {  	s14 =	smul.u32 $0x61A80, s9;
	_ =	strace $0x8000004A;
	s5 =	ssub.s32 $0x2, s1  }
0x9: {  	s21 =	sor.u32 $0x2, s1;
	s16 =	sshll.u32 s1, $0x5;
	s3 =	sadd.s32 s18, s0  }
0xa: {  	s7 =	sshrl.u32 s5, $0x1;
	s0 =	sadd.s32 $0x658400, s0;
	s6 =	sshrl.u32 s6, $0x2  }
0xb: {  	s13 =	sshll.u32 s21, $0x5;
	s26 =	sshrl.u32 s14, $0x2;
	s5 =	ssub.s32 s5, s7  }
0xc: {  	s19 =	sadd.s32 $0x3A000, s3;
	s20 =	sadd.s32 $0x4400, s3;
	s7 =	sadd.s32 s6, s2  }
0xd: {  	s15 =	sor.u32 s14, s13;
	s14 =	sor.u32 s16, s14;
	[dreg:$0x3] =	wrdreg s19  }
0xe: {  	s16 =	sadd.s32 $0x3BA00, s3;
	s17 =	sadd.s32 $0x2A00, s3;
	[dreg:$0x4] =	wrdreg s20  }
0xf: {  	s8 =	sadd.s32 $0x3800, s7;
	s9 =	sadd.s32 $0x7000, s7;
	s10 =	sadd.s32 $0xA800, s7  }
0x10: {  	s11 =	sadd.s32 $0xE000, s7;
	s12 =	sadd.s32 $0x11800, s7;
	s13 =	sadd.s32 $0x15000, s7  }
0x11: {  	s15 =	sshrl.u32 s15, $0x3;
	s14 =	sshrl.u32 s14, $0x3;
	s19 =	smax.u32 s5, $0x1  }
0x12: {  	s20 =	simm.s32 $0x3;
	s15 =	sadd.s32 s0, s15;
	s18 =	sadd.s32 s0, s14  }
0x13: {  	s0 =	simm.s32 $0x0;
	[dreg:$0x5] =	wrdreg s15;
	s15 =	sadd.s32 s26, s2  }
0x14: {  	v2 =	vimm.f32 $0.0e+00;
	v0 =	vmov s1;
	v1 =	vmov s21;
	s26 =	simm.s32 $0x2900;
	[dreg:$0x6] =	wrdreg s15;
	s15 =	simm.s32 $0xC80  }
.LBB2_1:
0x15: {  	s3 =	simm.s32 $0x0  }
0x16: {  	s1 =	sand.u32 $0xFF80, s3  }
0x17: {  	s3 =	sand.u32 $0x10, s3;
	s5 =	sshrl.u32 s1, $0x2  }
0x18: {  	s1 =	simm.s32 $0x40;
	s5 =	sor.u32 s3, s5;
	s3 =	simm.s32 $0x0  }
.LBB2_2:
0x19: {  	p0 =	sne.s32 s1, $0xDFC0  }
0x1a: {  	[tilespmem:s5+$0x3900] =	vst v2;
	s3 =	sadd.s32 $0x10, s3;
	s5 =	smov.u32 s1;
	s1 =	sadd.s32 $0x40, s1  }
.Ltmp0:
0x1b: {  	(pc) =	sbr.rel @p0 .LBB2_2-.Ltmp0, $4  }
0x1c: {  	_ = 	snop  }
0x1d: {  	s5 =	sand.u32 $0xFF80, s5  }
0x1e: {  	s6 =	sand.u32 $0x10, s3;
	s5 =	sshrl.u32 s5, $0x2  }
0x1f: {  	s5 =	sor.u32 s6, s5  }
0x20: {  	[tilespmem:s5+$0x3900] =	vst v2;
	s1 =	simm.s32 $0x0;
	s3 =	rddreg [dreg:$0x3]  }
0x21: {  	[tilespmem:s1], [sflag:$0x3] =	stream.linear.gather [hbm4b:s3+s1], $0xC80, $0x38;
	[tilespmem:$0x1F900] =	vst v63  }
0x22: {  	_ =	swait.ge [sflag:s20], $0xC80  }
0x23: {  	[sflag:s20] =	ssyncset.done $0x0  }
0x24: {  	s6 =	rddreg [dreg:$0x4];
	[sflag:s20] =	ssyncadd.s32 $0xFFFFF380  }
0x25: {  	[tilespmem:s15], [sflag:$0x3] =	stream.linear.gather [hbm4b:s6+s1], $0xC80, $0x38;
	[tilespmem:$0x1F900] =	vst v63  }
0x26: {  	_ =	swait.ge [sflag:s20], $0xC80  }
0x27: {  	[sflag:s20] =	ssyncset.done $0x0  }
0x28: {  	[sflag:s20] =	ssyncadd.s32 $0xFFFFF380  }
0x29: {  	[spmem:s7] =	stream.linear.scatter [tilespmem:s22], [sflag:$0x1], $0x3800, $0x38;
	[tilespmem:$0x1F900] =	vst v63  }
0x2a: {  	_ = 	snop  }
0x2b: {  	[spmem:s8] =	stream.linear.scatter [tilespmem:s22], [sflag:$0x1], $0x3800, $0x38;
	[tilespmem:$0x1F900] =	vst v63  }
0x2c: {  	_ = 	snop  }
0x2d: {  	[spmem:s9] =	stream.linear.scatter [tilespmem:s22], [sflag:$0x1], $0x3800, $0x38;
	[tilespmem:$0x1F900] =	vst v63  }
0x2e: {  	_ = 	snop  }
0x2f: {  	[spmem:s10] =	stream.linear.scatter [tilespmem:s22], [sflag:$0x1], $0x3800, $0x38;
	[tilespmem:$0x1F900] =	vst v63  }
0x30: {  	s14 =	sand.u32 $0x3E00, s1  }
0x31: {  	[spmem:s11] =	stream.linear.scatter [tilespmem:s22], [sflag:$0x1], $0x3800, $0x38;
	[tilespmem:$0x1F900] =	vst v63  }
0x32: {  	s3 =	sshrl.u32 s14, $0x2;
	s1 =	sand.u32 $0x70, s1  }
0x33: {  	[spmem:s12] =	stream.linear.scatter [tilespmem:s22], [sflag:$0x1], $0x3800, $0x38;
	[tilespmem:$0x1F900] =	vst v63  }
0x34: {  	s1 =	sor.u32 s1, s3  }
0x35: {  	[spmem:s13] =	stream.linear.scatter [tilespmem:s22], [sflag:$0x1], $0x3800, $0x38;
	[tilespmem:$0x1F900] =	vst v63  }
0x36: {  	v3 =	vld [tilespmem:s1+$0x0];
	_ =	sdelay $0x3  }
0x37: {  	s21 =	simm.s32 $0x40  }
0x38: {  	s5 =	simm.s32 $0x10;
	s6 =	sand.u32 $0x3E00, s21;
	s3 =	simm.s32 $0x80;
	v3 =	vshll.u32 v3, $0x2  }
.LBB2_4:
0x39: {  	p0 =	sne.s32 s3, $0x31C0;
	s14 =	sand.u32 $0x70, s5;
	s6 =	sshrl.u32 s6, $0x2;
	v3 =	vor.u32 v0, v3  }
0x3a: {  	[tilespmem:s1+$0x0] =	vst v3;
	s1 =	sor.u32 s14, s6  }
0x3b: {  	v3 =	vld [tilespmem:s1+$0x0]  }
.Ltmp1:
0x3c: {  	(pc) =	sbr.rel @p0 .LBB2_4-.Ltmp1, $2  }
0x3d: {  	_ =	sdelay $0x2  }
0x3e: {  	s5 =	sadd.s32 $0x10, s5;
	s6 =	sand.u32 $0x3E00, s3;
	s3 =	sadd.s32 $0x40, s3;
	v3 =	vshll.u32 v3, $0x2  }
0x3f: {  	s3 =	sand.u32 $0x70, s5;
	s21 =	sshrl.u32 s6, $0x2;
	v3 =	vor.u32 v0, v3  }
0x40: {  	s3 =	sor.u32 s3, s21;
	[tilespmem:s1+$0x0] =	vst v3  }
0x41: {  	v3 =	vld [tilespmem:s3+$0x0];
	_ =	sdelay $0x4  }
0x42: {  	v3 =	vshll.u32 v3, $0x2  }
0x43: {  	v3 =	vor.u32 v0, v3  }
0x44: {  	[tilespmem:s3+$0x0] =	vst v3  }
0x45: {  	_ =	swait.ge [sflag:s23], $0x3800  }
0x46: {  	[sflag:s23] =	ssyncset.done $0x0  }
0x47: {  	[sflag:s23] =	ssyncadd.s32 $0xFFFFC800  }
0x48: {  	_ =	swait.ge [sflag:s23], $0x3800  }
0x49: {  	[sflag:s23] =	ssyncset.done $0x0  }
0x4a: {  	[sflag:s23] =	ssyncadd.s32 $0xFFFFC800  }
0x4b: {  	_ =	swait.ge [sflag:s23], $0x3800  }
0x4c: {  	[sflag:s23] =	ssyncset.done $0x0  }
0x4d: {  	[sflag:s23] =	ssyncadd.s32 $0xFFFFC800  }
0x4e: {  	_ =	swait.ge [sflag:s23], $0x3800  }
0x4f: {  	[sflag:s23] =	ssyncset.done $0x0  }
0x50: {  	[sflag:s23] =	ssyncadd.s32 $0xFFFFC800  }
0x51: {  	_ =	swait.ge [sflag:s23], $0x3800  }
0x52: {  	[sflag:s23] =	ssyncset.done $0x0  }
0x53: {  	[sflag:s23] =	ssyncadd.s32 $0xFFFFC800  }
0x54: {  	_ =	swait.ge [sflag:s23], $0x3800  }
0x55: {  	[sflag:s23] =	ssyncset.done $0x0  }
0x56: {  	[sflag:s23] =	ssyncadd.s32 $0xFFFFC800  }
0x57: {  	_ =	swait.ge [sflag:s23], $0x3800  }
0x58: {  	[sflag:s23] =	ssyncset.done $0x0  }
0x59: {  	[sflag:s23] =	ssyncadd.s32 $0xFFFFC800  }
0x5a: {  	s3 =	simm.s32 $0x0;
	[bflag:$0x0] =	sbarrier.arrive $0xFFFF  }
0x5b: {  	[tilespmem:s25], [sflag:$0x3] =	stream.indirect.gather [hbm4b:s4+s24], $0x20, s3, s24, $0xb8;
	[tilespmem:$0x1F900] =	vst v63  }
0x5c: {  	_ =	swait.ge [sflag:s20], $0x1000  }
0x5d: {  	[sflag:s20] =	ssyncset.done $0x0  }
0x5e: {  	s5 =	simm.s32 $0x80;
	[sflag:s20] =	ssyncadd.s32 $0xFFFFF000  }
0x5f: {  	[tilespmem:s26], [sflag:$0x2] =	stream.indirect.gather [hbm4b:s4+s24], $0x20, s5, s24, $0xb8;
	[tilespmem:$0x1F900] =	vst v63  }
0x60: {  	s6 =	simm.s32 $0xC80  }
0x61: {  	[spmem:s2] =	stream.indirect.scatter.add.f32 [tilespmem:s25], [sflag:$0x3], $0x20, s6, s24, $0xb8;
	[tilespmem:$0x1F900] =	vst v63  }
0x62: {  	_ =	swait.ge [sflag:s20], $0x1000  }
0x63: {  	[sflag:s20] =	ssyncset.done $0x0  }
0x64: {  	[sflag:s20] =	ssyncadd.s32 $0xFFFFF000  }
0x65: {  	_ =	swait.ge [sflag:s28], $0x1000  }
0x66: {  	[sflag:s28] =	ssyncset.done $0x0  }
0x67: {  	s14 =	simm.s32 $0x100;
	[sflag:s28] =	ssyncadd.s32 $0xFFFFF000  }
0x68: {  	[tilespmem:s25], [sflag:$0x1] =	stream.indirect.gather [hbm4b:s4+s24], $0x20, s14, s24, $0xb8;
	[tilespmem:$0x1F900] =	vst v63  }
0x69: {  	s21 =	simm.s32 $0xD00  }
0x6a: {  	[spmem:s2] =	stream.indirect.scatter.add.f32 [tilespmem:s26], [sflag:$0x3], $0x20, s21, s24, $0xb8;
	[tilespmem:$0x1F900] =	vst v63  }
0x6b: {  	_ =	swait.ge [sflag:s20], $0x1000  }
0x6c: {  	[sflag:s20] =	ssyncset.done $0x0  }
0x6d: {  	[sflag:s20] =	ssyncadd.s32 $0xFFFFF000  }
0x6e: {  	_ =	swait.ge [sflag:s23], $0x1000  }
0x6f: {  	s1 =	simm.s32 $0x100;
	s3 =	simm.s32 $0x800;
	[sflag:s23] =	ssyncset.done $0x0  }
.LBB2_6:
0x70: {  	s5 =	sadd.s32 $0x80, s1  }
0x71: {  	[sflag:s23] =	ssyncadd.s32 $0xFFFFF000;
	s6 =	smov.u32 s3;
	s14 =	sadd.s32 $0x400, s3  }
0x72: {  	[tilespmem:s26], [sflag:$0x2] =	stream.indirect.gather [hbm4b:s4+s24], $0x20, s5, s24, $0xb8;
	[tilespmem:$0x1F900] =	vst v63  }
0x73: {  	p0 =	sne.s32 s3, $0x2C00;
	s3 =	sadd.s32 $0xC80, s1  }
0x74: {  	[spmem:s2] =	stream.indirect.scatter.add.f32 [tilespmem:s25], [sflag:$0x3], $0x20, s3, s24, $0xb8;
	[tilespmem:$0x1F900] =	vst v63  }
0x75: {  	_ =	swait.ge [sflag:s20], $0x1000  }
0x76: {  	[sflag:s20] =	ssyncset.done $0x0  }
0x77: {  	[sflag:s20] =	ssyncadd.s32 $0xFFFFF000  }
0x78: {  	_ =	swait.ge [sflag:s28], $0x1000  }
0x79: {  	[sflag:s28] =	ssyncset.done $0x0  }
0x7a: {  	s3 =	sadd.s32 $0x100, s1;
	[sflag:s28] =	ssyncadd.s32 $0xFFFFF000  }
0x7b: {  	[tilespmem:s25], [sflag:$0x1] =	stream.indirect.gather [hbm4b:s4+s24], $0x20, s3, s24, $0xb8;
	[tilespmem:$0x1F900] =	vst v63  }
0x7c: {  	s1 =	sadd.s32 $0xD00, s1  }
0x7d: {  	[spmem:s2] =	stream.indirect.scatter.add.f32 [tilespmem:s26], [sflag:$0x3], $0x20, s1, s24, $0xb8;
	[tilespmem:$0x1F900] =	vst v63  }
.Ltmp2:
0x7e: {  	_ =	swait.ge [sflag:s20], $0x1000;
	(pc) =	sbr.rel @p0 .LBB2_6-.Ltmp2, $4  }
0x7f: {  	[sflag:s20] =	ssyncset.done $0x0  }
0x80: {  	[sflag:s20] =	ssyncadd.s32 $0xFFFFF000  }
0x81: {  	_ =	swait.ge [sflag:s23], $0x1000  }
0x82: {  	s3 =	smov.u32 s14;
	s1 =	sshra.s32 s6, $0x2;
	[sflag:s23] =	ssyncset.done $0x0  }
0x83: {  	s3 =	sadd.s32 $0x80, s1;
	[sflag:s23] =	ssyncadd.s32 $0xFFFFF000  }
0x84: {  	[tilespmem:s26], [sflag:$0x2] =	stream.indirect.gather [hbm4b:s4+s24], $0x20, s3, s24, $0xb8;
	[tilespmem:$0x1F900] =	vst v63  }
0x85: {  	s14 =	sadd.s32 $0xC80, s1  }
0x86: {  	[spmem:s2] =	stream.indirect.scatter.add.f32 [tilespmem:s25], [sflag:$0x3], $0x20, s14, s24, $0xb8;
	[tilespmem:$0x1F900] =	vst v63  }
0x87: {  	_ =	swait.ge [sflag:s20], $0x1000  }
0x88: {  	[sflag:s20] =	ssyncset.done $0x0  }
0x89: {  	[sflag:s20] =	ssyncadd.s32 $0xFFFFF000  }
0x8a: {  	_ =	swait.ge [sflag:s28], $0x1000  }
0x8b: {  	[sflag:s28] =	ssyncset.done $0x0  }
0x8c: {  	s21 =	sadd.s32 $0x100, s1;
	[sflag:s28] =	ssyncadd.s32 $0xFFFFF000  }
0x8d: {  	[tilespmem:s25], [sflag:$0x1] =	stream.indirect.gather [hbm4b:s4+s24], $0x20, s21, s24, $0xb8;
	[tilespmem:$0x1F900] =	vst v63  }
0x8e: {  	s3 =	sadd.s32 $0xD00, s1  }
0x8f: {  	[spmem:s2] =	stream.indirect.scatter.add.f32 [tilespmem:s26], [sflag:$0x3], $0x20, s3, s24, $0xb8;
	[tilespmem:$0x1F900] =	vst v63  }
0x90: {  	_ =	swait.ge [sflag:s20], $0x1000  }
0x91: {  	[sflag:s20] =	ssyncset.done $0x0  }
0x92: {  	[sflag:s20] =	ssyncadd.s32 $0xFFFFF000  }
0x93: {  	_ =	swait.ge [sflag:s23], $0x1000  }
0x94: {  	[sflag:s23] =	ssyncset.done $0x0  }
0x95: {  	[sflag:s23] =	ssyncadd.s32 $0xFFFFF000  }
0x96: {  	[spmem:s2] =	stream.indirect.scatter.add.f32 [tilespmem:s25], [sflag:$0x3], $0x20, s29, s24, $0xb8;
	[tilespmem:$0x1F900] =	vst v63  }
0x97: {  	_ =	swait.ge [sflag:s20], $0x1000  }
0x98: {  	[sflag:s20] =	ssyncset.done $0x0  }
0x99: {  	[sflag:s20] =	ssyncadd.s32 $0xFFFFF000  }
0x9a: {  	s5 =	stileid.u32;
	[bflag:$0x0] =	sbarrier.arrive $0xFFFF  }
0x9b: {  	s1 =	sshll.u32 s5, $0x6;
	s6 =	rddreg [dreg:$0x6]  }
0x9c: {  	s1 =	sor.u32 $0x1C03, s1;
	s5 =	rddreg [dreg:$0x5];
	s3 =	sshrl.u32 s6, $0x3  }
0x9d: {  	[hbm:s5@s30], [sflag:s1] =	dma.strided [spmem:s3@s31], $0x30D4, s23, $0x4   }
0x9e: {  	_ =	swait.ge [sflag:s20], $0x30D4  }
0x9f: {  	[sflag:s20] =	ssyncset.done $0x0  }
0xa0: {  	s14 =	simm.s32 $0x0;
	[sflag:s20] =	ssyncadd.s32 $0xFFFFCF2C  }
0xa1: {  	[tilespmem:s14], [sflag:$0x3] =	stream.linear.gather [hbm4b:s16+s14], $0xC80, $0x38;
	[tilespmem:$0x1F900] =	vst v63  }
0xa2: {  	_ =	swait.ge [sflag:s20], $0xC80  }
0xa3: {  	[sflag:s20] =	ssyncset.done $0x0  }
0xa4: {  	[sflag:s20] =	ssyncadd.s32 $0xFFFFF380  }
0xa5: {  	[tilespmem:s15], [sflag:$0x3] =	stream.linear.gather [hbm4b:s17+s14], $0xC80, $0x38;
	[tilespmem:$0x1F900] =	vst v63  }
0xa6: {  	_ =	swait.ge [sflag:s20], $0xC80  }
0xa7: {  	[sflag:s20] =	ssyncset.done $0x0  }
0xa8: {  	[sflag:s20] =	ssyncadd.s32 $0xFFFFF380  }
0xa9: {  	[spmem:s7] =	stream.linear.scatter [tilespmem:s22], [sflag:$0x1], $0x3800, $0x38;
	[tilespmem:$0x1F900] =	vst v63  }
0xaa: {  	_ = 	snop  }
0xab: {  	[spmem:s8] =	stream.linear.scatter [tilespmem:s22], [sflag:$0x1], $0x3800, $0x38;
	[tilespmem:$0x1F900] =	vst v63  }
0xac: {  	_ = 	snop  }
0xad: {  	[spmem:s9] =	stream.linear.scatter [tilespmem:s22], [sflag:$0x1], $0x3800, $0x38;
	[tilespmem:$0x1F900] =	vst v63  }
0xae: {  	_ = 	snop  }
0xaf: {  	[spmem:s10] =	stream.linear.scatter [tilespmem:s22], [sflag:$0x1], $0x3800, $0x38;
	[tilespmem:$0x1F900] =	vst v63  }
0xb0: {  	s6 =	sand.u32 $0x3E00, s14  }
0xb1: {  	[spmem:s11] =	stream.linear.scatter [tilespmem:s22], [sflag:$0x1], $0x3800, $0x38;
	[tilespmem:$0x1F900] =	vst v63  }
0xb2: {  	s5 =	sand.u32 $0x70, s14;
	s6 =	sshrl.u32 s6, $0x2  }
0xb3: {  	[spmem:s12] =	stream.linear.scatter [tilespmem:s22], [sflag:$0x1], $0x3800, $0x38;
	[tilespmem:$0x1F900] =	vst v63  }
0xb4: {  	s5 =	sor.u32 s5, s6  }
0xb5: {  	[spmem:s13] =	stream.linear.scatter [tilespmem:s22], [sflag:$0x1], $0x3800, $0x38;
	[tilespmem:$0x1F900] =	vst v63  }
0xb6: {  	v3 =	vld [tilespmem:s5+$0x0];
	_ =	sdelay $0x3  }
0xb7: {  	s21 =	simm.s32 $0x40  }
0xb8: {  	s6 =	simm.s32 $0x80;
	s15 =	sand.u32 $0x3E00, s21;
	s14 =	simm.s32 $0x10;
	v3 =	vshll.u32 v3, $0x2  }
.LBB2_8:
0xb9: {  	p0 =	sne.s32 s6, $0x31C0;
	s21 =	sand.u32 $0x70, s14;
	s15 =	sshrl.u32 s15, $0x2;
	v3 =	vor.u32 v1, v3  }
0xba: {  	[tilespmem:s5+$0x0] =	vst v3;
	s5 =	sor.u32 s21, s15  }
0xbb: {  	v3 =	vld [tilespmem:s5+$0x0]  }
.Ltmp3:
0xbc: {  	(pc) =	sbr.rel @p0 .LBB2_8-.Ltmp3, $2  }
0xbd: {  	_ =	sdelay $0x2  }
0xbe: {  	s14 =	sadd.s32 $0x10, s14;
	s15 =	sand.u32 $0x3E00, s6;
	s6 =	sadd.s32 $0x40, s6;
	v3 =	vshll.u32 v3, $0x2  }
0xbf: {  	s6 =	sand.u32 $0x70, s14;
	s15 =	sshrl.u32 s15, $0x2;
	v3 =	vor.u32 v1, v3  }
0xc0: {  	s6 =	sor.u32 s6, s15;
	[tilespmem:s5+$0x0] =	vst v3  }
0xc1: {  	v3 =	vld [tilespmem:s6+$0x0];
	_ =	sdelay $0x4  }
0xc2: {  	v3 =	vshll.u32 v3, $0x2  }
0xc3: {  	v3 =	vor.u32 v1, v3  }
0xc4: {  	[tilespmem:s6+$0x0] =	vst v3  }
0xc5: {  	_ =	swait.ge [sflag:s23], $0x3800  }
0xc6: {  	[sflag:s23] =	ssyncset.done $0x0  }
0xc7: {  	[sflag:s23] =	ssyncadd.s32 $0xFFFFC800  }
0xc8: {  	_ =	swait.ge [sflag:s23], $0x3800  }
0xc9: {  	[sflag:s23] =	ssyncset.done $0x0  }
0xca: {  	[sflag:s23] =	ssyncadd.s32 $0xFFFFC800  }
0xcb: {  	_ =	swait.ge [sflag:s23], $0x3800  }
0xcc: {  	[sflag:s23] =	ssyncset.done $0x0  }
0xcd: {  	[sflag:s23] =	ssyncadd.s32 $0xFFFFC800  }
0xce: {  	_ =	swait.ge [sflag:s23], $0x3800  }
0xcf: {  	[sflag:s23] =	ssyncset.done $0x0  }
0xd0: {  	[sflag:s23] =	ssyncadd.s32 $0xFFFFC800  }
0xd1: {  	_ =	swait.ge [sflag:s23], $0x3800  }
0xd2: {  	[sflag:s23] =	ssyncset.done $0x0  }
0xd3: {  	[sflag:s23] =	ssyncadd.s32 $0xFFFFC800  }
0xd4: {  	_ =	swait.ge [sflag:s23], $0x3800  }
0xd5: {  	[sflag:s23] =	ssyncset.done $0x0  }
0xd6: {  	[sflag:s23] =	ssyncadd.s32 $0xFFFFC800  }
0xd7: {  	_ =	swait.ge [sflag:s23], $0x3800  }
0xd8: {  	[sflag:s23] =	ssyncset.done $0x0  }
0xd9: {  	[sflag:s23] =	ssyncadd.s32 $0xFFFFC800  }
0xda: {  	s21 =	simm.s32 $0x0;
	[bflag:$0x0] =	sbarrier.arrive $0xFFFF  }
0xdb: {  	[tilespmem:s25], [sflag:$0x3] =	stream.indirect.gather [hbm4b:s4+s24], $0x20, s21, s24, $0xb8;
	[tilespmem:$0x1F900] =	vst v63  }
0xdc: {  	_ =	swait.ge [sflag:s20], $0x1000  }
0xdd: {  	[sflag:s20] =	ssyncset.done $0x0  }
0xde: {  	s6 =	simm.s32 $0x80;
	[sflag:s20] =	ssyncadd.s32 $0xFFFFF000  }
0xdf: {  	[tilespmem:s26], [sflag:$0x2] =	stream.indirect.gather [hbm4b:s4+s24], $0x20, s6, s24, $0xb8;
	[tilespmem:$0x1F900] =	vst v63  }
0xe0: {  	s14 =	simm.s32 $0xC80  }
0xe1: {  	[spmem:s2] =	stream.indirect.scatter.add.f32 [tilespmem:s25], [sflag:$0x3], $0x20, s14, s24, $0xb8;
	[tilespmem:$0x1F900] =	vst v63  }
0xe2: {  	_ =	swait.ge [sflag:s20], $0x1000  }
0xe3: {  	[sflag:s20] =	ssyncset.done $0x0  }
0xe4: {  	[sflag:s20] =	ssyncadd.s32 $0xFFFFF000  }
0xe5: {  	_ =	swait.ge [sflag:s28], $0x1000  }
0xe6: {  	[sflag:s28] =	ssyncset.done $0x0  }
0xe7: {  	s15 =	simm.s32 $0x100;
	[sflag:s28] =	ssyncadd.s32 $0xFFFFF000  }
0xe8: {  	[tilespmem:s25], [sflag:$0x1] =	stream.indirect.gather [hbm4b:s4+s24], $0x20, s15, s24, $0xb8;
	[tilespmem:$0x1F900] =	vst v63  }
0xe9: {  	s21 =	simm.s32 $0xD00  }
0xea: {  	[spmem:s2] =	stream.indirect.scatter.add.f32 [tilespmem:s26], [sflag:$0x3], $0x20, s21, s24, $0xb8;
	[tilespmem:$0x1F900] =	vst v63  }
0xeb: {  	_ =	swait.ge [sflag:s20], $0x1000  }
0xec: {  	[sflag:s20] =	ssyncset.done $0x0  }
0xed: {  	[sflag:s20] =	ssyncadd.s32 $0xFFFFF000  }
0xee: {  	_ =	swait.ge [sflag:s23], $0x1000  }
0xef: {  	s5 =	simm.s32 $0x100;
	s6 =	simm.s32 $0x800;
	[sflag:s23] =	ssyncset.done $0x0  }
.LBB2_10:
0xf0: {  	s14 =	sadd.s32 $0x80, s5  }
0xf1: {  	[sflag:s23] =	ssyncadd.s32 $0xFFFFF000;
	s15 =	smov.u32 s6;
	s21 =	sadd.s32 $0x400, s6  }
0xf2: {  	[tilespmem:s26], [sflag:$0x2] =	stream.indirect.gather [hbm4b:s4+s24], $0x20, s14, s24, $0xb8;
	[tilespmem:$0x1F900] =	vst v63  }
0xf3: {  	p0 =	sne.s32 s6, $0x2C00;
	s6 =	sadd.s32 $0xC80, s5  }
0xf4: {  	[spmem:s2] =	stream.indirect.scatter.add.f32 [tilespmem:s25], [sflag:$0x3], $0x20, s6, s24, $0xb8;
	[tilespmem:$0x1F900] =	vst v63  }
0xf5: {  	_ =	swait.ge [sflag:s20], $0x1000  }
0xf6: {  	[sflag:s20] =	ssyncset.done $0x0  }
0xf7: {  	[sflag:s20] =	ssyncadd.s32 $0xFFFFF000  }
0xf8: {  	_ =	swait.ge [sflag:s28], $0x1000  }
0xf9: {  	[sflag:s28] =	ssyncset.done $0x0  }
0xfa: {  	s6 =	sadd.s32 $0x100, s5;
	[sflag:s28] =	ssyncadd.s32 $0xFFFFF000  }
0xfb: {  	[tilespmem:s25], [sflag:$0x1] =	stream.indirect.gather [hbm4b:s4+s24], $0x20, s6, s24, $0xb8;
	[tilespmem:$0x1F900] =	vst v63  }
0xfc: {  	s5 =	sadd.s32 $0xD00, s5  }
0xfd: {  	[spmem:s2] =	stream.indirect.scatter.add.f32 [tilespmem:s26], [sflag:$0x3], $0x20, s5, s24, $0xb8;
	[tilespmem:$0x1F900] =	vst v63  }
.Ltmp4:
0xfe: {  	_ =	swait.ge [sflag:s20], $0x1000;
	(pc) =	sbr.rel @p0 .LBB2_10-.Ltmp4, $4  }
0xff: {  	[sflag:s20] =	ssyncset.done $0x0  }
0x100: {  	[sflag:s20] =	ssyncadd.s32 $0xFFFFF000  }
0x101: {  	_ =	swait.ge [sflag:s23], $0x1000  }
0x102: {  	s6 =	smov.u32 s21;
	s5 =	sshra.s32 s15, $0x2;
	[sflag:s23] =	ssyncset.done $0x0  }
0x103: {  	s6 =	sadd.s32 $0x80, s5;
	[sflag:s23] =	ssyncadd.s32 $0xFFFFF000  }
0x104: {  	[tilespmem:s26], [sflag:$0x2] =	stream.indirect.gather [hbm4b:s4+s24], $0x20, s6, s24, $0xb8;
	[tilespmem:$0x1F900] =	vst v63  }
0x105: {  	s14 =	sadd.s32 $0xC80, s5  }
0x106: {  	[spmem:s2] =	stream.indirect.scatter.add.f32 [tilespmem:s25], [sflag:$0x3], $0x20, s14, s24, $0xb8;
	[tilespmem:$0x1F900] =	vst v63  }
0x107: {  	_ =	swait.ge [sflag:s20], $0x1000  }
0x108: {  	[sflag:s20] =	ssyncset.done $0x0  }
0x109: {  	[sflag:s20] =	ssyncadd.s32 $0xFFFFF000  }
0x10a: {  	_ =	swait.ge [sflag:s28], $0x1000  }
0x10b: {  	[sflag:s28] =	ssyncset.done $0x0  }
0x10c: {  	s15 =	sadd.s32 $0x100, s5;
	[sflag:s28] =	ssyncadd.s32 $0xFFFFF000  }
0x10d: {  	[tilespmem:s25], [sflag:$0x1] =	stream.indirect.gather [hbm4b:s4+s24], $0x20, s15, s24, $0xb8;
	[tilespmem:$0x1F900] =	vst v63  }
0x10e: {  	s21 =	sadd.s32 $0xD00, s5  }
0x10f: {  	[spmem:s2] =	stream.indirect.scatter.add.f32 [tilespmem:s26], [sflag:$0x3], $0x20, s21, s24, $0xb8;
	[tilespmem:$0x1F900] =	vst v63  }
0x110: {  	_ =	swait.ge [sflag:s20], $0x1000  }
0x111: {  	[sflag:s20] =	ssyncset.done $0x0  }
0x112: {  	[sflag:s20] =	ssyncadd.s32 $0xFFFFF000  }
0x113: {  	_ =	swait.ge [sflag:s23], $0x1000  }
0x114: {  	[sflag:s23] =	ssyncset.done $0x0  }
0x115: {  	[sflag:s23] =	ssyncadd.s32 $0xFFFFF000  }
0x116: {  	[spmem:s2] =	stream.indirect.scatter.add.f32 [tilespmem:s25], [sflag:$0x3], $0x20, s29, s24, $0xb8;
	[tilespmem:$0x1F900] =	vst v63  }
0x117: {  	_ =	swait.ge [sflag:s20], $0x1000  }
0x118: {  	s0 =	sadd.s32 $0x1, s0;
	[sflag:s20] =	ssyncset.done $0x0  }
0x119: {  	p0 =	sne.s32 s0, s19;
	[sflag:s20] =	ssyncadd.s32 $0xFFFFF000  }
.Ltmp5:
0x11a: {  	[bflag:$0x0] =	sbarrier.arrive $0xFFFF;
	(pc) =	sbr.rel @p0 .LBB2_1-.Ltmp5, $4  }
0x11b: {  	[hbm:s18@s30], [sflag:s1] =	dma.strided [spmem:s3@s31], $0x30D4, s23, $0x4   }
0x11c: {  	_ =	swait.ge [sflag:s20], $0x30D4  }
0x11d: {  	[sflag:s20] =	ssyncset.done $0x0  }
0x11e: {  	s15 =	simm.s32 $0xC80;
	[sflag:s20] =	ssyncadd.s32 $0xFFFFCF2C  }
0x11f: {  	_ =	sfence.sel $0x180000  }
0x120: {  	[bflag:$0x0] =	sbarrier.arrive $0xFFFF  }
0x121: {  	_ =	strace $0x9000004A  }
0x122: {  	s0 =	stileid.u32;
	[bflag:$0x2] =	sbarrier.arrive $0xFFFF  }
0x123: {  	p0 =	sne.s32 s0, $0x0;
	s0 =	rddreg [dreg:$0x2]  }
0x124: {  	s0 =	sadd.s32 @!p0 $0x100000, s0  }
0x125: {  	[sflag:s0] =	ssyncadd.tile.s32 @!p0 $0x1;
	_ =	shalt  }
.Lfunc_end2:
_tile_overlayer_lowered:
.L_overlay_start_2:
0x126: {  	(tag) =	ssettag $0x2  }
0x127: {  	s0 =	rddreg [dreg:$0x0];
	s2 =	stileid.u32  }
0x128: {  	s1 =	rddreg [dreg:$0x1];
	p0 =	sne.s32 s2, $0x0  }
0x129: {  	s3 =	rddreg [dreg:$0x2];
	[bflag:$0x3] =	sbarrier.arrive $0xFFFF;
	s2 =	simm.s32 @!p0 $0x1C03  }
0x12a: {  	[timem:s3], [sflag:s2] =	dma.local @!p0 [hbm:s0], s1  }
0x12b: {  	s0 =	simm.s32 @!p0 $0x3  }
0x12c: {  	_ =	swait.ge @!p0 [sflag:s0], s1  }
0x12d: {  	s1 =	ssub.s32 @!p0 $0x0, s1;
	[sflag:s0] =	ssyncset.done @!p0 $0x0  }
0x12e: {  	[sflag:s0] =	ssyncadd.s32 @!p0 s1  }
0x12f: {  	[bflag:$0x3] =	sbarrier.arrive $0xFFFF  }
0x130: {  	_ =	shalt  }

// kernel: kernel.15.cloned.1.call-start
scs
__scs_entry_jumppad:
0x0: {  	(pc) =	sbr.rel $0x88, $3  }
0x1: {  	(tag) =	ssettag $0x0;
	lr =	simm.s32 $0x1  }
0x2: {  	[smem:$0x3F87] =	sst lr;
	_ =	strace $0xD0000000  }
0x3: {  	_ = 	snop  }
0x4: {  	_ = 	snop  }
0x5: {  	_ = 	snop  }
0x6: {  	_ = 	snop  }
0x7: {  	_ = 	snop  }
__scs_overlays_trampoline_lowered:
0x8: {  	[smem:$0x3F96] =	sst s0  }
0x9: {  	[smem:$0x3F97] =	sst s1  }
0xa: {  	[smem:$0x3F98] =	sst s2  }
0xb: {  	[smem:$0x3F99] =	sst s3  }
0xc: {  	[smem:$0x3F9A] =	sst s4  }
0xd: {  	[smem:$0x3F9B] =	sst s5  }
0xe: {  	[smem:$0x3F9C] =	sst s6  }
0xf: {  	[smem:$0x3F9D] =	sst s7  }
0x10: {  	[smem:$0x3F9E] =	sst s8  }
0x11: {  	[smem:$0x3F9F] =	sst s9;
	s0 =	simm.s32 @!p0 $0x0  }
0x12: {  	s1 =	sld [smem:$0x3F85];
	s0 =	simm.s32 @p0 $0x1  }
0x13: {  	[smem:$0x3FA0] =	sst s0;
	s0 =	simm.s32 @!p1 $0x0  }
0x14: {  	s2 =	sld [smem:$0x3F84];
	s0 =	simm.s32 @p1 $0x1  }
0x15: {  	[smem:$0x3FA1] =	sst s0;
	s0 =	simm.s32 @!p2 $0x0  }
0x16: {  	s3 =	sld [smem:$0x3FDB];
	s0 =	simm.s32 @p2 $0x1  }
0x17: {  	s4 =	simm.s32 $0x1BF5;
	[smem:$0x3FA3] =	sst s0  }
0x18: {  	s0 =	sld [smem:$0x3F86];
	_ =	swait.ge [sflag:s4], $0x0  }
0x19: {  	s7 =	sld [smem:$0x3F87]  }
0x1a: {  	s8 =	sadd.s32 $0xFFFFE003, lr  }
0x1b: {  	s9 =	sadd.s32 $0xFFFFFEF7, lr;
	s5 =	simm.s32 $0xFFFFFFFF;
	p2 =	slt.u32 s8, $0xFFFFF086  }
0x1c: {  	p1 =	slt.u32 s9, $0xF7A;
	s5 =	simm.s32 @!p2 $0x0  }
0x1d: {  	s5 =	simm.s32 @p1 $0x1;
	p0 =	seq.s32 s7, s2  }
0x1e: {  	s7 =	smul.u32 @!p0 $0xF7A, s2;
	p2 =	seq.s32 @!p0 s5, $0x0  }
0x1f: {  	s9 =	smul.u32 $0xF7A, s1;
	s8 =	simm.s32 @!p0 $0x1BF5;
	p2 =	por !p2, p0  }
0x20: {  	[sflag:s8] =	ssyncset.s32 @!p0 $0xFFFFF086;
	s6 =	sadd.s32 @!p0 s3, s7;
	s7 =	simm.s32 @!p0 $0x108  }
0x21: {  	s3 =	sadd.s32 s3, s9;
	s6 =	sadd.s32 @!p0 $0x88, s6;
	s7 =	simm.s32 @p2 $0x1082  }
0x22: {  	[simem:s7], [sflag:s8] =	dma.local @!p0 [hbm:s6], $0xF7A  }
0x23: {  	s9 =	sor.u32 $0xD0000000, s2;
	s6 =	simm.s32 $0x108;
	_ =	swait.ge @!p0 [sflag:s8], $0x0  }
0x24: {  	s3 =	sadd.s32 $0x88, s3;
	s6 =	simm.s32 @!p1 $0x1082;
	[sflag:s4] =	ssyncset.s32 $0xFFFFF086  }
0x25: {  	[simem:s6], [sflag:s4] =	dma.local [hbm:s3], $0xF7A  }
0x26: {  	[smem:$0x3F87] =	sst s1;
	(tag) =	ssettag s2;
	_ =	strace s9  }
0x27: {  	s1 =	sld [smem:$0x3F97]  }
0x28: {  	s2 =	sld [smem:$0x3F98]  }
0x29: {  	s4 =	sld [smem:$0x3F9A]  }
0x2a: {  	p0 =	seq.s32 s5, $0x0;
	s5 =	sld [smem:$0x3F9B]  }
0x2b: {  	s6 =	sld [smem:$0x3F9C]  }
0x2c: {  	s7 =	sld [smem:$0x3F9D]  }
0x2d: {  	s3 =	simm.s32 $0x108;
	s8 =	sld [smem:$0x3F9E]  }
0x2e: {  	s3 =	simm.s32 @!p0 $0x1082;
	s9 =	sld [smem:$0x3F9F]  }
0x2f: {  	lr =	sadd.s32 s0, s3;
	s0 =	sld [smem:$0x3F96]  }
0x30: {  	s3 =	sld [smem:$0x3F99]  }
0x31: {  	[smem:$0x3FA2] =	sst s10  }
0x32: {  	s10 =	sld [smem:$0x3FA0];
	_ =	sdelay $0x3  }
0x33: {  	p0 =	seq.s32 s10, $0x1;
	s10 =	sld [smem:$0x3FA2];
	_ =	sdelay $0x3  }
0x34: {  	[smem:$0x3FA2] =	sst s10  }
0x35: {  	s10 =	sld [smem:$0x3FA1];
	_ =	sdelay $0x3  }
0x36: {  	p1 =	seq.s32 s10, $0x1;
	s10 =	sld [smem:$0x3FA2];
	_ =	sdelay $0x3  }
0x37: {  	[smem:$0x3FA2] =	sst s10  }
0x38: {  	s10 =	sld [smem:$0x3FA3]  }
0x39: {  	_ = 	snop;
	(pc) =	sbr.ind lr, $3  }
0x3a: {  	_ = 	snop  }
0x3b: {  	_ = 	snop  }
0x3c: {  	p2 =	seq.s32 s10, $0x1;
	s10 =	sld [smem:$0x3FA2]  }
0x3d: {  	_ =	shalt  }
0x3e: {  	_ =	shalt  }
0x3f: {  	_ =	shalt  }
0x40: {  	_ =	shalt  }
0x41: {  	_ =	shalt  }
0x42: {  	_ =	shalt  }
0x43: {  	_ =	shalt  }
0x44: {  	_ =	shalt  }
0x45: {  	_ =	shalt  }
0x46: {  	_ =	shalt  }
0x47: {  	_ =	shalt  }
0x48: {  	_ =	shalt  }
0x49: {  	_ =	shalt  }
0x4a: {  	_ =	shalt  }
0x4b: {  	_ =	shalt  }
0x4c: {  	_ =	shalt  }
0x4d: {  	_ =	shalt  }
0x4e: {  	_ =	shalt  }
0x4f: {  	_ =	shalt  }
0x50: {  	_ =	shalt  }
0x51: {  	_ =	shalt  }
0x52: {  	_ =	shalt  }
0x53: {  	_ =	shalt  }
0x54: {  	_ =	shalt  }
0x55: {  	_ =	shalt  }
0x56: {  	_ =	shalt  }
0x57: {  	_ =	shalt  }
0x58: {  	_ =	shalt  }
0x59: {  	_ =	shalt  }
0x5a: {  	_ =	shalt  }
0x5b: {  	_ =	shalt  }
0x5c: {  	_ =	shalt  }
0x5d: {  	_ =	shalt  }
0x5e: {  	_ =	shalt  }
0x5f: {  	_ =	shalt  }
0x60: {  	_ =	shalt  }
0x61: {  	_ =	shalt  }
0x62: {  	_ =	shalt  }
0x63: {  	_ =	shalt  }
0x64: {  	_ =	shalt  }
0x65: {  	_ =	shalt  }
0x66: {  	_ =	shalt  }
0x67: {  	_ =	shalt  }
0x68: {  	_ =	shalt  }
0x69: {  	_ =	shalt  }
0x6a: {  	_ =	shalt  }
0x6b: {  	_ =	shalt  }
0x6c: {  	_ =	shalt  }
0x6d: {  	_ =	shalt  }
0x6e: {  	_ =	shalt  }
0x6f: {  	_ =	shalt  }
0x70: {  	_ =	shalt  }
0x71: {  	_ =	shalt  }
0x72: {  	_ =	shalt  }
0x73: {  	_ =	shalt  }
0x74: {  	_ =	shalt  }
0x75: {  	_ =	shalt  }
0x76: {  	_ =	shalt  }
0x77: {  	_ =	shalt  }
0x78: {  	_ =	shalt  }
0x79: {  	_ =	shalt  }
0x7a: {  	_ =	shalt  }
0x7b: {  	_ =	shalt  }
0x7c: {  	_ =	shalt  }
0x7d: {  	_ =	shalt  }
0x7e: {  	_ =	shalt  }
0x7f: {  	_ =	shalt  }
0x80: {  	_ =	shalt  }
0x81: {  	_ =	shalt  }
0x82: {  	_ =	shalt  }
0x83: {  	_ =	shalt  }
0x84: {  	_ =	shalt  }
0x85: {  	_ =	shalt  }
0x86: {  	_ =	shalt  }
0x87: {  	_ =	shalt  }
.Lfunc_end0:
.L_simem_size_0:
called_computation.2_lowered:
.L_overlay_start_0:
0x88: {  	s2 =	sld [smem:$0x3FD9]  }
0x89: {  	s3 =	sld [smem:$0x3FFE];
	_ =	sdelay $0x1  }
0x8a: {  	s1 =	srdreg.scid  }
0x8b: {  	s0 =	sand.u32 $0x1, s1  }
0x8c: {  	s16 =	sshll.u32 s0, $0xA;
	s2 =	sadd.s32 s3, s2  }
0x8d: {  	s2 =	sadd.s32 s2, s16  }
0x8e: {  	[smem:$0x3FAE] =	sst s2  }
0x8f: {  	_ = 	snop  }
0x90: {  	(tm) =	ssettm $0x1  }
0x91: {  	s17 =	sld [smem:$0x3FFB];
	_ =	sdelay $0x3  }
0x92: {  	_ =	strace s17  }
0x93: {  	s2 =	sld [smem:$0x3FFC];
	_ =	sdelay $0x3  }
0x94: {  	_ =	strace s2  }
0x95: {  	s2 =	sld [smem:$0x3FFD];
	_ =	sdelay $0x3  }
0x96: {  	_ =	strace s2  }
0x97: {  	_ =	strace $0x8FFFFFFF  }
0x98: {  	s18 =	sld [smem:$0x3FDB];
	_ =	sdelay $0x1  }
0x99: {  	s19 =	simm.s32 $_scs_section_size  }
0x9a: {  	s4 =	simm.s32 $_size__tile_overlayer_lowered;
	s5 =	simm.s32 $_tile_overlayer_lowered  }
0x9b: {  	s22 =	simm.s32 $0x1BFF;
	s21 =	sshll.u32 s5, $0x1;
	s2 =	sadd.s32 s19, s18  }
0x9c: {  	s6 =	simm.s32 $0x0;
	s20 =	sshll.u32 s4, $0x1;
	s4 =	sadd.s32 s21, s2  }
0x9d: {  	[timem:s6], [sflag:s22] =	dma.local [hbm:s4], s20  }
0x9e: {  	_ =	swait.ge [sflag:s22], s20  }
0x9f: {  	s3 =	ssub.s32 $0x0, s20;
	[sflag:s22] =	ssyncset.done $0x0  }
0xa0: {  	[sflag:s22] =	ssyncadd.s32 s3;
	_ =	sdelay $0x1  }
0xa1: {  	s23 =	simm.s32 $0x1B8B  }
0xa2: {  	_ =	swait.ge [sflag:s23], $0x1  }
0xa3: {  	[sflag:s23] =	ssyncset.done $0x0  }
0xa4: {  	s25 =	simm.s32 $0x1B8E;
	s24 =	sld [smem:$0x3FFE];
	[sflag:s23] =	ssyncadd.s32 $0xFFFFFFFF  }
0xa5: {  	s26 =	simm.s32 $execute0_lowered;
	[smem:$0x3FD2] =	sst s25  }
0xa6: {  	s4 =	sshll.u32 s26, $0x1;
	_ =	strace $0x8000004C;
	[dreg:$0x1] =	wrdreg $0xFFFFFFFF  }
0xa7: {  	s28 =	simm.s32 $_size_execute0_lowered;
	s2 =	sadd.s32 s2, s4;
	[dreg:$0x0] =	wrdreg $0x0  }
0xa8: {  	s4 =	sshll.u32 s28, $0x1;
	[dreg:$0x2] =	wrdreg s2  }
0xa9: {  	[dreg:$0x3] =	wrdreg s4  }
0xaa: {  	[dreg:$0x4] =	wrdreg $0xC0  }
0xab: {  	_ =	task [dreg:s6], $0x5FFFF  }
0xac: {  	[dreg:$0x1] =	wrdreg $0xFFFFFFFF  }
0xad: {  	[dreg:$0x0] =	wrdreg $0x60  }
0xae: {  	[dreg:$0x2] =	wrdreg s24  }
0xaf: {  	[dreg:$0x3] =	wrdreg $0x71000  }
0xb0: {  	[dreg:$0x4] =	wrdreg $0x9  }
0xb1: {  	_ =	task.clear_ibuf [dreg:s6], $0x5FFFF;
	_ =	strace $0x9000004C  }
0xb2: {  	s29 =	simm.s32 $0x9;
	_ =	strace $0x8000004E  }
0xb3: {  	_ =	swait.ge [sflag:s29], $0x1  }
0xb4: {  	[sflag:s29] =	ssyncadd.s32 $0xFFFFFFFF  }
0xb5: {  	_ =	strace $0x9000004E  }
0xb6: {  	_ =	sfence  }
0xb7: {  	s30 =	sld [smem:$0x0];
	_ =	sdelay $0x2  }
0xb8: {  	s31 =	sshll.u32 s1, $0xD;
	s1 =	sshrl.u32 s1, $0x2  }
0xb9: {  	s3 =	sand.u32 $0x4000, s31;
	s1 =	sadd.s32 s1, s30  }
0xba: {  	s0 =	sor.u32 s3, s0;
	s1 =	sshll.u32 s1, $0x11  }
0xbb: {  	s0 =	sor.u32 s1, s0  }
0xbc: {  	s0 =	sadd.s32 $0x8F2B, s0  }
0xbd: {  	[sflag:s0] =	ssyncadd.remote.s32 $0x1  }
0xbe: {  	_ =	sfence.sel $0xFFFF  }
0xbf: {  	[dreg:$0x0] =	wrdreg $0xFFFFFFFF;
	(pc) =	sbr.abs _section_cstart, $3  }
0xc0: {  	[dreg:$0x1] =	wrdreg $0xFFFFFFFF  }
0xc1: {  	_ =	task.clear_ibuf [dreg:s6], $0x2FFFF;
	_ =	strace $0x9FFFFFFF  }
0xc2: {  	(tm) =	ssettm $0x7FFFFFFF  }
0xc3: {  	_ =	shalt  }
tec
execute0_lowered:
.L_overlay_start_1:
0x0: {  	(tag) =	ssettag $0x1  }
0x1: {  	s0 =	rddreg [dreg:$0x0]  }
0x2: {  	s2 =	rddreg [dreg:$0x1];
	s3 =	simm.s32 $0x0  }
0x3: {  	s9 =	stileid.u32;
	s1 =	srdreg.scid;
	s22 =	simm.s32 $0x3900  }
0x4: {  	s23 =	simm.s32 $0x1;
	s24 =	simm.s32 $0x80;
	s25 =	simm.s32 $0x1900  }
0x5: {  	s28 =	simm.s32 $0x2;
	s29 =	simm.s32 $0x1880;
	s30 =	simm.s32 $0x10  }
0x6: {  	s31 =	simm.s32 $0x4;
	[smem:$0x7FF] =	sst s3;
	s18 =	smul.u32 $0x190, s9  }
0x7: {  	s1 =	sand.u32 $0x1, s1;
	s6 =	smul.u32 $0x62000, s9;
	s4 =	sadd.s32 $0x3D400, s0  }
0x8: {  	s14 =	smul.u32 $0x61A80, s9;
	_ =	strace $0x8000004D;
	s5 =	ssub.s32 $0x2, s1  }
0x9: {  	s21 =	sor.u32 $0x2, s1;
	s16 =	sshll.u32 s1, $0x5;
	s3 =	sadd.s32 s18, s0  }
0xa: {  	s7 =	sshrl.u32 s5, $0x1;
	s0 =	sadd.s32 $0x100A00, s0;
	s6 =	sshrl.u32 s6, $0x2  }
0xb: {  	s13 =	sshll.u32 s21, $0x5;
	s26 =	sshrl.u32 s14, $0x2;
	s5 =	ssub.s32 s5, s7  }
0xc: {  	s19 =	sadd.s32 $0x3A000, s3;
	s20 =	sadd.s32 $0x4400, s3;
	s7 =	sadd.s32 s6, s2  }
0xd: {  	s15 =	sor.u32 s14, s13;
	s14 =	sor.u32 s16, s14;
	[dreg:$0x3] =	wrdreg s19  }
0xe: {  	s16 =	sadd.s32 $0x3BA00, s3;
	s17 =	sadd.s32 $0x2A00, s3;
	[dreg:$0x4] =	wrdreg s20  }
0xf: {  	s8 =	sadd.s32 $0x3800, s7;
	s9 =	sadd.s32 $0x7000, s7;
	s10 =	sadd.s32 $0xA800, s7  }
0x10: {  	s11 =	sadd.s32 $0xE000, s7;
	s12 =	sadd.s32 $0x11800, s7;
	s13 =	sadd.s32 $0x15000, s7  }
0x11: {  	s15 =	sshrl.u32 s15, $0x3;
	s14 =	sshrl.u32 s14, $0x3;
	s19 =	smax.u32 s5, $0x1  }
0x12: {  	s20 =	simm.s32 $0x3;
	s15 =	sadd.s32 s0, s15;
	s18 =	sadd.s32 s0, s14  }
0x13: {  	s0 =	simm.s32 $0x0;
	[dreg:$0x5] =	wrdreg s15;
	s15 =	sadd.s32 s26, s2  }
0x14: {  	v2 =	vimm.f32 $0.0e+00;
	v0 =	vmov s1;
	v1 =	vmov s21;
	s26 =	simm.s32 $0x2900;
	[dreg:$0x6] =	wrdreg s15;
	s15 =	simm.s32 $0xC80  }
.LBB2_1:
0x15: {  	s3 =	simm.s32 $0x0  }
0x16: {  	s1 =	sand.u32 $0xFF80, s3  }
0x17: {  	s3 =	sand.u32 $0x10, s3;
	s5 =	sshrl.u32 s1, $0x2  }
0x18: {  	s1 =	simm.s32 $0x40;
	s5 =	sor.u32 s3, s5;
	s3 =	simm.s32 $0x0  }
.LBB2_2:
0x19: {  	p0 =	sne.s32 s1, $0xDFC0  }
0x1a: {  	[tilespmem:s5+$0x3900] =	vst v2;
	s3 =	sadd.s32 $0x10, s3;
	s5 =	smov.u32 s1;
	s1 =	sadd.s32 $0x40, s1  }
.Ltmp0:
0x1b: {  	(pc) =	sbr.rel @p0 .LBB2_2-.Ltmp0, $4  }
0x1c: {  	_ = 	snop  }
0x1d: {  	s5 =	sand.u32 $0xFF80, s5  }
0x1e: {  	s6 =	sand.u32 $0x10, s3;
	s5 =	sshrl.u32 s5, $0x2  }
0x1f: {  	s5 =	sor.u32 s6, s5  }
0x20: {  	[tilespmem:s5+$0x3900] =	vst v2;
	s1 =	simm.s32 $0x0;
	s3 =	rddreg [dreg:$0x3]  }
0x21: {  	[tilespmem:s1], [sflag:$0x3] =	stream.linear.gather [hbm4b:s3+s1], $0xC80, $0x38;
	[tilespmem:$0x1F900] =	vst v63  }
0x22: {  	_ =	swait.ge [sflag:s20], $0xC80  }
0x23: {  	[sflag:s20] =	ssyncset.done $0x0  }
0x24: {  	s6 =	rddreg [dreg:$0x4];
	[sflag:s20] =	ssyncadd.s32 $0xFFFFF380  }
0x25: {  	[tilespmem:s15], [sflag:$0x3] =	stream.linear.gather [hbm4b:s6+s1], $0xC80, $0x38;
	[tilespmem:$0x1F900] =	vst v63  }
0x26: {  	_ =	swait.ge [sflag:s20], $0xC80  }
0x27: {  	[sflag:s20] =	ssyncset.done $0x0  }
0x28: {  	[sflag:s20] =	ssyncadd.s32 $0xFFFFF380  }
0x29: {  	[spmem:s7] =	stream.linear.scatter [tilespmem:s22], [sflag:$0x1], $0x3800, $0x38;
	[tilespmem:$0x1F900] =	vst v63  }
0x2a: {  	_ = 	snop  }
0x2b: {  	[spmem:s8] =	stream.linear.scatter [tilespmem:s22], [sflag:$0x1], $0x3800, $0x38;
	[tilespmem:$0x1F900] =	vst v63  }
0x2c: {  	_ = 	snop  }
0x2d: {  	[spmem:s9] =	stream.linear.scatter [tilespmem:s22], [sflag:$0x1], $0x3800, $0x38;
	[tilespmem:$0x1F900] =	vst v63  }
0x2e: {  	_ = 	snop  }
0x2f: {  	[spmem:s10] =	stream.linear.scatter [tilespmem:s22], [sflag:$0x1], $0x3800, $0x38;
	[tilespmem:$0x1F900] =	vst v63  }
0x30: {  	s14 =	sand.u32 $0x3E00, s1  }
0x31: {  	[spmem:s11] =	stream.linear.scatter [tilespmem:s22], [sflag:$0x1], $0x3800, $0x38;
	[tilespmem:$0x1F900] =	vst v63  }
0x32: {  	s3 =	sshrl.u32 s14, $0x2;
	s1 =	sand.u32 $0x70, s1  }
0x33: {  	[spmem:s12] =	stream.linear.scatter [tilespmem:s22], [sflag:$0x1], $0x3800, $0x38;
	[tilespmem:$0x1F900] =	vst v63  }
0x34: {  	s1 =	sor.u32 s1, s3  }
0x35: {  	[spmem:s13] =	stream.linear.scatter [tilespmem:s22], [sflag:$0x1], $0x3800, $0x38;
	[tilespmem:$0x1F900] =	vst v63  }
0x36: {  	v3 =	vld [tilespmem:s1+$0x0];
	_ =	sdelay $0x3  }
0x37: {  	s21 =	simm.s32 $0x40  }
0x38: {  	s5 =	simm.s32 $0x10;
	s6 =	sand.u32 $0x3E00, s21;
	s3 =	simm.s32 $0x80;
	v3 =	vshll.u32 v3, $0x2  }
.LBB2_4:
0x39: {  	p0 =	sne.s32 s3, $0x31C0;
	s14 =	sand.u32 $0x70, s5;
	s6 =	sshrl.u32 s6, $0x2;
	v3 =	vor.u32 v0, v3  }
0x3a: {  	[tilespmem:s1+$0x0] =	vst v3;
	s1 =	sor.u32 s14, s6  }
0x3b: {  	v3 =	vld [tilespmem:s1+$0x0]  }
.Ltmp1:
0x3c: {  	(pc) =	sbr.rel @p0 .LBB2_4-.Ltmp1, $2  }
0x3d: {  	_ =	sdelay $0x2  }
0x3e: {  	s5 =	sadd.s32 $0x10, s5;
	s6 =	sand.u32 $0x3E00, s3;
	s3 =	sadd.s32 $0x40, s3;
	v3 =	vshll.u32 v3, $0x2  }
0x3f: {  	s3 =	sand.u32 $0x70, s5;
	s21 =	sshrl.u32 s6, $0x2;
	v3 =	vor.u32 v0, v3  }
0x40: {  	s3 =	sor.u32 s3, s21;
	[tilespmem:s1+$0x0] =	vst v3  }
0x41: {  	v3 =	vld [tilespmem:s3+$0x0];
	_ =	sdelay $0x4  }
0x42: {  	v3 =	vshll.u32 v3, $0x2  }
0x43: {  	v3 =	vor.u32 v0, v3  }
0x44: {  	[tilespmem:s3+$0x0] =	vst v3  }
0x45: {  	_ =	swait.ge [sflag:s23], $0x3800  }
0x46: {  	[sflag:s23] =	ssyncset.done $0x0  }
0x47: {  	[sflag:s23] =	ssyncadd.s32 $0xFFFFC800  }
0x48: {  	_ =	swait.ge [sflag:s23], $0x3800  }
0x49: {  	[sflag:s23] =	ssyncset.done $0x0  }
0x4a: {  	[sflag:s23] =	ssyncadd.s32 $0xFFFFC800  }
0x4b: {  	_ =	swait.ge [sflag:s23], $0x3800  }
0x4c: {  	[sflag:s23] =	ssyncset.done $0x0  }
0x4d: {  	[sflag:s23] =	ssyncadd.s32 $0xFFFFC800  }
0x4e: {  	_ =	swait.ge [sflag:s23], $0x3800  }
0x4f: {  	[sflag:s23] =	ssyncset.done $0x0  }
0x50: {  	[sflag:s23] =	ssyncadd.s32 $0xFFFFC800  }
0x51: {  	_ =	swait.ge [sflag:s23], $0x3800  }
0x52: {  	[sflag:s23] =	ssyncset.done $0x0  }
0x53: {  	[sflag:s23] =	ssyncadd.s32 $0xFFFFC800  }
0x54: {  	_ =	swait.ge [sflag:s23], $0x3800  }
0x55: {  	[sflag:s23] =	ssyncset.done $0x0  }
0x56: {  	[sflag:s23] =	ssyncadd.s32 $0xFFFFC800  }
0x57: {  	_ =	swait.ge [sflag:s23], $0x3800  }
0x58: {  	[sflag:s23] =	ssyncset.done $0x0  }
0x59: {  	[sflag:s23] =	ssyncadd.s32 $0xFFFFC800  }
0x5a: {  	s3 =	simm.s32 $0x0;
	[bflag:$0x0] =	sbarrier.arrive $0xFFFF  }
0x5b: {  	[tilespmem:s25], [sflag:$0x3] =	stream.indirect.gather [hbm4b:s4+s24], $0x20, s3, s24, $0xb8;
	[tilespmem:$0x1F900] =	vst v63  }
0x5c: {  	_ =	swait.ge [sflag:s20], $0x1000  }
0x5d: {  	[sflag:s20] =	ssyncset.done $0x0  }
0x5e: {  	s5 =	simm.s32 $0x80;
	[sflag:s20] =	ssyncadd.s32 $0xFFFFF000  }
0x5f: {  	[tilespmem:s26], [sflag:$0x2] =	stream.indirect.gather [hbm4b:s4+s24], $0x20, s5, s24, $0xb8;
	[tilespmem:$0x1F900] =	vst v63  }
0x60: {  	s6 =	simm.s32 $0xC80  }
0x61: {  	[spmem:s2] =	stream.indirect.scatter.add.f32 [tilespmem:s25], [sflag:$0x3], $0x20, s6, s24, $0xb8;
	[tilespmem:$0x1F900] =	vst v63  }
0x62: {  	_ =	swait.ge [sflag:s20], $0x1000  }
0x63: {  	[sflag:s20] =	ssyncset.done $0x0  }
0x64: {  	[sflag:s20] =	ssyncadd.s32 $0xFFFFF000  }
0x65: {  	_ =	swait.ge [sflag:s28], $0x1000  }
0x66: {  	[sflag:s28] =	ssyncset.done $0x0  }
0x67: {  	s14 =	simm.s32 $0x100;
	[sflag:s28] =	ssyncadd.s32 $0xFFFFF000  }
0x68: {  	[tilespmem:s25], [sflag:$0x1] =	stream.indirect.gather [hbm4b:s4+s24], $0x20, s14, s24, $0xb8;
	[tilespmem:$0x1F900] =	vst v63  }
0x69: {  	s21 =	simm.s32 $0xD00  }
0x6a: {  	[spmem:s2] =	stream.indirect.scatter.add.f32 [tilespmem:s26], [sflag:$0x3], $0x20, s21, s24, $0xb8;
	[tilespmem:$0x1F900] =	vst v63  }
0x6b: {  	_ =	swait.ge [sflag:s20], $0x1000  }
0x6c: {  	[sflag:s20] =	ssyncset.done $0x0  }
0x6d: {  	[sflag:s20] =	ssyncadd.s32 $0xFFFFF000  }
0x6e: {  	_ =	swait.ge [sflag:s23], $0x1000  }
0x6f: {  	s1 =	simm.s32 $0x100;
	s3 =	simm.s32 $0x800;
	[sflag:s23] =	ssyncset.done $0x0  }
.LBB2_6:
0x70: {  	s5 =	sadd.s32 $0x80, s1  }
0x71: {  	[sflag:s23] =	ssyncadd.s32 $0xFFFFF000;
	s6 =	smov.u32 s3;
	s14 =	sadd.s32 $0x400, s3  }
0x72: {  	[tilespmem:s26], [sflag:$0x2] =	stream.indirect.gather [hbm4b:s4+s24], $0x20, s5, s24, $0xb8;
	[tilespmem:$0x1F900] =	vst v63  }
0x73: {  	p0 =	sne.s32 s3, $0x2C00;
	s3 =	sadd.s32 $0xC80, s1  }
0x74: {  	[spmem:s2] =	stream.indirect.scatter.add.f32 [tilespmem:s25], [sflag:$0x3], $0x20, s3, s24, $0xb8;
	[tilespmem:$0x1F900] =	vst v63  }
0x75: {  	_ =	swait.ge [sflag:s20], $0x1000  }
0x76: {  	[sflag:s20] =	ssyncset.done $0x0  }
0x77: {  	[sflag:s20] =	ssyncadd.s32 $0xFFFFF000  }
0x78: {  	_ =	swait.ge [sflag:s28], $0x1000  }
0x79: {  	[sflag:s28] =	ssyncset.done $0x0  }
0x7a: {  	s3 =	sadd.s32 $0x100, s1;
	[sflag:s28] =	ssyncadd.s32 $0xFFFFF000  }
0x7b: {  	[tilespmem:s25], [sflag:$0x1] =	stream.indirect.gather [hbm4b:s4+s24], $0x20, s3, s24, $0xb8;
	[tilespmem:$0x1F900] =	vst v63  }
0x7c: {  	s1 =	sadd.s32 $0xD00, s1  }
0x7d: {  	[spmem:s2] =	stream.indirect.scatter.add.f32 [tilespmem:s26], [sflag:$0x3], $0x20, s1, s24, $0xb8;
	[tilespmem:$0x1F900] =	vst v63  }
.Ltmp2:
0x7e: {  	_ =	swait.ge [sflag:s20], $0x1000;
	(pc) =	sbr.rel @p0 .LBB2_6-.Ltmp2, $4  }
0x7f: {  	[sflag:s20] =	ssyncset.done $0x0  }
0x80: {  	[sflag:s20] =	ssyncadd.s32 $0xFFFFF000  }
0x81: {  	_ =	swait.ge [sflag:s23], $0x1000  }
0x82: {  	s3 =	smov.u32 s14;
	s1 =	sshra.s32 s6, $0x2;
	[sflag:s23] =	ssyncset.done $0x0  }
0x83: {  	s3 =	sadd.s32 $0x80, s1;
	[sflag:s23] =	ssyncadd.s32 $0xFFFFF000  }
0x84: {  	[tilespmem:s26], [sflag:$0x2] =	stream.indirect.gather [hbm4b:s4+s24], $0x20, s3, s24, $0xb8;
	[tilespmem:$0x1F900] =	vst v63  }
0x85: {  	s14 =	sadd.s32 $0xC80, s1  }
0x86: {  	[spmem:s2] =	stream.indirect.scatter.add.f32 [tilespmem:s25], [sflag:$0x3], $0x20, s14, s24, $0xb8;
	[tilespmem:$0x1F900] =	vst v63  }
0x87: {  	_ =	swait.ge [sflag:s20], $0x1000  }
0x88: {  	[sflag:s20] =	ssyncset.done $0x0  }
0x89: {  	[sflag:s20] =	ssyncadd.s32 $0xFFFFF000  }
0x8a: {  	_ =	swait.ge [sflag:s28], $0x1000  }
0x8b: {  	[sflag:s28] =	ssyncset.done $0x0  }
0x8c: {  	s21 =	sadd.s32 $0x100, s1;
	[sflag:s28] =	ssyncadd.s32 $0xFFFFF000  }
0x8d: {  	[tilespmem:s25], [sflag:$0x1] =	stream.indirect.gather [hbm4b:s4+s24], $0x20, s21, s24, $0xb8;
	[tilespmem:$0x1F900] =	vst v63  }
0x8e: {  	s3 =	sadd.s32 $0xD00, s1  }
0x8f: {  	[spmem:s2] =	stream.indirect.scatter.add.f32 [tilespmem:s26], [sflag:$0x3], $0x20, s3, s24, $0xb8;
	[tilespmem:$0x1F900] =	vst v63  }
0x90: {  	_ =	swait.ge [sflag:s20], $0x1000  }
0x91: {  	[sflag:s20] =	ssyncset.done $0x0  }
0x92: {  	[sflag:s20] =	ssyncadd.s32 $0xFFFFF000  }
0x93: {  	_ =	swait.ge [sflag:s23], $0x1000  }
0x94: {  	[sflag:s23] =	ssyncset.done $0x0  }
0x95: {  	[sflag:s23] =	ssyncadd.s32 $0xFFFFF000  }
0x96: {  	[spmem:s2] =	stream.indirect.scatter.add.f32 [tilespmem:s25], [sflag:$0x3], $0x20, s29, s24, $0xb8;
	[tilespmem:$0x1F900] =	vst v63  }
0x97: {  	_ =	swait.ge [sflag:s20], $0x1000  }
0x98: {  	[sflag:s20] =	ssyncset.done $0x0  }
0x99: {  	[sflag:s20] =	ssyncadd.s32 $0xFFFFF000  }
0x9a: {  	s5 =	stileid.u32;
	[bflag:$0x0] =	sbarrier.arrive $0xFFFF  }
0x9b: {  	s1 =	sshll.u32 s5, $0x6;
	s6 =	rddreg [dreg:$0x6]  }
0x9c: {  	s1 =	sor.u32 $0x1C03, s1;
	s5 =	rddreg [dreg:$0x5];
	s3 =	sshrl.u32 s6, $0x3  }
0x9d: {  	[hbm:s5@s30], [sflag:s1] =	dma.strided [spmem:s3@s31], $0x30D4, s23, $0x4   }
0x9e: {  	_ =	swait.ge [sflag:s20], $0x30D4  }
0x9f: {  	[sflag:s20] =	ssyncset.done $0x0  }
0xa0: {  	s14 =	simm.s32 $0x0;
	[sflag:s20] =	ssyncadd.s32 $0xFFFFCF2C  }
0xa1: {  	[tilespmem:s14], [sflag:$0x3] =	stream.linear.gather [hbm4b:s16+s14], $0xC80, $0x38;
	[tilespmem:$0x1F900] =	vst v63  }
0xa2: {  	_ =	swait.ge [sflag:s20], $0xC80  }
0xa3: {  	[sflag:s20] =	ssyncset.done $0x0  }
0xa4: {  	[sflag:s20] =	ssyncadd.s32 $0xFFFFF380  }
0xa5: {  	[tilespmem:s15], [sflag:$0x3] =	stream.linear.gather [hbm4b:s17+s14], $0xC80, $0x38;
	[tilespmem:$0x1F900] =	vst v63  }
0xa6: {  	_ =	swait.ge [sflag:s20], $0xC80  }
0xa7: {  	[sflag:s20] =	ssyncset.done $0x0  }
0xa8: {  	[sflag:s20] =	ssyncadd.s32 $0xFFFFF380  }
0xa9: {  	[spmem:s7] =	stream.linear.scatter [tilespmem:s22], [sflag:$0x1], $0x3800, $0x38;
	[tilespmem:$0x1F900] =	vst v63  }
0xaa: {  	_ = 	snop  }
0xab: {  	[spmem:s8] =	stream.linear.scatter [tilespmem:s22], [sflag:$0x1], $0x3800, $0x38;
	[tilespmem:$0x1F900] =	vst v63  }
0xac: {  	_ = 	snop  }
0xad: {  	[spmem:s9] =	stream.linear.scatter [tilespmem:s22], [sflag:$0x1], $0x3800, $0x38;
	[tilespmem:$0x1F900] =	vst v63  }
0xae: {  	_ = 	snop  }
0xaf: {  	[spmem:s10] =	stream.linear.scatter [tilespmem:s22], [sflag:$0x1], $0x3800, $0x38;
	[tilespmem:$0x1F900] =	vst v63  }
0xb0: {  	s6 =	sand.u32 $0x3E00, s14  }
0xb1: {  	[spmem:s11] =	stream.linear.scatter [tilespmem:s22], [sflag:$0x1], $0x3800, $0x38;
	[tilespmem:$0x1F900] =	vst v63  }
0xb2: {  	s5 =	sand.u32 $0x70, s14;
	s6 =	sshrl.u32 s6, $0x2  }
0xb3: {  	[spmem:s12] =	stream.linear.scatter [tilespmem:s22], [sflag:$0x1], $0x3800, $0x38;
	[tilespmem:$0x1F900] =	vst v63  }
0xb4: {  	s5 =	sor.u32 s5, s6  }
0xb5: {  	[spmem:s13] =	stream.linear.scatter [tilespmem:s22], [sflag:$0x1], $0x3800, $0x38;
	[tilespmem:$0x1F900] =	vst v63  }
0xb6: {  	v3 =	vld [tilespmem:s5+$0x0];
	_ =	sdelay $0x3  }
0xb7: {  	s21 =	simm.s32 $0x40  }
0xb8: {  	s6 =	simm.s32 $0x80;
	s15 =	sand.u32 $0x3E00, s21;
	s14 =	simm.s32 $0x10;
	v3 =	vshll.u32 v3, $0x2  }
.LBB2_8:
0xb9: {  	p0 =	sne.s32 s6, $0x31C0;
	s21 =	sand.u32 $0x70, s14;
	s15 =	sshrl.u32 s15, $0x2;
	v3 =	vor.u32 v1, v3  }
0xba: {  	[tilespmem:s5+$0x0] =	vst v3;
	s5 =	sor.u32 s21, s15  }
0xbb: {  	v3 =	vld [tilespmem:s5+$0x0]  }
.Ltmp3:
0xbc: {  	(pc) =	sbr.rel @p0 .LBB2_8-.Ltmp3, $2  }
0xbd: {  	_ =	sdelay $0x2  }
0xbe: {  	s14 =	sadd.s32 $0x10, s14;
	s15 =	sand.u32 $0x3E00, s6;
	s6 =	sadd.s32 $0x40, s6;
	v3 =	vshll.u32 v3, $0x2  }
0xbf: {  	s6 =	sand.u32 $0x70, s14;
	s15 =	sshrl.u32 s15, $0x2;
	v3 =	vor.u32 v1, v3  }
0xc0: {  	s6 =	sor.u32 s6, s15;
	[tilespmem:s5+$0x0] =	vst v3  }
0xc1: {  	v3 =	vld [tilespmem:s6+$0x0];
	_ =	sdelay $0x4  }
0xc2: {  	v3 =	vshll.u32 v3, $0x2  }
0xc3: {  	v3 =	vor.u32 v1, v3  }
0xc4: {  	[tilespmem:s6+$0x0] =	vst v3  }
0xc5: {  	_ =	swait.ge [sflag:s23], $0x3800  }
0xc6: {  	[sflag:s23] =	ssyncset.done $0x0  }
0xc7: {  	[sflag:s23] =	ssyncadd.s32 $0xFFFFC800  }
0xc8: {  	_ =	swait.ge [sflag:s23], $0x3800  }
0xc9: {  	[sflag:s23] =	ssyncset.done $0x0  }
0xca: {  	[sflag:s23] =	ssyncadd.s32 $0xFFFFC800  }
0xcb: {  	_ =	swait.ge [sflag:s23], $0x3800  }
0xcc: {  	[sflag:s23] =	ssyncset.done $0x0  }
0xcd: {  	[sflag:s23] =	ssyncadd.s32 $0xFFFFC800  }
0xce: {  	_ =	swait.ge [sflag:s23], $0x3800  }
0xcf: {  	[sflag:s23] =	ssyncset.done $0x0  }
0xd0: {  	[sflag:s23] =	ssyncadd.s32 $0xFFFFC800  }
0xd1: {  	_ =	swait.ge [sflag:s23], $0x3800  }
0xd2: {  	[sflag:s23] =	ssyncset.done $0x0  }
0xd3: {  	[sflag:s23] =	ssyncadd.s32 $0xFFFFC800  }
0xd4: {  	_ =	swait.ge [sflag:s23], $0x3800  }
0xd5: {  	[sflag:s23] =	ssyncset.done $0x0  }
0xd6: {  	[sflag:s23] =	ssyncadd.s32 $0xFFFFC800  }
0xd7: {  	_ =	swait.ge [sflag:s23], $0x3800  }
0xd8: {  	[sflag:s23] =	ssyncset.done $0x0  }
0xd9: {  	[sflag:s23] =	ssyncadd.s32 $0xFFFFC800  }
0xda: {  	s21 =	simm.s32 $0x0;
	[bflag:$0x0] =	sbarrier.arrive $0xFFFF  }
0xdb: {  	[tilespmem:s25], [sflag:$0x3] =	stream.indirect.gather [hbm4b:s4+s24], $0x20, s21, s24, $0xb8;
	[tilespmem:$0x1F900] =	vst v63  }
0xdc: {  	_ =	swait.ge [sflag:s20], $0x1000  }
0xdd: {  	[sflag:s20] =	ssyncset.done $0x0  }
0xde: {  	s6 =	simm.s32 $0x80;
	[sflag:s20] =	ssyncadd.s32 $0xFFFFF000  }
0xdf: {  	[tilespmem:s26], [sflag:$0x2] =	stream.indirect.gather [hbm4b:s4+s24], $0x20, s6, s24, $0xb8;
	[tilespmem:$0x1F900] =	vst v63  }
0xe0: {  	s14 =	simm.s32 $0xC80  }
0xe1: {  	[spmem:s2] =	stream.indirect.scatter.add.f32 [tilespmem:s25], [sflag:$0x3], $0x20, s14, s24, $0xb8;
	[tilespmem:$0x1F900] =	vst v63  }
0xe2: {  	_ =	swait.ge [sflag:s20], $0x1000  }
0xe3: {  	[sflag:s20] =	ssyncset.done $0x0  }
0xe4: {  	[sflag:s20] =	ssyncadd.s32 $0xFFFFF000  }
0xe5: {  	_ =	swait.ge [sflag:s28], $0x1000  }
0xe6: {  	[sflag:s28] =	ssyncset.done $0x0  }
0xe7: {  	s15 =	simm.s32 $0x100;
	[sflag:s28] =	ssyncadd.s32 $0xFFFFF000  }
0xe8: {  	[tilespmem:s25], [sflag:$0x1] =	stream.indirect.gather [hbm4b:s4+s24], $0x20, s15, s24, $0xb8;
	[tilespmem:$0x1F900] =	vst v63  }
0xe9: {  	s21 =	simm.s32 $0xD00  }
0xea: {  	[spmem:s2] =	stream.indirect.scatter.add.f32 [tilespmem:s26], [sflag:$0x3], $0x20, s21, s24, $0xb8;
	[tilespmem:$0x1F900] =	vst v63  }
0xeb: {  	_ =	swait.ge [sflag:s20], $0x1000  }
0xec: {  	[sflag:s20] =	ssyncset.done $0x0  }
0xed: {  	[sflag:s20] =	ssyncadd.s32 $0xFFFFF000  }
0xee: {  	_ =	swait.ge [sflag:s23], $0x1000  }
0xef: {  	s5 =	simm.s32 $0x100;
	s6 =	simm.s32 $0x800;
	[sflag:s23] =	ssyncset.done $0x0  }
.LBB2_10:
0xf0: {  	s14 =	sadd.s32 $0x80, s5  }
0xf1: {  	[sflag:s23] =	ssyncadd.s32 $0xFFFFF000;
	s15 =	smov.u32 s6;
	s21 =	sadd.s32 $0x400, s6  }
0xf2: {  	[tilespmem:s26], [sflag:$0x2] =	stream.indirect.gather [hbm4b:s4+s24], $0x20, s14, s24, $0xb8;
	[tilespmem:$0x1F900] =	vst v63  }
0xf3: {  	p0 =	sne.s32 s6, $0x2C00;
	s6 =	sadd.s32 $0xC80, s5  }
0xf4: {  	[spmem:s2] =	stream.indirect.scatter.add.f32 [tilespmem:s25], [sflag:$0x3], $0x20, s6, s24, $0xb8;
	[tilespmem:$0x1F900] =	vst v63  }
0xf5: {  	_ =	swait.ge [sflag:s20], $0x1000  }
0xf6: {  	[sflag:s20] =	ssyncset.done $0x0  }
0xf7: {  	[sflag:s20] =	ssyncadd.s32 $0xFFFFF000  }
0xf8: {  	_ =	swait.ge [sflag:s28], $0x1000  }
0xf9: {  	[sflag:s28] =	ssyncset.done $0x0  }
0xfa: {  	s6 =	sadd.s32 $0x100, s5;
	[sflag:s28] =	ssyncadd.s32 $0xFFFFF000  }
0xfb: {  	[tilespmem:s25], [sflag:$0x1] =	stream.indirect.gather [hbm4b:s4+s24], $0x20, s6, s24, $0xb8;
	[tilespmem:$0x1F900] =	vst v63  }
0xfc: {  	s5 =	sadd.s32 $0xD00, s5  }
0xfd: {  	[spmem:s2] =	stream.indirect.scatter.add.f32 [tilespmem:s26], [sflag:$0x3], $0x20, s5, s24, $0xb8;
	[tilespmem:$0x1F900] =	vst v63  }
.Ltmp4:
0xfe: {  	_ =	swait.ge [sflag:s20], $0x1000;
	(pc) =	sbr.rel @p0 .LBB2_10-.Ltmp4, $4  }
0xff: {  	[sflag:s20] =	ssyncset.done $0x0  }
0x100: {  	[sflag:s20] =	ssyncadd.s32 $0xFFFFF000  }
0x101: {  	_ =	swait.ge [sflag:s23], $0x1000  }
0x102: {  	s6 =	smov.u32 s21;
	s5 =	sshra.s32 s15, $0x2;
	[sflag:s23] =	ssyncset.done $0x0  }
0x103: {  	s6 =	sadd.s32 $0x80, s5;
	[sflag:s23] =	ssyncadd.s32 $0xFFFFF000  }
0x104: {  	[tilespmem:s26], [sflag:$0x2] =	stream.indirect.gather [hbm4b:s4+s24], $0x20, s6, s24, $0xb8;
	[tilespmem:$0x1F900] =	vst v63  }
0x105: {  	s14 =	sadd.s32 $0xC80, s5  }
0x106: {  	[spmem:s2] =	stream.indirect.scatter.add.f32 [tilespmem:s25], [sflag:$0x3], $0x20, s14, s24, $0xb8;
	[tilespmem:$0x1F900] =	vst v63  }
0x107: {  	_ =	swait.ge [sflag:s20], $0x1000  }
0x108: {  	[sflag:s20] =	ssyncset.done $0x0  }
0x109: {  	[sflag:s20] =	ssyncadd.s32 $0xFFFFF000  }
0x10a: {  	_ =	swait.ge [sflag:s28], $0x1000  }
0x10b: {  	[sflag:s28] =	ssyncset.done $0x0  }
0x10c: {  	s15 =	sadd.s32 $0x100, s5;
	[sflag:s28] =	ssyncadd.s32 $0xFFFFF000  }
0x10d: {  	[tilespmem:s25], [sflag:$0x1] =	stream.indirect.gather [hbm4b:s4+s24], $0x20, s15, s24, $0xb8;
	[tilespmem:$0x1F900] =	vst v63  }
0x10e: {  	s21 =	sadd.s32 $0xD00, s5  }
0x10f: {  	[spmem:s2] =	stream.indirect.scatter.add.f32 [tilespmem:s26], [sflag:$0x3], $0x20, s21, s24, $0xb8;
	[tilespmem:$0x1F900] =	vst v63  }
0x110: {  	_ =	swait.ge [sflag:s20], $0x1000  }
0x111: {  	[sflag:s20] =	ssyncset.done $0x0  }
0x112: {  	[sflag:s20] =	ssyncadd.s32 $0xFFFFF000  }
0x113: {  	_ =	swait.ge [sflag:s23], $0x1000  }
0x114: {  	[sflag:s23] =	ssyncset.done $0x0  }
0x115: {  	[sflag:s23] =	ssyncadd.s32 $0xFFFFF000  }
0x116: {  	[spmem:s2] =	stream.indirect.scatter.add.f32 [tilespmem:s25], [sflag:$0x3], $0x20, s29, s24, $0xb8;
	[tilespmem:$0x1F900] =	vst v63  }
0x117: {  	_ =	swait.ge [sflag:s20], $0x1000  }
0x118: {  	s0 =	sadd.s32 $0x1, s0;
	[sflag:s20] =	ssyncset.done $0x0  }
0x119: {  	p0 =	sne.s32 s0, s19;
	[sflag:s20] =	ssyncadd.s32 $0xFFFFF000  }
.Ltmp5:
0x11a: {  	[bflag:$0x0] =	sbarrier.arrive $0xFFFF;
	(pc) =	sbr.rel @p0 .LBB2_1-.Ltmp5, $4  }
0x11b: {  	[hbm:s18@s30], [sflag:s1] =	dma.strided [spmem:s3@s31], $0x30D4, s23, $0x4   }
0x11c: {  	_ =	swait.ge [sflag:s20], $0x30D4  }
0x11d: {  	[sflag:s20] =	ssyncset.done $0x0  }
0x11e: {  	s15 =	simm.s32 $0xC80;
	[sflag:s20] =	ssyncadd.s32 $0xFFFFCF2C  }
0x11f: {  	_ =	sfence.sel $0x180000  }
0x120: {  	[bflag:$0x0] =	sbarrier.arrive $0xFFFF  }
0x121: {  	_ =	strace $0x9000004D  }
0x122: {  	s0 =	stileid.u32;
	[bflag:$0x2] =	sbarrier.arrive $0xFFFF  }
0x123: {  	p0 =	sne.s32 s0, $0x0;
	s0 =	rddreg [dreg:$0x2]  }
0x124: {  	s0 =	sadd.s32 @!p0 $0x100000, s0  }
0x125: {  	[sflag:s0] =	ssyncadd.tile.s32 @!p0 $0x1;
	_ =	shalt  }
.Lfunc_end2:
_tile_overlayer_lowered:
.L_overlay_start_2:
0x126: {  	(tag) =	ssettag $0x2  }
0x127: {  	s0 =	rddreg [dreg:$0x0];
	s2 =	stileid.u32  }
0x128: {  	s1 =	rddreg [dreg:$0x1];
	p0 =	sne.s32 s2, $0x0  }
0x129: {  	s3 =	rddreg [dreg:$0x2];
	[bflag:$0x3] =	sbarrier.arrive $0xFFFF;
	s2 =	simm.s32 @!p0 $0x1C03  }
0x12a: {  	[timem:s3], [sflag:s2] =	dma.local @!p0 [hbm:s0], s1  }
0x12b: {  	s0 =	simm.s32 @!p0 $0x3  }
0x12c: {  	_ =	swait.ge @!p0 [sflag:s0], s1  }
0x12d: {  	s1 =	ssub.s32 @!p0 $0x0, s1;
	[sflag:s0] =	ssyncset.done @!p0 $0x0  }
0x12e: {  	[sflag:s0] =	ssyncadd.s32 @!p0 s1  }
0x12f: {  	[bflag:$0x3] =	sbarrier.arrive $0xFFFF  }
0x130: {  	_ =	shalt  }

// kernel: kernel.9.cloned.1.call-start
scs
__scs_entry_jumppad:
0x0: {  	(pc) =	sbr.rel $0x88, $3  }
0x1: {  	(tag) =	ssettag $0x0;
	lr =	simm.s32 $0x1  }
0x2: {  	[smem:$0x3F87] =	sst lr;
	_ =	strace $0xD0000000  }
0x3: {  	_ = 	snop  }
0x4: {  	_ = 	snop  }
0x5: {  	_ = 	snop  }
0x6: {  	_ = 	snop  }
0x7: {  	_ = 	snop  }
__scs_overlays_trampoline_lowered:
0x8: {  	[smem:$0x3F96] =	sst s0  }
0x9: {  	[smem:$0x3F97] =	sst s1  }
0xa: {  	[smem:$0x3F98] =	sst s2  }
0xb: {  	[smem:$0x3F99] =	sst s3  }
0xc: {  	[smem:$0x3F9A] =	sst s4  }
0xd: {  	[smem:$0x3F9B] =	sst s5  }
0xe: {  	[smem:$0x3F9C] =	sst s6  }
0xf: {  	[smem:$0x3F9D] =	sst s7  }
0x10: {  	[smem:$0x3F9E] =	sst s8  }
0x11: {  	[smem:$0x3F9F] =	sst s9;
	s0 =	simm.s32 @!p0 $0x0  }
0x12: {  	s1 =	sld [smem:$0x3F85];
	s0 =	simm.s32 @p0 $0x1  }
0x13: {  	[smem:$0x3FA0] =	sst s0;
	s0 =	simm.s32 @!p1 $0x0  }
0x14: {  	s2 =	sld [smem:$0x3F84];
	s0 =	simm.s32 @p1 $0x1  }
0x15: {  	[smem:$0x3FA1] =	sst s0;
	s0 =	simm.s32 @!p2 $0x0  }
0x16: {  	s3 =	sld [smem:$0x3FDB];
	s0 =	simm.s32 @p2 $0x1  }
0x17: {  	s4 =	simm.s32 $0x1BF5;
	[smem:$0x3FA3] =	sst s0  }
0x18: {  	s0 =	sld [smem:$0x3F86];
	_ =	swait.ge [sflag:s4], $0x0  }
0x19: {  	s7 =	sld [smem:$0x3F87]  }
0x1a: {  	s8 =	sadd.s32 $0xFFFFE003, lr  }
0x1b: {  	s9 =	sadd.s32 $0xFFFFFEF7, lr;
	s5 =	simm.s32 $0xFFFFFFFF;
	p2 =	slt.u32 s8, $0xFFFFF086  }
0x1c: {  	p1 =	slt.u32 s9, $0xF7A;
	s5 =	simm.s32 @!p2 $0x0  }
0x1d: {  	s5 =	simm.s32 @p1 $0x1;
	p0 =	seq.s32 s7, s2  }
0x1e: {  	s7 =	smul.u32 @!p0 $0xF7A, s2;
	p2 =	seq.s32 @!p0 s5, $0x0  }
0x1f: {  	s9 =	smul.u32 $0xF7A, s1;
	s8 =	simm.s32 @!p0 $0x1BF5;
	p2 =	por !p2, p0  }
0x20: {  	[sflag:s8] =	ssyncset.s32 @!p0 $0xFFFFF086;
	s6 =	sadd.s32 @!p0 s3, s7;
	s7 =	simm.s32 @!p0 $0x108  }
0x21: {  	s3 =	sadd.s32 s3, s9;
	s6 =	sadd.s32 @!p0 $0x88, s6;
	s7 =	simm.s32 @p2 $0x1082  }
0x22: {  	[simem:s7], [sflag:s8] =	dma.local @!p0 [hbm:s6], $0xF7A  }
0x23: {  	s9 =	sor.u32 $0xD0000000, s2;
	s6 =	simm.s32 $0x108;
	_ =	swait.ge @!p0 [sflag:s8], $0x0  }
0x24: {  	s3 =	sadd.s32 $0x88, s3;
	s6 =	simm.s32 @!p1 $0x1082;
	[sflag:s4] =	ssyncset.s32 $0xFFFFF086  }
0x25: {  	[simem:s6], [sflag:s4] =	dma.local [hbm:s3], $0xF7A  }
0x26: {  	[smem:$0x3F87] =	sst s1;
	(tag) =	ssettag s2;
	_ =	strace s9  }
0x27: {  	s1 =	sld [smem:$0x3F97]  }
0x28: {  	s2 =	sld [smem:$0x3F98]  }
0x29: {  	s4 =	sld [smem:$0x3F9A]  }
0x2a: {  	p0 =	seq.s32 s5, $0x0;
	s5 =	sld [smem:$0x3F9B]  }
0x2b: {  	s6 =	sld [smem:$0x3F9C]  }
0x2c: {  	s7 =	sld [smem:$0x3F9D]  }
0x2d: {  	s3 =	simm.s32 $0x108;
	s8 =	sld [smem:$0x3F9E]  }
0x2e: {  	s3 =	simm.s32 @!p0 $0x1082;
	s9 =	sld [smem:$0x3F9F]  }
0x2f: {  	lr =	sadd.s32 s0, s3;
	s0 =	sld [smem:$0x3F96]  }
0x30: {  	s3 =	sld [smem:$0x3F99]  }
0x31: {  	[smem:$0x3FA2] =	sst s10  }
0x32: {  	s10 =	sld [smem:$0x3FA0];
	_ =	sdelay $0x3  }
0x33: {  	p0 =	seq.s32 s10, $0x1;
	s10 =	sld [smem:$0x3FA2];
	_ =	sdelay $0x3  }
0x34: {  	[smem:$0x3FA2] =	sst s10  }
0x35: {  	s10 =	sld [smem:$0x3FA1];
	_ =	sdelay $0x3  }
0x36: {  	p1 =	seq.s32 s10, $0x1;
	s10 =	sld [smem:$0x3FA2];
	_ =	sdelay $0x3  }
0x37: {  	[smem:$0x3FA2] =	sst s10  }
0x38: {  	s10 =	sld [smem:$0x3FA3]  }
0x39: {  	_ = 	snop;
	(pc) =	sbr.ind lr, $3  }
0x3a: {  	_ = 	snop  }
0x3b: {  	_ = 	snop  }
0x3c: {  	p2 =	seq.s32 s10, $0x1;
	s10 =	sld [smem:$0x3FA2]  }
0x3d: {  	_ =	shalt  }
0x3e: {  	_ =	shalt  }
0x3f: {  	_ =	shalt  }
0x40: {  	_ =	shalt  }
0x41: {  	_ =	shalt  }
0x42: {  	_ =	shalt  }
0x43: {  	_ =	shalt  }
0x44: {  	_ =	shalt  }
0x45: {  	_ =	shalt  }
0x46: {  	_ =	shalt  }
0x47: {  	_ =	shalt  }
0x48: {  	_ =	shalt  }
0x49: {  	_ =	shalt  }
0x4a: {  	_ =	shalt  }
0x4b: {  	_ =	shalt  }
0x4c: {  	_ =	shalt  }
0x4d: {  	_ =	shalt  }
0x4e: {  	_ =	shalt  }
0x4f: {  	_ =	shalt  }
0x50: {  	_ =	shalt  }
0x51: {  	_ =	shalt  }
0x52: {  	_ =	shalt  }
0x53: {  	_ =	shalt  }
0x54: {  	_ =	shalt  }
0x55: {  	_ =	shalt  }
0x56: {  	_ =	shalt  }
0x57: {  	_ =	shalt  }
0x58: {  	_ =	shalt  }
0x59: {  	_ =	shalt  }
0x5a: {  	_ =	shalt  }
0x5b: {  	_ =	shalt  }
0x5c: {  	_ =	shalt  }
0x5d: {  	_ =	shalt  }
0x5e: {  	_ =	shalt  }
0x5f: {  	_ =	shalt  }
0x60: {  	_ =	shalt  }
0x61: {  	_ =	shalt  }
0x62: {  	_ =	shalt  }
0x63: {  	_ =	shalt  }
0x64: {  	_ =	shalt  }
0x65: {  	_ =	shalt  }
0x66: {  	_ =	shalt  }
0x67: {  	_ =	shalt  }
0x68: {  	_ =	shalt  }
0x69: {  	_ =	shalt  }
0x6a: {  	_ =	shalt  }
0x6b: {  	_ =	shalt  }
0x6c: {  	_ =	shalt  }
0x6d: {  	_ =	shalt  }
0x6e: {  	_ =	shalt  }
0x6f: {  	_ =	shalt  }
0x70: {  	_ =	shalt  }
0x71: {  	_ =	shalt  }
0x72: {  	_ =	shalt  }
0x73: {  	_ =	shalt  }
0x74: {  	_ =	shalt  }
0x75: {  	_ =	shalt  }
0x76: {  	_ =	shalt  }
0x77: {  	_ =	shalt  }
0x78: {  	_ =	shalt  }
0x79: {  	_ =	shalt  }
0x7a: {  	_ =	shalt  }
0x7b: {  	_ =	shalt  }
0x7c: {  	_ =	shalt  }
0x7d: {  	_ =	shalt  }
0x7e: {  	_ =	shalt  }
0x7f: {  	_ =	shalt  }
0x80: {  	_ =	shalt  }
0x81: {  	_ =	shalt  }
0x82: {  	_ =	shalt  }
0x83: {  	_ =	shalt  }
0x84: {  	_ =	shalt  }
0x85: {  	_ =	shalt  }
0x86: {  	_ =	shalt  }
0x87: {  	_ =	shalt  }
.Lfunc_end0:
.L_simem_size_0:
called_computation_lowered:
.L_overlay_start_0:
0x88: {  	s2 =	sld [smem:$0x3FD9]  }
0x89: {  	s3 =	sld [smem:$0x3FFE];
	_ =	sdelay $0x1  }
0x8a: {  	s1 =	srdreg.scid  }
0x8b: {  	s0 =	sand.u32 $0x1, s1  }
0x8c: {  	s16 =	sshll.u32 s0, $0xA;
	s2 =	sadd.s32 s3, s2  }
0x8d: {  	s2 =	sadd.s32 s2, s16  }
0x8e: {  	[smem:$0x3FAE] =	sst s2  }
0x8f: {  	_ = 	snop  }
0x90: {  	(tm) =	ssettm $0x1  }
0x91: {  	s17 =	sld [smem:$0x3FFB];
	_ =	sdelay $0x3  }
0x92: {  	_ =	strace s17  }
0x93: {  	s2 =	sld [smem:$0x3FFC];
	_ =	sdelay $0x3  }
0x94: {  	_ =	strace s2  }
0x95: {  	s2 =	sld [smem:$0x3FFD];
	_ =	sdelay $0x3  }
0x96: {  	_ =	strace s2  }
0x97: {  	_ =	strace $0x8FFFFFFF  }
0x98: {  	s18 =	sld [smem:$0x3FDB];
	_ =	sdelay $0x1  }
0x99: {  	s19 =	simm.s32 $_scs_section_size  }
0x9a: {  	s4 =	simm.s32 $_size__tile_overlayer_lowered;
	s5 =	simm.s32 $_tile_overlayer_lowered  }
0x9b: {  	s22 =	simm.s32 $0x1BFF;
	s21 =	sshll.u32 s5, $0x1;
	s2 =	sadd.s32 s19, s18  }
0x9c: {  	s6 =	simm.s32 $0x0;
	s20 =	sshll.u32 s4, $0x1;
	s4 =	sadd.s32 s21, s2  }
0x9d: {  	[timem:s6], [sflag:s22] =	dma.local [hbm:s4], s20  }
0x9e: {  	_ =	swait.ge [sflag:s22], s20  }
0x9f: {  	s3 =	ssub.s32 $0x0, s20;
	[sflag:s22] =	ssyncset.done $0x0  }
0xa0: {  	[sflag:s22] =	ssyncadd.s32 s3;
	_ =	sdelay $0x1  }
0xa1: {  	s23 =	simm.s32 $0x1B8B  }
0xa2: {  	_ =	swait.ge [sflag:s23], $0x1  }
0xa3: {  	[sflag:s23] =	ssyncset.done $0x0  }
0xa4: {  	s25 =	simm.s32 $0x1B8E;
	s24 =	sld [smem:$0x3FFE];
	[sflag:s23] =	ssyncadd.s32 $0xFFFFFFFF  }
0xa5: {  	s26 =	simm.s32 $execute0_lowered;
	[smem:$0x3FD2] =	sst s25  }
0xa6: {  	s4 =	sshll.u32 s26, $0x1;
	_ =	strace $0x80000046;
	[dreg:$0x1] =	wrdreg $0xFFFFFFFF  }
0xa7: {  	s28 =	simm.s32 $_size_execute0_lowered;
	s2 =	sadd.s32 s2, s4;
	[dreg:$0x0] =	wrdreg $0x0  }
0xa8: {  	s4 =	sshll.u32 s28, $0x1;
	[dreg:$0x2] =	wrdreg s2  }
0xa9: {  	[dreg:$0x3] =	wrdreg s4  }
0xaa: {  	[dreg:$0x4] =	wrdreg $0xC0  }
0xab: {  	_ =	task [dreg:s6], $0x5FFFF  }
0xac: {  	[dreg:$0x1] =	wrdreg $0xFFFFFFFF  }
0xad: {  	[dreg:$0x0] =	wrdreg $0x60  }
0xae: {  	[dreg:$0x2] =	wrdreg s24  }
0xaf: {  	[dreg:$0x3] =	wrdreg $0x2D000  }
0xb0: {  	[dreg:$0x4] =	wrdreg $0x9  }
0xb1: {  	_ =	task.clear_ibuf [dreg:s6], $0x5FFFF;
	_ =	strace $0x90000046  }
0xb2: {  	s29 =	simm.s32 $0x9;
	_ =	strace $0x80000048  }
0xb3: {  	_ =	swait.ge [sflag:s29], $0x1  }
0xb4: {  	[sflag:s29] =	ssyncadd.s32 $0xFFFFFFFF  }
0xb5: {  	_ =	strace $0x90000048  }
0xb6: {  	_ =	sfence  }
0xb7: {  	s30 =	sld [smem:$0x0];
	_ =	sdelay $0x2  }
0xb8: {  	s31 =	sshll.u32 s1, $0xD;
	s1 =	sshrl.u32 s1, $0x2  }
0xb9: {  	s3 =	sand.u32 $0x4000, s31;
	s1 =	sadd.s32 s1, s30  }
0xba: {  	s0 =	sor.u32 s3, s0;
	s1 =	sshll.u32 s1, $0x11  }
0xbb: {  	s0 =	sor.u32 s1, s0  }
0xbc: {  	s0 =	sadd.s32 $0x8F2B, s0  }
0xbd: {  	[sflag:s0] =	ssyncadd.remote.s32 $0x1  }
0xbe: {  	_ =	sfence.sel $0xFFFF  }
0xbf: {  	[dreg:$0x0] =	wrdreg $0xFFFFFFFF;
	(pc) =	sbr.abs _section_cstart, $3  }
0xc0: {  	[dreg:$0x1] =	wrdreg $0xFFFFFFFF  }
0xc1: {  	_ =	task.clear_ibuf [dreg:s6], $0x2FFFF;
	_ =	strace $0x9FFFFFFF  }
0xc2: {  	(tm) =	ssettm $0x7FFFFFFF  }
0xc3: {  	_ =	shalt  }
tec
execute0_lowered:
.L_overlay_start_1:
0x0: {  	(tag) =	ssettag $0x1  }
0x1: {  	s4 =	rddreg [dreg:$0x0]  }
0x2: {  	s2 =	rddreg [dreg:$0x1]  }
0x3: {  	s0 =	srdreg.scid;
	s1 =	rddreg [dreg:$0x2]  }
0x4: {  	s3 =	simm.s32 $0x0;
	s15 =	simm.s32 $0x1;
	s5 =	sand.u32 $0x1, s0  }
0x5: {  	s16 =	simm.s32 $0x1480;
	s0 =	stileid.u32;
	s6 =	smul.u32 $0xC800, s5  }
0x6: {  	s17 =	simm.s32 $0x80;
	s18 =	simm.s32 $0xC80;
	s7 =	smul.u32 $0xC80, s0  }
0x7: {  	s20 =	simm.s32 $0x0;
	[smem:$0x7FF] =	sst s3;
	s8 =	smul.u32 $0xC400, s0  }
0x8: {  	s31 =	smul.u32 $0xC4000, s5;
	_ =	strace $0x80000047;
	s5 =	ssub.s32 $0x2, s5  }
0x9: {  	s9 =	smul.u32 $0x31000, s0;
	s19 =	sshll.u32 s0, $0x6;
	s10 =	sshrl.u32 s5, $0x1  }
0xa: {  	s19 =	sor.u32 $0x1C01, s19;
	s6 =	sadd.s32 s7, s6;
	s7 =	sadd.s32 s8, s31  }
0xb: {  	s9 =	sshrl.u32 s9, $0x2;
	s14 =	ssub.s32 s5, s10;
	s5 =	sadd.s32 s8, s2  }
0xc: {  	s6 =	sshrl.u32 s6, $0x3;
	s7 =	sshrl.u32 s7, $0x3;
	s12 =	sadd.s32 s9, s2  }
0xd: {  	s14 =	smax.u32 s14, $0x1;
	s6 =	sadd.s32 s6, s4;
	s13 =	sadd.s32 s7, s4  }
0xe: {  	s7 =	sadd.s32 $0x3100, s12;
	s8 =	sadd.s32 $0x4980, s12;
	s9 =	sadd.s32 $0x6200, s12  }
0xf: {  	s10 =	sadd.s32 $0x7A80, s12;
	s11 =	sadd.s32 $0x9300, s12;
	s4 =	sadd.s32 $0x5E00, s6  }
0x10: {  	v0 =	vimm.f32 $1.000000000e+00;
	v1 =	vimm.f32 $0.0e+00;
	s6 =	sadd.s32 $0x1880, s12;
	s12 =	sadd.s32 $0xAB80, s12;
	s13 =	sadd.s32 $0x9000, s13  }
.LBB2_1:
0x11: {  	[tilespmem:s3], [sflag:$0x1] =	stream.linear.gather [hbm4b:s4+s3], $0xC80, $0x38;
	[tilespmem:$0xF100] =	vst v63  }
0x12: {  	_ =	swait.ge [sflag:s15], $0xC80  }
0x13: {  	[sflag:s15] =	ssyncset.done $0x0  }
0x14: {  	s21 =	simm.s32 $0x0;
	[sflag:s15] =	ssyncadd.s32 $0xFFFFF380  }
.LBB2_2:
0x15: {  	p0 =	sne.s32 s21, $0x1FC0  }
.Ltmp0:
0x16: {  	_ = 	snop;
	(pc) =	sbr.rel @p0 .LBB2_2-.Ltmp0, $3  }
0x17: {  	_ =	sdelay $0x1  }
0x18: {  	s22 =	sshra.s32 s21, $0x2  }
0x19: {  	s21 =	sadd.s32 $0x40, s21;
	[tilespmem:s22+$0xC80] =	vst v0  }
0x1a: {  	s21 =	simm.s32 $0x40;
	s22 =	simm.s32 $0x0  }
.LBB2_4:
0x1b: {  	p0 =	sne.s32 s21, $0x61C0;
	[tilespmem:s22+$0x1480] =	vst v1;
	s22 =	smov.u32 s21;
	s21 =	sadd.s32 $0x40, s21  }
.Ltmp1:
0x1c: {  	(pc) =	sbr.rel @p0 .LBB2_4-.Ltmp1, $2  }
0x1d: {  	_ =	sdelay $0x2  }
0x1e: {  	s22 =	sshra.s32 s22, $0x2  }
0x1f: {  	[tilespmem:s22+$0x1480] =	vst v1  }
0x20: {  	[spmem:s5] =	stream.linear.scatter [tilespmem:s16], [sflag:$0x1], $0x1880, $0x38;
	[tilespmem:$0xF100] =	vst v63  }
0x21: {  	_ =	swait.ge [sflag:s15], $0x1880  }
0x22: {  	[sflag:s15] =	ssyncset.done $0x0  }
0x23: {  	[sflag:s15] =	ssyncadd.s32 $0xFFFFE780  }
0x24: {  	[spmem:s6] =	stream.linear.scatter [tilespmem:s16], [sflag:$0x1], $0x1880, $0x38;
	[tilespmem:$0xF100] =	vst v63  }
0x25: {  	_ =	swait.ge [sflag:s15], $0x1880  }
0x26: {  	[sflag:s15] =	ssyncset.done $0x0  }
0x27: {  	[sflag:s15] =	ssyncadd.s32 $0xFFFFE780  }
0x28: {  	[spmem:s7] =	stream.linear.scatter [tilespmem:s16], [sflag:$0x1], $0x1880, $0x38;
	[tilespmem:$0xF100] =	vst v63  }
0x29: {  	_ =	swait.ge [sflag:s15], $0x1880  }
0x2a: {  	[sflag:s15] =	ssyncset.done $0x0  }
0x2b: {  	[sflag:s15] =	ssyncadd.s32 $0xFFFFE780  }
0x2c: {  	[spmem:s8] =	stream.linear.scatter [tilespmem:s16], [sflag:$0x1], $0x1880, $0x38;
	[tilespmem:$0xF100] =	vst v63  }
0x2d: {  	_ =	swait.ge [sflag:s15], $0x1880  }
0x2e: {  	[sflag:s15] =	ssyncset.done $0x0  }
0x2f: {  	[sflag:s15] =	ssyncadd.s32 $0xFFFFE780  }
0x30: {  	[spmem:s9] =	stream.linear.scatter [tilespmem:s16], [sflag:$0x1], $0x1880, $0x38;
	[tilespmem:$0xF100] =	vst v63  }
0x31: {  	_ =	swait.ge [sflag:s15], $0x1880  }
0x32: {  	[sflag:s15] =	ssyncset.done $0x0  }
0x33: {  	[sflag:s15] =	ssyncadd.s32 $0xFFFFE780  }
0x34: {  	[spmem:s10] =	stream.linear.scatter [tilespmem:s16], [sflag:$0x1], $0x1880, $0x38;
	[tilespmem:$0xF100] =	vst v63  }
0x35: {  	_ =	swait.ge [sflag:s15], $0x1880  }
0x36: {  	[sflag:s15] =	ssyncset.done $0x0  }
0x37: {  	[sflag:s15] =	ssyncadd.s32 $0xFFFFE780  }
0x38: {  	[spmem:s11] =	stream.linear.scatter [tilespmem:s16], [sflag:$0x1], $0x1880, $0x38;
	[tilespmem:$0xF100] =	vst v63  }
0x39: {  	_ =	swait.ge [sflag:s15], $0x1880  }
0x3a: {  	[sflag:s15] =	ssyncset.done $0x0  }
0x3b: {  	[sflag:s15] =	ssyncadd.s32 $0xFFFFE780  }
0x3c: {  	[spmem:s12] =	stream.linear.scatter [tilespmem:s16], [sflag:$0x1], $0x1880, $0x38;
	[tilespmem:$0xF100] =	vst v63  }
0x3d: {  	_ =	swait.ge [sflag:s15], $0x1880  }
0x3e: {  	[sflag:s15] =	ssyncset.done $0x0  }
0x3f: {  	[sflag:s15] =	ssyncadd.s32 $0xFFFFE780  }
0x40: {  	s21 =	simm.s32 $0x0;
	[bflag:$0x0] =	sbarrier.arrive $0xFFFF  }
0x41: {  	[spmem:s2] =	stream.indirect.scatter.add.f32 [tilespmem:s18], [sflag:$0x1], $0x10, s21, s17, $0xb8;
	[tilespmem:$0xF100] =	vst v63  }
0x42: {  	_ =	swait.ge [sflag:s15], $0x800  }
0x43: {  	s21 =	simm.s32 $0x200;
	[sflag:s15] =	ssyncset.done $0x0  }
.LBB2_6:
0x44: {  	s22 =	sshra.s32 s21, $0x2;
	[sflag:s15] =	ssyncadd.s32 $0xFFFFF800;
	p0 =	sne.s32 s21, $0x3000  }
0x45: {  	[spmem:s2] =	stream.indirect.scatter.add.f32 [tilespmem:s18], [sflag:$0x1], $0x10, s22, s17, $0xb8;
	[tilespmem:$0xF100] =	vst v63  }
.Ltmp2:
0x46: {  	_ = 	snop;
	(pc) =	sbr.rel @p0 .LBB2_6-.Ltmp2, $4  }
0x47: {  	_ = 	snop  }
0x48: {  	s21 =	sadd.s32 $0x200, s21  }
0x49: {  	_ =	swait.ge [sflag:s15], $0x800  }
0x4a: {  	[sflag:s15] =	ssyncset.done $0x0  }
0x4b: {  	s20 =	sadd.s32 $0x1, s20  }
0x4c: {  	[sflag:s15] =	ssyncadd.s32 $0xFFFFF800;
	p0 =	sne.s32 s20, s14  }
.Ltmp3:
0x4d: {  	s21 =	sshrl.u32 s5, $0x3;
	[bflag:$0x0] =	sbarrier.arrive $0xFFFF;
	(pc) =	sbr.rel @p0 .LBB2_1-.Ltmp3, $4  }
0x4e: {  	[hbm:s13], [sflag:s19] =	dma.local [spmem:s21], $0x1880  }
0x4f: {  	_ =	swait.ge [sflag:s15], $0x1880  }
0x50: {  	[sflag:s15] =	ssyncset.done $0x0  }
0x51: {  	[sflag:s15] =	ssyncadd.s32 $0xFFFFE780  }
0x52: {  	_ =	sfence.sel $0x180000  }
0x53: {  	[bflag:$0x0] =	sbarrier.arrive $0xFFFF  }
0x54: {  	p0 =	sne.s32 s0, $0x0;
	_ =	strace $0x90000047  }
0x55: {  	s0 =	sadd.s32 @!p0 $0x100000, s1;
	[bflag:$0x2] =	sbarrier.arrive $0xFFFF  }
0x56: {  	[sflag:s0] =	ssyncadd.tile.s32 @!p0 $0x1;
	_ =	shalt  }
.Lfunc_end2:
_tile_overlayer_lowered:
.L_overlay_start_2:
0x57: {  	(tag) =	ssettag $0x2  }
0x58: {  	s0 =	rddreg [dreg:$0x0];
	s2 =	stileid.u32  }
0x59: {  	s1 =	rddreg [dreg:$0x1];
	p0 =	sne.s32 s2, $0x0  }
0x5a: {  	s3 =	rddreg [dreg:$0x2];
	[bflag:$0x3] =	sbarrier.arrive $0xFFFF;
	s2 =	simm.s32 @!p0 $0x1C01  }
0x5b: {  	[timem:s3], [sflag:s2] =	dma.local @!p0 [hbm:s0], s1  }
0x5c: {  	s0 =	simm.s32 @!p0 $0x1  }
0x5d: {  	_ =	swait.ge @!p0 [sflag:s0], s1  }
0x5e: {  	s1 =	ssub.s32 @!p0 $0x0, s1;
	[sflag:s0] =	ssyncset.done @!p0 $0x0  }
0x5f: {  	[sflag:s0] =	ssyncadd.s32 @!p0 s1  }
0x60: {  	[bflag:$0x3] =	sbarrier.arrive $0xFFFF  }
0x61: {  	_ =	shalt  }

</sc_bundles>
